<compile_context>
chip_gen: v7x
topology: tpu7x:2x2x1
jax: 0.10.2.dev20260603
libtpu: 0.0.44.dev20260713+nightly
codegen_flags: <defaults>
</compile_context>

<pallas_src>
import functools

import jax
import jax.numpy as jnp
from jax import lax
from jax.experimental import pallas as pl
from jax.experimental.pallas import tpu as pltpu
from jax.experimental.pallas import tpu_sc as plsc

HS = 300000
D = 64
NC = 2
NS = 16
L = 16
NW = NC * NS
INV_HS = 1.0 / HS
SEQ = 200
CHUNK = 400
GW = 80
NG = CHUNK // GW
NSLOT = 4


def _mod_hs(x):
    q = (x.astype(jnp.float32) * INV_HS).astype(jnp.int32)
    r = x - q * HS
    r = jnp.where(r >= HS, r - HS, r)
    r = jnp.where(r < 0, r + HS, r)
    return r


@functools.cache
def _make_kernel(B):
    n_per_w = B // NW
    n_chunks = n_per_w // CHUNK
    assert n_chunks % NSLOT == 0 and CHUNK % SEQ == 0
    mesh = plsc.VectorSubcoreMesh(core_axis_name="c", subcore_axis_name="s")

    scratch = [pltpu.VMEM((CHUNK + L,), jnp.int32)]
    for _ in range(NSLOT):
        scratch += [pltpu.VMEM((CHUNK,), jnp.int32),
                    pltpu.VMEM((CHUNK,), jnp.int32),
                    pltpu.VMEM((CHUNK, D), jnp.float32)]
    scratch += [pltpu.SemaphoreType.DMA] * (3 * NSLOT)

    @functools.partial(
        pl.kernel,
        out_type=jax.ShapeDtypeStruct((B, D), jnp.float32),
        mesh=mesh,
        compiler_params=pltpu.CompilerParams(use_tc_tiling_on_sc=False),
        scratch_types=scratch,
    )
    def k(ids_hbm, uni_hbm, bi_hbm, out_hbm, idsp, *rest):
        bufs = rest[:3 * NSLOT]
        sems = rest[3 * NSLOT:]
        slots = tuple(
            (bufs[3 * p], bufs[3 * p + 1], bufs[3 * p + 2],
             sems[3 * p], sems[3 * p + 1], sems[3 * p + 2])
            for p in range(NSLOT))
        wid = lax.axis_index("s") * NC + lax.axis_index("c")
        base_w = wid * n_per_w
        iota16 = lax.iota(jnp.int32, 16)

        def compute_idx(j, uidx, bidx):
            base = base_w + j * CHUNK
            pltpu.sync_copy(ids_hbm.at[pl.ds(base, CHUNK)],
                            idsp.at[pl.ds(L, CHUNK)])

            @pl.loop(0, CHUNK, step=L)
            def _(m):
                ids16 = idsp[pl.ds(m + L, L)]
                prev16 = idsp[pl.ds(m + L - 1, L)]
                p = iota16 + m
                p = jnp.where(p >= 2 * SEQ, p - 2 * SEQ, p)
                p = jnp.where(p >= SEQ, p - SEQ, p)
                prev16 = jnp.where(p == 0, 0, prev16)
                sl = pl.ds(m, L)
                uidx[sl] = _mod_hs(ids16)
                bidx[sl] = _mod_hs(_mod_hs(prev16) * 31 + ids16)

        def fire_uni(uidx, buf, sem):
            for t in range(NG):
                pltpu.async_copy(uni_hbm.at[uidx.at[pl.ds(t * GW, GW)]],
                                 buf.at[pl.ds(t * GW, GW)], sem)

        def fire_bi_add(bidx, buf, sem):
            return [pltpu.async_copy(bi_hbm.at[bidx.at[pl.ds(t * GW, GW)]],
                                     buf.at[pl.ds(t * GW, GW)], sem, add=True)
                    for t in range(NG)]

        def drain_gathers(buf, sem):
            pltpu.make_async_copy(uni_hbm.at[pl.ds(0, CHUNK)], buf, sem).wait()

        def drain_write(buf, sw):
            pltpu.make_async_copy(buf, out_hbm.at[pl.ds(0, CHUNK)], sw).wait()

        for jj in range(2):
            uidx, bidx, buf, su, sb, sw = slots[jj]
            compute_idx(jj, uidx, bidx)
            fire_uni(uidx, buf, su)

        @pl.loop(0, n_chunks, step=NSLOT)
        def _(j):
            for p in range(NSLOT):
                uidx, bidx, buf, su, sb, sw = slots[p]
                pn = (p + 2) % NSLOT
                uidx_n, bidx_n, buf_n, su_n, sb_n, sw_n = slots[pn]
                jj = j + p

                drain_gathers(buf, su)
                cps_b = fire_bi_add(bidx, buf, sb)

                @pl.when(jj + 2 < n_chunks)
                def _():
                    @pl.when(jj >= 2)
                    def _():
                        drain_write(buf_n, sw_n)
                    compute_idx(jj + 2, uidx_n, bidx_n)
                    fire_uni(uidx_n, buf_n, su_n)

                for cp in cps_b:
                    cp.wait()
                base = base_w + jj * CHUNK
                pltpu.async_copy(buf, out_hbm.at[pl.ds(base, CHUNK)], sw)

        for p in range(NSLOT):
            uidx, bidx, buf, su, sb, sw = slots[p]
            drain_write(buf, sw)

    return k


def kernel(input_ids, unigram_table, bigram_table):
    bt, s = input_ids.shape
    ids = input_ids.astype(jnp.int32)
    b = bt * s
    out = _make_kernel(b)(ids.reshape(b), unigram_table, bigram_table)
    return out.reshape(bt, s, D)

# --- scband reference (transcript-rebuilt; emitter-appended) ---
"""Pipeline reference for scband-bigram-hash-embedding-61409442398423 (READ-ONLY COPY).

The authoritative reference and input builder live on the scoring server;
editing this copy changes nothing except your own understanding.
"""

import jax, jax.numpy as jnp
import numpy as np

HASH_SIZE = 300000
DIM = 64
VOCAB = 1000000
BATCH = 4096
SEQLEN = 200
INIT_STD = 0.02


def setup_inputs(seed: int = 0) -> dict:
    key = jax.random.key(seed)
    k_ids, k_uni, k_bi = jax.random.split(key, 3)
    input_ids = jax.random.randint(k_ids, (BATCH, SEQLEN), 0, VOCAB, dtype=jnp.int64 if jax.config.jax_enable_x64 else jnp.int32)
    input_ids = input_ids.astype(jnp.int32)
    unigram_table = jax.random.normal(k_uni, (HASH_SIZE, DIM), dtype=jnp.float32) * INIT_STD
    bigram_table = jax.random.normal(k_bi, (HASH_SIZE, DIM), dtype=jnp.float32) * INIT_STD
    return {"input_ids": input_ids, "unigram_table": unigram_table, "bigram_table": bigram_table}


def reference(input_ids, unigram_table, bigram_table):
    hs = HASH_SIZE
    ids = input_ids.astype(jnp.int32)
    prev_ids = jnp.zeros_like(ids)
    prev_ids = prev_ids.at[:, 1:].set(ids[:, :-1])
    uni_idx = jnp.mod(ids, hs)
    bigram_idx = jnp.mod(prev_ids * 31 + ids, hs)
    uni_emb = jnp.take(unigram_table, uni_idx, axis=0)
    bi_emb = jnp.take(bigram_table, bigram_idx, axis=0)
    return uni_emb + bi_emb

if __name__ == "__main__":
    import jax
    _d = setup_inputs()
    print(jax.jit(kernel)(*tuple(_d.values())))

</pallas_src>

<mosaic_0001>
#map = affine_map<(d0, d1) -> (0)>
#map1 = affine_map<(d0, d1) -> (0, 0)>
module attributes {stable_mosaic.version = 14 : i64} {
  func.func @k(%arg0: i32, %arg1: i32, %arg2: memref<819200xi32, #tpu.memory_space<hbm>>, %arg3: memref<300000x64xf32, #tpu.memory_space<hbm>>, %arg4: memref<300000x64xf32, #tpu.memory_space<hbm>>, %arg5: memref<819200x64xf32, #tpu.memory_space<hbm>>, %arg6: memref<416xi32, #tpu.memory_space<vmem>>, %arg7: memref<400xi32, #tpu.memory_space<vmem>>, %arg8: memref<400xi32, #tpu.memory_space<vmem>>, %arg9: memref<400x64xf32, #tpu.memory_space<vmem>>, %arg10: memref<400xi32, #tpu.memory_space<vmem>>, %arg11: memref<400xi32, #tpu.memory_space<vmem>>, %arg12: memref<400x64xf32, #tpu.memory_space<vmem>>, %arg13: memref<400xi32, #tpu.memory_space<vmem>>, %arg14: memref<400xi32, #tpu.memory_space<vmem>>, %arg15: memref<400x64xf32, #tpu.memory_space<vmem>>, %arg16: memref<400xi32, #tpu.memory_space<vmem>>, %arg17: memref<400xi32, #tpu.memory_space<vmem>>, %arg18: memref<400x64xf32, #tpu.memory_space<vmem>>, %arg19: memref<!tpu.dma_semaphore, #tpu.memory_space<semaphore_mem>>, %arg20: memref<!tpu.dma_semaphore, #tpu.memory_space<semaphore_mem>>, %arg21: memref<!tpu.dma_semaphore, #tpu.memory_space<semaphore_mem>>, %arg22: memref<!tpu.dma_semaphore, #tpu.memory_space<semaphore_mem>>, %arg23: memref<!tpu.dma_semaphore, #tpu.memory_space<semaphore_mem>>, %arg24: memref<!tpu.dma_semaphore, #tpu.memory_space<semaphore_mem>>, %arg25: memref<!tpu.dma_semaphore, #tpu.memory_space<semaphore_mem>>, %arg26: memref<!tpu.dma_semaphore, #tpu.memory_space<semaphore_mem>>, %arg27: memref<!tpu.dma_semaphore, #tpu.memory_space<semaphore_mem>>, %arg28: memref<!tpu.dma_semaphore, #tpu.memory_space<semaphore_mem>>, %arg29: memref<!tpu.dma_semaphore, #tpu.memory_space<semaphore_mem>>, %arg30: memref<!tpu.dma_semaphore, #tpu.memory_space<semaphore_mem>>) attributes {dimension_semantics = [#tpu.dimension_semantics<core_parallel>, #tpu.dimension_semantics<subcore_parallel>], iteration_bounds = array<i64: 2, 16>, scalar_prefetch = 0 : i64, scratch_operands = 25 : i64, tpu.core_type = #tpu.core_type<sc_vector_subcore>, window_params = [{transform_indices = #map}, {transform_indices = #map1}, {transform_indices = #map1}, {transform_indices = #map1}]} {
    %mul3A = arith.constant 2 : i32
    %mul3A_0 = arith.muli %arg1, %mul3A : i32
    %add3A = arith.addi %mul3A_0, %arg0 : i32
    %mul3A_1 = arith.constant 25600 : i32
    %mul3A_2 = arith.muli %add3A, %mul3A_1 : i32
    %iota3A = tpu.iota {dimensions = array<i32: 0>} : vector<16xi32>
    %add3A_3 = arith.constant 0 : i32
    %add3A_4 = arith.addi %mul3A_2, %add3A_3 : i32
    "tpu.region"() ({
      %run_scoped3A = tpu.sem_alloc : memref<!tpu.dma_semaphore, #tpu.memory_space<semaphore_mem>>
      %dma_start3A_123 = arith.constant 16 : i32
      %dma_start3A_124 = tpu.memref_slice %arg6[%dma_start3A_123] : memref<416xi32, #tpu.memory_space<vmem>> -> memref<400xi32, #tpu.memory_space<vmem>>
      %dma_start3A_125 = tpu.memref_slice %arg2[%add3A_4] : memref<819200xi32, #tpu.memory_space<hbm>> -> memref<400xi32, #tpu.memory_space<hbm>>
      %dma_start3A_126 = arith.constant 16 : i32
      %dma_start3A_127 = tpu.memref_slice %arg6[%dma_start3A_126] : memref<416xi32, #tpu.memory_space<vmem>> -> memref<400xi32, #tpu.memory_space<vmem>>
      %dma_start3A_128 = tpu.memref_slice %arg2[%add3A_4] : memref<819200xi32, #tpu.memory_space<hbm>> -> memref<400xi32, #tpu.memory_space<hbm>>
      tpu.enqueue_dma source(%dma_start3A_128 : memref<400xi32, #tpu.memory_space<hbm>>) target(%dma_start3A_127 : memref<400xi32, #tpu.memory_space<vmem>>) target_semaphore(%run_scoped3A : memref<!tpu.dma_semaphore, #tpu.memory_space<semaphore_mem>>)
      %dma_wait3A_129 = arith.constant 16 : i32
      %dma_wait3A_130 = tpu.memref_slice %arg6[%dma_wait3A_129] : memref<416xi32, #tpu.memory_space<vmem>> -> memref<400xi32, #tpu.memory_space<vmem>>
      %dma_wait3A_131 = tpu.memref_slice %arg2[%add3A_4] : memref<819200xi32, #tpu.memory_space<hbm>> -> memref<400xi32, #tpu.memory_space<hbm>>
      %dma_wait3A_132 = arith.constant 16 : i32
      %dma_wait3A_133 = tpu.memref_slice %arg6[%dma_wait3A_132] : memref<416xi32, #tpu.memory_space<vmem>> -> memref<400xi32, #tpu.memory_space<vmem>>
      %dma_wait3A_134 = tpu.memref_slice %arg2[%add3A_4] : memref<819200xi32, #tpu.memory_space<hbm>> -> memref<400xi32, #tpu.memory_space<hbm>>
      tpu.wait_dma2 semaphore(%run_scoped3A : memref<!tpu.dma_semaphore, #tpu.memory_space<semaphore_mem>>) src(%dma_wait3A_134 : memref<400xi32, #tpu.memory_space<hbm>>) dst(%dma_wait3A_133 : memref<400xi32, #tpu.memory_space<vmem>>)
      tpu.yield
    }) : () -> ()
    %scan3A = arith.constant 0 : i32
    %scan3A_5 = arith.constant 25 : i32
    %scan3A_6 = arith.addi %scan3A, %scan3A_5 : i32
    %scan3A_7 = arith.constant 1 : i32
    scf.for %scan3A_123 = %scan3A to %scan3A_6 step %scan3A_7  : i32 {
      %mul3A_124 = arith.constant 16 : i32
      %mul3A_125 = arith.muli %scan3A_123, %mul3A_124 : i32
      %add3A_126 = arith.constant 0 : i32
      %add3A_127 = arith.addi %add3A_126, %mul3A_125 : i32
      %add3A_128 = arith.constant 16 : i32
      %add3A_129 = arith.addi %add3A_127, %add3A_128 : i32
      %get3A = arith.index_cast %add3A_129 : i32 to index
      %get3A_130 = tpu.vector_load %arg6[%get3A] {strides = array<i32>} : memref<416xi32, #tpu.memory_space<vmem>>, vector<16xi32>,
      %get3A_131 = vector.shape_cast %get3A_130 : vector<16xi32> to vector<16xi32>
      %add3A_132 = arith.constant 16 : i32
      %add3A_133 = arith.addi %add3A_127, %add3A_132 : i32
      %sub3A = arith.constant 1 : i32
      %sub3A_134 = arith.subi %add3A_133, %sub3A : i32
      %get3A_135 = arith.index_cast %sub3A_134 : i32 to index
      %get3A_136 = tpu.vector_load %arg6[%get3A_135] {strides = array<i32>} : memref<416xi32, #tpu.memory_space<vmem>>, vector<16xi32>,
      %get3A_137 = vector.shape_cast %get3A_136 : vector<16xi32> to vector<16xi32>
      %add3A_138 = vector.broadcast %add3A_127 : i32 to vector<16xi32>
      %add3A_139 = arith.addi %iota3A, %add3A_138 : vector<16xi32>
      %ge3A = arith.constant 400 : i32
      %ge3A_140 = vector.broadcast %ge3A : i32 to vector<16xi32>
      %ge3A_141 = arith.cmpi sge, %add3A_139, %ge3A_140 : vector<16xi32>
      %sub3A_142 = arith.constant 400 : i32
      %sub3A_143 = vector.broadcast %sub3A_142 : i32 to vector<16xi32>
      %sub3A_144 = arith.subi %add3A_139, %sub3A_143 : vector<16xi32>
      %select_n3A = arith.select %ge3A_141, %sub3A_144, %add3A_139 : vector<16xi1>, vector<16xi32>
      %ge3A_145 = arith.constant 200 : i32
      %ge3A_146 = vector.broadcast %ge3A_145 : i32 to vector<16xi32>
      %ge3A_147 = arith.cmpi sge, %select_n3A, %ge3A_146 : vector<16xi32>
      %sub3A_148 = arith.constant 200 : i32
      %sub3A_149 = vector.broadcast %sub3A_148 : i32 to vector<16xi32>
      %sub3A_150 = arith.subi %select_n3A, %sub3A_149 : vector<16xi32>
      %select_n3A_151 = arith.select %ge3A_147, %sub3A_150, %select_n3A : vector<16xi1>, vector<16xi32>
      %eq3A = arith.constant 0 : i32
      %eq3A_152 = vector.broadcast %eq3A : i32 to vector<16xi32>
      %eq3A_153 = arith.cmpi eq, %select_n3A_151, %eq3A_152 : vector<16xi32>
      %jit3A = arith.constant 0 : i32
      %broadcast_in_dim3A = vector.broadcast %jit3A : i32 to vector<16xi32>
      %select_n3A_154 = arith.select %eq3A_153, %broadcast_in_dim3A, %get3A_137 : vector<16xi1>, vector<16xi32>
      %convert_element_type3A = arith.sitofp %get3A_131 : vector<16xi32> to vector<16xf32>
      %mul3A_155 = arith.constant 3.33333332E-6 : f32
      %mul3A_156 = vector.broadcast %mul3A_155 : f32 to vector<16xf32>
      %mul3A_157 = arith.mulf %convert_element_type3A, %mul3A_156 : vector<16xf32>
      %convert_element_type3A_158 = arith.fptosi %mul3A_157 : vector<16xf32> to vector<16xi32>
      %mul3A_159 = arith.constant 300000 : i32
      %mul3A_160 = vector.broadcast %mul3A_159 : i32 to vector<16xi32>
      %mul3A_161 = arith.muli %convert_element_type3A_158, %mul3A_160 : vector<16xi32>
      %sub3A_162 = arith.subi %get3A_131, %mul3A_161 : vector<16xi32>
      %ge3A_163 = arith.constant 300000 : i32
      %ge3A_164 = vector.broadcast %ge3A_163 : i32 to vector<16xi32>
      %ge3A_165 = arith.cmpi sge, %sub3A_162, %ge3A_164 : vector<16xi32>
      %sub3A_166 = arith.constant 300000 : i32
      %sub3A_167 = vector.broadcast %sub3A_166 : i32 to vector<16xi32>
      %sub3A_168 = arith.subi %sub3A_162, %sub3A_167 : vector<16xi32>
      %select_n3A_169 = arith.select %ge3A_165, %sub3A_168, %sub3A_162 : vector<16xi1>, vector<16xi32>
      %lt3A = arith.constant 0 : i32
      %lt3A_170 = vector.broadcast %lt3A : i32 to vector<16xi32>
      %lt3A_171 = arith.cmpi slt, %select_n3A_169, %lt3A_170 : vector<16xi32>
      %add3A_172 = arith.constant 300000 : i32
      %add3A_173 = vector.broadcast %add3A_172 : i32 to vector<16xi32>
      %add3A_174 = arith.addi %select_n3A_169, %add3A_173 : vector<16xi32>
      %select_n3A_175 = arith.select %lt3A_171, %add3A_174, %select_n3A_169 : vector<16xi1>, vector<16xi32>
      %swap3A = arith.index_cast %add3A_127 : i32 to index
      %swap3A_176 = tpu.vector_load %arg7[%swap3A] {strides = array<i32>} : memref<400xi32, #tpu.memory_space<vmem>>, vector<16xi32>,
      %swap3A_177 = vector.shape_cast %swap3A_176 : vector<16xi32> to vector<16xi32>
      %swap3A_178 = vector.shape_cast %select_n3A_175 : vector<16xi32> to vector<16xi32>
      tpu.vector_store %arg7[%swap3A], %swap3A_178 {strides = array<i32>} : memref<400xi32, #tpu.memory_space<vmem>>, vector<16xi32>,
      %convert_element_type3A_179 = arith.sitofp %select_n3A_154 : vector<16xi32> to vector<16xf32>
      %mul3A_180 = arith.constant 3.33333332E-6 : f32
      %mul3A_181 = vector.broadcast %mul3A_180 : f32 to vector<16xf32>
      %mul3A_182 = arith.mulf %convert_element_type3A_179, %mul3A_181 : vector<16xf32>
      %convert_element_type3A_183 = arith.fptosi %mul3A_182 : vector<16xf32> to vector<16xi32>
      %mul3A_184 = arith.constant 300000 : i32
      %mul3A_185 = vector.broadcast %mul3A_184 : i32 to vector<16xi32>
      %mul3A_186 = arith.muli %convert_element_type3A_183, %mul3A_185 : vector<16xi32>
      %sub3A_187 = arith.subi %select_n3A_154, %mul3A_186 : vector<16xi32>
      %ge3A_188 = arith.constant 300000 : i32
      %ge3A_189 = vector.broadcast %ge3A_188 : i32 to vector<16xi32>
      %ge3A_190 = arith.cmpi sge, %sub3A_187, %ge3A_189 : vector<16xi32>
      %sub3A_191 = arith.constant 300000 : i32
      %sub3A_192 = vector.broadcast %sub3A_191 : i32 to vector<16xi32>
      %sub3A_193 = arith.subi %sub3A_187, %sub3A_192 : vector<16xi32>
      %select_n3A_194 = arith.select %ge3A_190, %sub3A_193, %sub3A_187 : vector<16xi1>, vector<16xi32>
      %lt3A_195 = arith.constant 0 : i32
      %lt3A_196 = vector.broadcast %lt3A_195 : i32 to vector<16xi32>
      %lt3A_197 = arith.cmpi slt, %select_n3A_194, %lt3A_196 : vector<16xi32>
      %add3A_198 = arith.constant 300000 : i32
      %add3A_199 = vector.broadcast %add3A_198 : i32 to vector<16xi32>
      %add3A_200 = arith.addi %select_n3A_194, %add3A_199 : vector<16xi32>
      %select_n3A_201 = arith.select %lt3A_197, %add3A_200, %select_n3A_194 : vector<16xi1>, vector<16xi32>
      %mul3A_202 = arith.constant 31 : i32
      %mul3A_203 = vector.broadcast %mul3A_202 : i32 to vector<16xi32>
      %mul3A_204 = arith.muli %select_n3A_201, %mul3A_203 : vector<16xi32>
      %add3A_205 = arith.addi %mul3A_204, %get3A_131 : vector<16xi32>
      %convert_element_type3A_206 = arith.sitofp %add3A_205 : vector<16xi32> to vector<16xf32>
      %mul3A_207 = arith.constant 3.33333332E-6 : f32
      %mul3A_208 = vector.broadcast %mul3A_207 : f32 to vector<16xf32>
      %mul3A_209 = arith.mulf %convert_element_type3A_206, %mul3A_208 : vector<16xf32>
      %convert_element_type3A_210 = arith.fptosi %mul3A_209 : vector<16xf32> to vector<16xi32>
      %mul3A_211 = arith.constant 300000 : i32
      %mul3A_212 = vector.broadcast %mul3A_211 : i32 to vector<16xi32>
      %mul3A_213 = arith.muli %convert_element_type3A_210, %mul3A_212 : vector<16xi32>
      %sub3A_214 = arith.subi %add3A_205, %mul3A_213 : vector<16xi32>
      %ge3A_215 = arith.constant 300000 : i32
      %ge3A_216 = vector.broadcast %ge3A_215 : i32 to vector<16xi32>
      %ge3A_217 = arith.cmpi sge, %sub3A_214, %ge3A_216 : vector<16xi32>
      %sub3A_218 = arith.constant 300000 : i32
      %sub3A_219 = vector.broadcast %sub3A_218 : i32 to vector<16xi32>
      %sub3A_220 = arith.subi %sub3A_214, %sub3A_219 : vector<16xi32>
      %select_n3A_221 = arith.select %ge3A_217, %sub3A_220, %sub3A_214 : vector<16xi1>, vector<16xi32>
      %lt3A_222 = arith.constant 0 : i32
      %lt3A_223 = vector.broadcast %lt3A_222 : i32 to vector<16xi32>
      %lt3A_224 = arith.cmpi slt, %select_n3A_221, %lt3A_223 : vector<16xi32>
      %add3A_225 = arith.constant 300000 : i32
      %add3A_226 = vector.broadcast %add3A_225 : i32 to vector<16xi32>
      %add3A_227 = arith.addi %select_n3A_221, %add3A_226 : vector<16xi32>
      %select_n3A_228 = arith.select %lt3A_224, %add3A_227, %select_n3A_221 : vector<16xi1>, vector<16xi32>
      %swap3A_229 = arith.index_cast %add3A_127 : i32 to index
      %swap3A_230 = tpu.vector_load %arg8[%swap3A_229] {strides = array<i32>} : memref<400xi32, #tpu.memory_space<vmem>>, vector<16xi32>,
      %swap3A_231 = vector.shape_cast %swap3A_230 : vector<16xi32> to vector<16xi32>
      %swap3A_232 = vector.shape_cast %select_n3A_228 : vector<16xi32> to vector<16xi32>
      tpu.vector_store %arg8[%swap3A_229], %swap3A_232 {strides = array<i32>} : memref<400xi32, #tpu.memory_space<vmem>>, vector<16xi32>,
    }
    %scan3A_8 = arith.constant 25 : i32
    %dma_start3A = arith.constant 0 : i32
    %dma_start3A_9 = arith.constant 0 : i32
    %dma_start3A_10 = tpu.memref_slice %arg9[%dma_start3A, %dma_start3A_9] : memref<400x64xf32, #tpu.memory_space<vmem>> -> memref<80x64xf32, #tpu.memory_space<vmem>>
    %dma_start3A_11 = arith.constant 0 : i32
    %dma_start3A_12 = tpu.memref_slice %arg7[%dma_start3A_11] : memref<400xi32, #tpu.memory_space<vmem>> -> memref<80xi32, #tpu.memory_space<vmem>>
    %dma_start3A_13 = arith.constant 0 : i32
    %dma_start3A_14 = arith.constant 0 : i32
    %dma_start3A_15 = tpu.memref_slice %arg3[%dma_start3A_13, %dma_start3A_14] : memref<300000x64xf32, #tpu.memory_space<hbm>> -> memref<300000x64xf32, #tpu.memory_space<hbm>>
    tpu.enqueue_indirect_dma source(%dma_start3A_15 : memref<300000x64xf32, #tpu.memory_space<hbm>>) target(%dma_start3A_10 : memref<80x64xf32, #tpu.memory_space<vmem>>) offsets(%dma_start3A_12 : memref<80xi32, #tpu.memory_space<vmem>>) semaphore(%arg19 : memref<!tpu.dma_semaphore, #tpu.memory_space<semaphore_mem>>)
    %dma_start3A_16 = arith.constant 80 : i32
    %dma_start3A_17 = arith.constant 0 : i32
    %dma_start3A_18 = tpu.memref_slice %arg9[%dma_start3A_16, %dma_start3A_17] : memref<400x64xf32, #tpu.memory_space<vmem>> -> memref<80x64xf32, #tpu.memory_space<vmem>>
    %dma_start3A_19 = arith.constant 80 : i32
    %dma_start3A_20 = tpu.memref_slice %arg7[%dma_start3A_19] : memref<400xi32, #tpu.memory_space<vmem>> -> memref<80xi32, #tpu.memory_space<vmem>>
    %dma_start3A_21 = arith.constant 0 : i32
    %dma_start3A_22 = arith.constant 0 : i32
    %dma_start3A_23 = tpu.memref_slice %arg3[%dma_start3A_21, %dma_start3A_22] : memref<300000x64xf32, #tpu.memory_space<hbm>> -> memref<300000x64xf32, #tpu.memory_space<hbm>>
    tpu.enqueue_indirect_dma source(%dma_start3A_23 : memref<300000x64xf32, #tpu.memory_space<hbm>>) target(%dma_start3A_18 : memref<80x64xf32, #tpu.memory_space<vmem>>) offsets(%dma_start3A_20 : memref<80xi32, #tpu.memory_space<vmem>>) semaphore(%arg19 : memref<!tpu.dma_semaphore, #tpu.memory_space<semaphore_mem>>)
    %dma_start3A_24 = arith.constant 160 : i32
    %dma_start3A_25 = arith.constant 0 : i32
    %dma_start3A_26 = tpu.memref_slice %arg9[%dma_start3A_24, %dma_start3A_25] : memref<400x64xf32, #tpu.memory_space<vmem>> -> memref<80x64xf32, #tpu.memory_space<vmem>>
    %dma_start3A_27 = arith.constant 160 : i32
    %dma_start3A_28 = tpu.memref_slice %arg7[%dma_start3A_27] : memref<400xi32, #tpu.memory_space<vmem>> -> memref<80xi32, #tpu.memory_space<vmem>>
    %dma_start3A_29 = arith.constant 0 : i32
    %dma_start3A_30 = arith.constant 0 : i32
    %dma_start3A_31 = tpu.memref_slice %arg3[%dma_start3A_29, %dma_start3A_30] : memref<300000x64xf32, #tpu.memory_space<hbm>> -> memref<300000x64xf32, #tpu.memory_space<hbm>>
    tpu.enqueue_indirect_dma source(%dma_start3A_31 : memref<300000x64xf32, #tpu.memory_space<hbm>>) target(%dma_start3A_26 : memref<80x64xf32, #tpu.memory_space<vmem>>) offsets(%dma_start3A_28 : memref<80xi32, #tpu.memory_space<vmem>>) semaphore(%arg19 : memref<!tpu.dma_semaphore, #tpu.memory_space<semaphore_mem>>)
    %dma_start3A_32 = arith.constant 240 : i32
    %dma_start3A_33 = arith.constant 0 : i32
    %dma_start3A_34 = tpu.memref_slice %arg9[%dma_start3A_32, %dma_start3A_33] : memref<400x64xf32, #tpu.memory_space<vmem>> -> memref<80x64xf32, #tpu.memory_space<vmem>>
    %dma_start3A_35 = arith.constant 240 : i32
    %dma_start3A_36 = tpu.memref_slice %arg7[%dma_start3A_35] : memref<400xi32, #tpu.memory_space<vmem>> -> memref<80xi32, #tpu.memory_space<vmem>>
    %dma_start3A_37 = arith.constant 0 : i32
    %dma_start3A_38 = arith.constant 0 : i32
    %dma_start3A_39 = tpu.memref_slice %arg3[%dma_start3A_37, %dma_start3A_38] : memref<300000x64xf32, #tpu.memory_space<hbm>> -> memref<300000x64xf32, #tpu.memory_space<hbm>>
    tpu.enqueue_indirect_dma source(%dma_start3A_39 : memref<300000x64xf32, #tpu.memory_space<hbm>>) target(%dma_start3A_34 : memref<80x64xf32, #tpu.memory_space<vmem>>) offsets(%dma_start3A_36 : memref<80xi32, #tpu.memory_space<vmem>>) semaphore(%arg19 : memref<!tpu.dma_semaphore, #tpu.memory_space<semaphore_mem>>)
    %dma_start3A_40 = arith.constant 320 : i32
    %dma_start3A_41 = arith.constant 0 : i32
    %dma_start3A_42 = tpu.memref_slice %arg9[%dma_start3A_40, %dma_start3A_41] : memref<400x64xf32, #tpu.memory_space<vmem>> -> memref<80x64xf32, #tpu.memory_space<vmem>>
    %dma_start3A_43 = arith.constant 320 : i32
    %dma_start3A_44 = tpu.memref_slice %arg7[%dma_start3A_43] : memref<400xi32, #tpu.memory_space<vmem>> -> memref<80xi32, #tpu.memory_space<vmem>>
    %dma_start3A_45 = arith.constant 0 : i32
    %dma_start3A_46 = arith.constant 0 : i32
    %dma_start3A_47 = tpu.memref_slice %arg3[%dma_start3A_45, %dma_start3A_46] : memref<300000x64xf32, #tpu.memory_space<hbm>> -> memref<300000x64xf32, #tpu.memory_space<hbm>>
    tpu.enqueue_indirect_dma source(%dma_start3A_47 : memref<300000x64xf32, #tpu.memory_space<hbm>>) target(%dma_start3A_42 : memref<80x64xf32, #tpu.memory_space<vmem>>) offsets(%dma_start3A_44 : memref<80xi32, #tpu.memory_space<vmem>>) semaphore(%arg19 : memref<!tpu.dma_semaphore, #tpu.memory_space<semaphore_mem>>)
    %add3A_48 = arith.constant 400 : i32
    %add3A_49 = arith.addi %mul3A_2, %add3A_48 : i32
    "tpu.region"() ({
      %run_scoped3A = tpu.sem_alloc : memref<!tpu.dma_semaphore, #tpu.memory_space<semaphore_mem>>
      %dma_start3A_123 = arith.constant 16 : i32
      %dma_start3A_124 = tpu.memref_slice %arg6[%dma_start3A_123] : memref<416xi32, #tpu.memory_space<vmem>> -> memref<400xi32, #tpu.memory_space<vmem>>
      %dma_start3A_125 = tpu.memref_slice %arg2[%add3A_49] : memref<819200xi32, #tpu.memory_space<hbm>> -> memref<400xi32, #tpu.memory_space<hbm>>
      %dma_start3A_126 = arith.constant 16 : i32
      %dma_start3A_127 = tpu.memref_slice %arg6[%dma_start3A_126] : memref<416xi32, #tpu.memory_space<vmem>> -> memref<400xi32, #tpu.memory_space<vmem>>
      %dma_start3A_128 = tpu.memref_slice %arg2[%add3A_49] : memref<819200xi32, #tpu.memory_space<hbm>> -> memref<400xi32, #tpu.memory_space<hbm>>
      tpu.enqueue_dma source(%dma_start3A_128 : memref<400xi32, #tpu.memory_space<hbm>>) target(%dma_start3A_127 : memref<400xi32, #tpu.memory_space<vmem>>) target_semaphore(%run_scoped3A : memref<!tpu.dma_semaphore, #tpu.memory_space<semaphore_mem>>)
      %dma_wait3A_129 = arith.constant 16 : i32
      %dma_wait3A_130 = tpu.memref_slice %arg6[%dma_wait3A_129] : memref<416xi32, #tpu.memory_space<vmem>> -> memref<400xi32, #tpu.memory_space<vmem>>
      %dma_wait3A_131 = tpu.memref_slice %arg2[%add3A_49] : memref<819200xi32, #tpu.memory_space<hbm>> -> memref<400xi32, #tpu.memory_space<hbm>>
      %dma_wait3A_132 = arith.constant 16 : i32
      %dma_wait3A_133 = tpu.memref_slice %arg6[%dma_wait3A_132] : memref<416xi32, #tpu.memory_space<vmem>> -> memref<400xi32, #tpu.memory_space<vmem>>
      %dma_wait3A_134 = tpu.memref_slice %arg2[%add3A_49] : memref<819200xi32, #tpu.memory_space<hbm>> -> memref<400xi32, #tpu.memory_space<hbm>>
      tpu.wait_dma2 semaphore(%run_scoped3A : memref<!tpu.dma_semaphore, #tpu.memory_space<semaphore_mem>>) src(%dma_wait3A_134 : memref<400xi32, #tpu.memory_space<hbm>>) dst(%dma_wait3A_133 : memref<400xi32, #tpu.memory_space<vmem>>)
      tpu.yield
    }) : () -> ()
    %scan3A_50 = arith.constant 0 : i32
    %scan3A_51 = arith.constant 25 : i32
    %scan3A_52 = arith.addi %scan3A_50, %scan3A_51 : i32
    %scan3A_53 = arith.constant 1 : i32
    scf.for %scan3A_123 = %scan3A_50 to %scan3A_52 step %scan3A_53  : i32 {
      %mul3A_124 = arith.constant 16 : i32
      %mul3A_125 = arith.muli %scan3A_123, %mul3A_124 : i32
      %add3A_126 = arith.constant 0 : i32
      %add3A_127 = arith.addi %add3A_126, %mul3A_125 : i32
      %add3A_128 = arith.constant 16 : i32
      %add3A_129 = arith.addi %add3A_127, %add3A_128 : i32
      %get3A = arith.index_cast %add3A_129 : i32 to index
      %get3A_130 = tpu.vector_load %arg6[%get3A] {strides = array<i32>} : memref<416xi32, #tpu.memory_space<vmem>>, vector<16xi32>,
      %get3A_131 = vector.shape_cast %get3A_130 : vector<16xi32> to vector<16xi32>
      %add3A_132 = arith.constant 16 : i32
      %add3A_133 = arith.addi %add3A_127, %add3A_132 : i32
      %sub3A = arith.constant 1 : i32
      %sub3A_134 = arith.subi %add3A_133, %sub3A : i32
      %get3A_135 = arith.index_cast %sub3A_134 : i32 to index
      %get3A_136 = tpu.vector_load %arg6[%get3A_135] {strides = array<i32>} : memref<416xi32, #tpu.memory_space<vmem>>, vector<16xi32>,
      %get3A_137 = vector.shape_cast %get3A_136 : vector<16xi32> to vector<16xi32>
      %add3A_138 = vector.broadcast %add3A_127 : i32 to vector<16xi32>
      %add3A_139 = arith.addi %iota3A, %add3A_138 : vector<16xi32>
      %ge3A = arith.constant 400 : i32
      %ge3A_140 = vector.broadcast %ge3A : i32 to vector<16xi32>
      %ge3A_141 = arith.cmpi sge, %add3A_139, %ge3A_140 : vector<16xi32>
      %sub3A_142 = arith.constant 400 : i32
      %sub3A_143 = vector.broadcast %sub3A_142 : i32 to vector<16xi32>
      %sub3A_144 = arith.subi %add3A_139, %sub3A_143 : vector<16xi32>
      %select_n3A = arith.select %ge3A_141, %sub3A_144, %add3A_139 : vector<16xi1>, vector<16xi32>
      %ge3A_145 = arith.constant 200 : i32
      %ge3A_146 = vector.broadcast %ge3A_145 : i32 to vector<16xi32>
      %ge3A_147 = arith.cmpi sge, %select_n3A, %ge3A_146 : vector<16xi32>
      %sub3A_148 = arith.constant 200 : i32
      %sub3A_149 = vector.broadcast %sub3A_148 : i32 to vector<16xi32>
      %sub3A_150 = arith.subi %select_n3A, %sub3A_149 : vector<16xi32>
      %select_n3A_151 = arith.select %ge3A_147, %sub3A_150, %select_n3A : vector<16xi1>, vector<16xi32>
      %eq3A = arith.constant 0 : i32
      %eq3A_152 = vector.broadcast %eq3A : i32 to vector<16xi32>
      %eq3A_153 = arith.cmpi eq, %select_n3A_151, %eq3A_152 : vector<16xi32>
      %jit3A = arith.constant 0 : i32
      %broadcast_in_dim3A = vector.broadcast %jit3A : i32 to vector<16xi32>
      %select_n3A_154 = arith.select %eq3A_153, %broadcast_in_dim3A, %get3A_137 : vector<16xi1>, vector<16xi32>
      %convert_element_type3A = arith.sitofp %get3A_131 : vector<16xi32> to vector<16xf32>
      %mul3A_155 = arith.constant 3.33333332E-6 : f32
      %mul3A_156 = vector.broadcast %mul3A_155 : f32 to vector<16xf32>
      %mul3A_157 = arith.mulf %convert_element_type3A, %mul3A_156 : vector<16xf32>
      %convert_element_type3A_158 = arith.fptosi %mul3A_157 : vector<16xf32> to vector<16xi32>
      %mul3A_159 = arith.constant 300000 : i32
      %mul3A_160 = vector.broadcast %mul3A_159 : i32 to vector<16xi32>
      %mul3A_161 = arith.muli %convert_element_type3A_158, %mul3A_160 : vector<16xi32>
      %sub3A_162 = arith.subi %get3A_131, %mul3A_161 : vector<16xi32>
      %ge3A_163 = arith.constant 300000 : i32
      %ge3A_164 = vector.broadcast %ge3A_163 : i32 to vector<16xi32>
      %ge3A_165 = arith.cmpi sge, %sub3A_162, %ge3A_164 : vector<16xi32>
      %sub3A_166 = arith.constant 300000 : i32
      %sub3A_167 = vector.broadcast %sub3A_166 : i32 to vector<16xi32>
      %sub3A_168 = arith.subi %sub3A_162, %sub3A_167 : vector<16xi32>
      %select_n3A_169 = arith.select %ge3A_165, %sub3A_168, %sub3A_162 : vector<16xi1>, vector<16xi32>
      %lt3A = arith.constant 0 : i32
      %lt3A_170 = vector.broadcast %lt3A : i32 to vector<16xi32>
      %lt3A_171 = arith.cmpi slt, %select_n3A_169, %lt3A_170 : vector<16xi32>
      %add3A_172 = arith.constant 300000 : i32
      %add3A_173 = vector.broadcast %add3A_172 : i32 to vector<16xi32>
      %add3A_174 = arith.addi %select_n3A_169, %add3A_173 : vector<16xi32>
      %select_n3A_175 = arith.select %lt3A_171, %add3A_174, %select_n3A_169 : vector<16xi1>, vector<16xi32>
      %swap3A = arith.index_cast %add3A_127 : i32 to index
      %swap3A_176 = tpu.vector_load %arg10[%swap3A] {strides = array<i32>} : memref<400xi32, #tpu.memory_space<vmem>>, vector<16xi32>,
      %swap3A_177 = vector.shape_cast %swap3A_176 : vector<16xi32> to vector<16xi32>
      %swap3A_178 = vector.shape_cast %select_n3A_175 : vector<16xi32> to vector<16xi32>
      tpu.vector_store %arg10[%swap3A], %swap3A_178 {strides = array<i32>} : memref<400xi32, #tpu.memory_space<vmem>>, vector<16xi32>,
      %convert_element_type3A_179 = arith.sitofp %select_n3A_154 : vector<16xi32> to vector<16xf32>
      %mul3A_180 = arith.constant 3.33333332E-6 : f32
      %mul3A_181 = vector.broadcast %mul3A_180 : f32 to vector<16xf32>
      %mul3A_182 = arith.mulf %convert_element_type3A_179, %mul3A_181 : vector<16xf32>
      %convert_element_type3A_183 = arith.fptosi %mul3A_182 : vector<16xf32> to vector<16xi32>
      %mul3A_184 = arith.constant 300000 : i32
      %mul3A_185 = vector.broadcast %mul3A_184 : i32 to vector<16xi32>
      %mul3A_186 = arith.muli %convert_element_type3A_183, %mul3A_185 : vector<16xi32>
      %sub3A_187 = arith.subi %select_n3A_154, %mul3A_186 : vector<16xi32>
      %ge3A_188 = arith.constant 300000 : i32
      %ge3A_189 = vector.broadcast %ge3A_188 : i32 to vector<16xi32>
      %ge3A_190 = arith.cmpi sge, %sub3A_187, %ge3A_189 : vector<16xi32>
      %sub3A_191 = arith.constant 300000 : i32
      %sub3A_192 = vector.broadcast %sub3A_191 : i32 to vector<16xi32>
      %sub3A_193 = arith.subi %sub3A_187, %sub3A_192 : vector<16xi32>
      %select_n3A_194 = arith.select %ge3A_190, %sub3A_193, %sub3A_187 : vector<16xi1>, vector<16xi32>
      %lt3A_195 = arith.constant 0 : i32
      %lt3A_196 = vector.broadcast %lt3A_195 : i32 to vector<16xi32>
      %lt3A_197 = arith.cmpi slt, %select_n3A_194, %lt3A_196 : vector<16xi32>
      %add3A_198 = arith.constant 300000 : i32
      %add3A_199 = vector.broadcast %add3A_198 : i32 to vector<16xi32>
      %add3A_200 = arith.addi %select_n3A_194, %add3A_199 : vector<16xi32>
      %select_n3A_201 = arith.select %lt3A_197, %add3A_200, %select_n3A_194 : vector<16xi1>, vector<16xi32>
      %mul3A_202 = arith.constant 31 : i32
      %mul3A_203 = vector.broadcast %mul3A_202 : i32 to vector<16xi32>
      %mul3A_204 = arith.muli %select_n3A_201, %mul3A_203 : vector<16xi32>
      %add3A_205 = arith.addi %mul3A_204, %get3A_131 : vector<16xi32>
      %convert_element_type3A_206 = arith.sitofp %add3A_205 : vector<16xi32> to vector<16xf32>
      %mul3A_207 = arith.constant 3.33333332E-6 : f32
      %mul3A_208 = vector.broadcast %mul3A_207 : f32 to vector<16xf32>
      %mul3A_209 = arith.mulf %convert_element_type3A_206, %mul3A_208 : vector<16xf32>
      %convert_element_type3A_210 = arith.fptosi %mul3A_209 : vector<16xf32> to vector<16xi32>
      %mul3A_211 = arith.constant 300000 : i32
      %mul3A_212 = vector.broadcast %mul3A_211 : i32 to vector<16xi32>
      %mul3A_213 = arith.muli %convert_element_type3A_210, %mul3A_212 : vector<16xi32>
      %sub3A_214 = arith.subi %add3A_205, %mul3A_213 : vector<16xi32>
      %ge3A_215 = arith.constant 300000 : i32
      %ge3A_216 = vector.broadcast %ge3A_215 : i32 to vector<16xi32>
      %ge3A_217 = arith.cmpi sge, %sub3A_214, %ge3A_216 : vector<16xi32>
      %sub3A_218 = arith.constant 300000 : i32
      %sub3A_219 = vector.broadcast %sub3A_218 : i32 to vector<16xi32>
      %sub3A_220 = arith.subi %sub3A_214, %sub3A_219 : vector<16xi32>
      %select_n3A_221 = arith.select %ge3A_217, %sub3A_220, %sub3A_214 : vector<16xi1>, vector<16xi32>
      %lt3A_222 = arith.constant 0 : i32
      %lt3A_223 = vector.broadcast %lt3A_222 : i32 to vector<16xi32>
      %lt3A_224 = arith.cmpi slt, %select_n3A_221, %lt3A_223 : vector<16xi32>
      %add3A_225 = arith.constant 300000 : i32
      %add3A_226 = vector.broadcast %add3A_225 : i32 to vector<16xi32>
      %add3A_227 = arith.addi %select_n3A_221, %add3A_226 : vector<16xi32>
      %select_n3A_228 = arith.select %lt3A_224, %add3A_227, %select_n3A_221 : vector<16xi1>, vector<16xi32>
      %swap3A_229 = arith.index_cast %add3A_127 : i32 to index
      %swap3A_230 = tpu.vector_load %arg11[%swap3A_229] {strides = array<i32>} : memref<400xi32, #tpu.memory_space<vmem>>, vector<16xi32>,
      %swap3A_231 = vector.shape_cast %swap3A_230 : vector<16xi32> to vector<16xi32>
      %swap3A_232 = vector.shape_cast %select_n3A_228 : vector<16xi32> to vector<16xi32>
      tpu.vector_store %arg11[%swap3A_229], %swap3A_232 {strides = array<i32>} : memref<400xi32, #tpu.memory_space<vmem>>, vector<16xi32>,
    }
    %scan3A_54 = arith.constant 25 : i32
    %dma_start3A_55 = arith.constant 0 : i32
    %dma_start3A_56 = arith.constant 0 : i32
    %dma_start3A_57 = tpu.memref_slice %arg12[%dma_start3A_55, %dma_start3A_56] : memref<400x64xf32, #tpu.memory_space<vmem>> -> memref<80x64xf32, #tpu.memory_space<vmem>>
    %dma_start3A_58 = arith.constant 0 : i32
    %dma_start3A_59 = tpu.memref_slice %arg10[%dma_start3A_58] : memref<400xi32, #tpu.memory_space<vmem>> -> memref<80xi32, #tpu.memory_space<vmem>>
    %dma_start3A_60 = arith.constant 0 : i32
    %dma_start3A_61 = arith.constant 0 : i32
    %dma_start3A_62 = tpu.memref_slice %arg3[%dma_start3A_60, %dma_start3A_61] : memref<300000x64xf32, #tpu.memory_space<hbm>> -> memref<300000x64xf32, #tpu.memory_space<hbm>>
    tpu.enqueue_indirect_dma source(%dma_start3A_62 : memref<300000x64xf32, #tpu.memory_space<hbm>>) target(%dma_start3A_57 : memref<80x64xf32, #tpu.memory_space<vmem>>) offsets(%dma_start3A_59 : memref<80xi32, #tpu.memory_space<vmem>>) semaphore(%arg22 : memref<!tpu.dma_semaphore, #tpu.memory_space<semaphore_mem>>)
    %dma_start3A_63 = arith.constant 80 : i32
    %dma_start3A_64 = arith.constant 0 : i32
    %dma_start3A_65 = tpu.memref_slice %arg12[%dma_start3A_63, %dma_start3A_64] : memref<400x64xf32, #tpu.memory_space<vmem>> -> memref<80x64xf32, #tpu.memory_space<vmem>>
    %dma_start3A_66 = arith.constant 80 : i32
    %dma_start3A_67 = tpu.memref_slice %arg10[%dma_start3A_66] : memref<400xi32, #tpu.memory_space<vmem>> -> memref<80xi32, #tpu.memory_space<vmem>>
    %dma_start3A_68 = arith.constant 0 : i32
    %dma_start3A_69 = arith.constant 0 : i32
    %dma_start3A_70 = tpu.memref_slice %arg3[%dma_start3A_68, %dma_start3A_69] : memref<300000x64xf32, #tpu.memory_space<hbm>> -> memref<300000x64xf32, #tpu.memory_space<hbm>>
    tpu.enqueue_indirect_dma source(%dma_start3A_70 : memref<300000x64xf32, #tpu.memory_space<hbm>>) target(%dma_start3A_65 : memref<80x64xf32, #tpu.memory_space<vmem>>) offsets(%dma_start3A_67 : memref<80xi32, #tpu.memory_space<vmem>>) semaphore(%arg22 : memref<!tpu.dma_semaphore, #tpu.memory_space<semaphore_mem>>)
    %dma_start3A_71 = arith.constant 160 : i32
    %dma_start3A_72 = arith.constant 0 : i32
    %dma_start3A_73 = tpu.memref_slice %arg12[%dma_start3A_71, %dma_start3A_72] : memref<400x64xf32, #tpu.memory_space<vmem>> -> memref<80x64xf32, #tpu.memory_space<vmem>>
    %dma_start3A_74 = arith.constant 160 : i32
    %dma_start3A_75 = tpu.memref_slice %arg10[%dma_start3A_74] : memref<400xi32, #tpu.memory_space<vmem>> -> memref<80xi32, #tpu.memory_space<vmem>>
    %dma_start3A_76 = arith.constant 0 : i32
    %dma_start3A_77 = arith.constant 0 : i32
    %dma_start3A_78 = tpu.memref_slice %arg3[%dma_start3A_76, %dma_start3A_77] : memref<300000x64xf32, #tpu.memory_space<hbm>> -> memref<300000x64xf32, #tpu.memory_space<hbm>>
    tpu.enqueue_indirect_dma source(%dma_start3A_78 : memref<300000x64xf32, #tpu.memory_space<hbm>>) target(%dma_start3A_73 : memref<80x64xf32, #tpu.memory_space<vmem>>) offsets(%dma_start3A_75 : memref<80xi32, #tpu.memory_space<vmem>>) semaphore(%arg22 : memref<!tpu.dma_semaphore, #tpu.memory_space<semaphore_mem>>)
    %dma_start3A_79 = arith.constant 240 : i32
    %dma_start3A_80 = arith.constant 0 : i32
    %dma_start3A_81 = tpu.memref_slice %arg12[%dma_start3A_79, %dma_start3A_80] : memref<400x64xf32, #tpu.memory_space<vmem>> -> memref<80x64xf32, #tpu.memory_space<vmem>>
    %dma_start3A_82 = arith.constant 240 : i32
    %dma_start3A_83 = tpu.memref_slice %arg10[%dma_start3A_82] : memref<400xi32, #tpu.memory_space<vmem>> -> memref<80xi32, #tpu.memory_space<vmem>>
    %dma_start3A_84 = arith.constant 0 : i32
    %dma_start3A_85 = arith.constant 0 : i32
    %dma_start3A_86 = tpu.memref_slice %arg3[%dma_start3A_84, %dma_start3A_85] : memref<300000x64xf32, #tpu.memory_space<hbm>> -> memref<300000x64xf32, #tpu.memory_space<hbm>>
    tpu.enqueue_indirect_dma source(%dma_start3A_86 : memref<300000x64xf32, #tpu.memory_space<hbm>>) target(%dma_start3A_81 : memref<80x64xf32, #tpu.memory_space<vmem>>) offsets(%dma_start3A_83 : memref<80xi32, #tpu.memory_space<vmem>>) semaphore(%arg22 : memref<!tpu.dma_semaphore, #tpu.memory_space<semaphore_mem>>)
    %dma_start3A_87 = arith.constant 320 : i32
    %dma_start3A_88 = arith.constant 0 : i32
    %dma_start3A_89 = tpu.memref_slice %arg12[%dma_start3A_87, %dma_start3A_88] : memref<400x64xf32, #tpu.memory_space<vmem>> -> memref<80x64xf32, #tpu.memory_space<vmem>>
    %dma_start3A_90 = arith.constant 320 : i32
    %dma_start3A_91 = tpu.memref_slice %arg10[%dma_start3A_90] : memref<400xi32, #tpu.memory_space<vmem>> -> memref<80xi32, #tpu.memory_space<vmem>>
    %dma_start3A_92 = arith.constant 0 : i32
    %dma_start3A_93 = arith.constant 0 : i32
    %dma_start3A_94 = tpu.memref_slice %arg3[%dma_start3A_92, %dma_start3A_93] : memref<300000x64xf32, #tpu.memory_space<hbm>> -> memref<300000x64xf32, #tpu.memory_space<hbm>>
    tpu.enqueue_indirect_dma source(%dma_start3A_94 : memref<300000x64xf32, #tpu.memory_space<hbm>>) target(%dma_start3A_89 : memref<80x64xf32, #tpu.memory_space<vmem>>) offsets(%dma_start3A_91 : memref<80xi32, #tpu.memory_space<vmem>>) semaphore(%arg22 : memref<!tpu.dma_semaphore, #tpu.memory_space<semaphore_mem>>)
    %scan3A_95 = arith.constant 0 : i32
    %scan3A_96 = arith.constant 16 : i32
    %scan3A_97 = arith.addi %scan3A_95, %scan3A_96 : i32
    %scan3A_98 = arith.constant 1 : i32
    scf.for %scan3A_123 = %scan3A_95 to %scan3A_97 step %scan3A_98  : i32 {
      %mul3A_124 = arith.constant 4 : i32
      %mul3A_125 = arith.muli %scan3A_123, %mul3A_124 : i32
      %add3A_126 = arith.constant 0 : i32
      %add3A_127 = arith.addi %add3A_126, %mul3A_125 : i32
      %add3A_128 = arith.constant 0 : i32
      %add3A_129 = arith.addi %add3A_127, %add3A_128 : i32
      %dma_wait3A_130 = arith.constant 0 : i32
      %dma_wait3A_131 = arith.constant 0 : i32
      %dma_wait3A_132 = tpu.memref_slice %arg3[%dma_wait3A_130, %dma_wait3A_131] : memref<300000x64xf32, #tpu.memory_space<hbm>> -> memref<400x64xf32, #tpu.memory_space<hbm>>
      %dma_wait3A_133 = arith.constant 0 : i32
      %dma_wait3A_134 = arith.constant 0 : i32
      %dma_wait3A_135 = tpu.memref_slice %arg3[%dma_wait3A_133, %dma_wait3A_134] : memref<300000x64xf32, #tpu.memory_space<hbm>> -> memref<400x64xf32, #tpu.memory_space<hbm>>
      tpu.wait_dma2 semaphore(%arg19 : memref<!tpu.dma_semaphore, #tpu.memory_space<semaphore_mem>>) src(%dma_wait3A_135 : memref<400x64xf32, #tpu.memory_space<hbm>>) dst(%arg9 : memref<400x64xf32, #tpu.memory_space<vmem>>)
      %dma_start3A_136 = arith.constant 0 : i32
      %dma_start3A_137 = arith.constant 0 : i32
      %dma_start3A_138 = tpu.memref_slice %arg9[%dma_start3A_136, %dma_start3A_137] : memref<400x64xf32, #tpu.memory_space<vmem>> -> memref<80x64xf32, #tpu.memory_space<vmem>>
      %dma_start3A_139 = arith.constant 0 : i32
      %dma_start3A_140 = tpu.memref_slice %arg8[%dma_start3A_139] : memref<400xi32, #tpu.memory_space<vmem>> -> memref<80xi32, #tpu.memory_space<vmem>>
      %dma_start3A_141 = arith.constant 0 : i32
      %dma_start3A_142 = arith.constant 0 : i32
      %dma_start3A_143 = tpu.memref_slice %arg4[%dma_start3A_141, %dma_start3A_142] : memref<300000x64xf32, #tpu.memory_space<hbm>> -> memref<300000x64xf32, #tpu.memory_space<hbm>>
      tpu.enqueue_indirect_dma source(%dma_start3A_143 : memref<300000x64xf32, #tpu.memory_space<hbm>>) target(%dma_start3A_138 : memref<80x64xf32, #tpu.memory_space<vmem>>) offsets(%dma_start3A_140 : memref<80xi32, #tpu.memory_space<vmem>>) semaphore(%arg20 : memref<!tpu.dma_semaphore, #tpu.memory_space<semaphore_mem>>) {add = true}
      %dma_start3A_144 = arith.constant 80 : i32
      %dma_start3A_145 = arith.constant 0 : i32
      %dma_start3A_146 = tpu.memref_slice %arg9[%dma_start3A_144, %dma_start3A_145] : memref<400x64xf32, #tpu.memory_space<vmem>> -> memref<80x64xf32, #tpu.memory_space<vmem>>
      %dma_start3A_147 = arith.constant 80 : i32
      %dma_start3A_148 = tpu.memref_slice %arg8[%dma_start3A_147] : memref<400xi32, #tpu.memory_space<vmem>> -> memref<80xi32, #tpu.memory_space<vmem>>
      %dma_start3A_149 = arith.constant 0 : i32
      %dma_start3A_150 = arith.constant 0 : i32
      %dma_start3A_151 = tpu.memref_slice %arg4[%dma_start3A_149, %dma_start3A_150] : memref<300000x64xf32, #tpu.memory_space<hbm>> -> memref<300000x64xf32, #tpu.memory_space<hbm>>
      tpu.enqueue_indirect_dma source(%dma_start3A_151 : memref<300000x64xf32, #tpu.memory_space<hbm>>) target(%dma_start3A_146 : memref<80x64xf32, #tpu.memory_space<vmem>>) offsets(%dma_start3A_148 : memref<80xi32, #tpu.memory_space<vmem>>) semaphore(%arg20 : memref<!tpu.dma_semaphore, #tpu.memory_space<semaphore_mem>>) {add = true}
      %dma_start3A_152 = arith.constant 160 : i32
      %dma_start3A_153 = arith.constant 0 : i32
      %dma_start3A_154 = tpu.memref_slice %arg9[%dma_start3A_152, %dma_start3A_153] : memref<400x64xf32, #tpu.memory_space<vmem>> -> memref<80x64xf32, #tpu.memory_space<vmem>>
      %dma_start3A_155 = arith.constant 160 : i32
      %dma_start3A_156 = tpu.memref_slice %arg8[%dma_start3A_155] : memref<400xi32, #tpu.memory_space<vmem>> -> memref<80xi32, #tpu.memory_space<vmem>>
      %dma_start3A_157 = arith.constant 0 : i32
      %dma_start3A_158 = arith.constant 0 : i32
      %dma_start3A_159 = tpu.memref_slice %arg4[%dma_start3A_157, %dma_start3A_158] : memref<300000x64xf32, #tpu.memory_space<hbm>> -> memref<300000x64xf32, #tpu.memory_space<hbm>>
      tpu.enqueue_indirect_dma source(%dma_start3A_159 : memref<300000x64xf32, #tpu.memory_space<hbm>>) target(%dma_start3A_154 : memref<80x64xf32, #tpu.memory_space<vmem>>) offsets(%dma_start3A_156 : memref<80xi32, #tpu.memory_space<vmem>>) semaphore(%arg20 : memref<!tpu.dma_semaphore, #tpu.memory_space<semaphore_mem>>) {add = true}
      %dma_start3A_160 = arith.constant 240 : i32
      %dma_start3A_161 = arith.constant 0 : i32
      %dma_start3A_162 = tpu.memref_slice %arg9[%dma_start3A_160, %dma_start3A_161] : memref<400x64xf32, #tpu.memory_space<vmem>> -> memref<80x64xf32, #tpu.memory_space<vmem>>
      %dma_start3A_163 = arith.constant 240 : i32
      %dma_start3A_164 = tpu.memref_slice %arg8[%dma_start3A_163] : memref<400xi32, #tpu.memory_space<vmem>> -> memref<80xi32, #tpu.memory_space<vmem>>
      %dma_start3A_165 = arith.constant 0 : i32
      %dma_start3A_166 = arith.constant 0 : i32
      %dma_start3A_167 = tpu.memref_slice %arg4[%dma_start3A_165, %dma_start3A_166] : memref<300000x64xf32, #tpu.memory_space<hbm>> -> memref<300000x64xf32, #tpu.memory_space<hbm>>
      tpu.enqueue_indirect_dma source(%dma_start3A_167 : memref<300000x64xf32, #tpu.memory_space<hbm>>) target(%dma_start3A_162 : memref<80x64xf32, #tpu.memory_space<vmem>>) offsets(%dma_start3A_164 : memref<80xi32, #tpu.memory_space<vmem>>) semaphore(%arg20 : memref<!tpu.dma_semaphore, #tpu.memory_space<semaphore_mem>>) {add = true}
      %dma_start3A_168 = arith.constant 320 : i32
      %dma_start3A_169 = arith.constant 0 : i32
      %dma_start3A_170 = tpu.memref_slice %arg9[%dma_start3A_168, %dma_start3A_169] : memref<400x64xf32, #tpu.memory_space<vmem>> -> memref<80x64xf32, #tpu.memory_space<vmem>>
      %dma_start3A_171 = arith.constant 320 : i32
      %dma_start3A_172 = tpu.memref_slice %arg8[%dma_start3A_171] : memref<400xi32, #tpu.memory_space<vmem>> -> memref<80xi32, #tpu.memory_space<vmem>>
      %dma_start3A_173 = arith.constant 0 : i32
      %dma_start3A_174 = arith.constant 0 : i32
      %dma_start3A_175 = tpu.memref_slice %arg4[%dma_start3A_173, %dma_start3A_174] : memref<300000x64xf32, #tpu.memory_space<hbm>> -> memref<300000x64xf32, #tpu.memory_space<hbm>>
      tpu.enqueue_indirect_dma source(%dma_start3A_175 : memref<300000x64xf32, #tpu.memory_space<hbm>>) target(%dma_start3A_170 : memref<80x64xf32, #tpu.memory_space<vmem>>) offsets(%dma_start3A_172 : memref<80xi32, #tpu.memory_space<vmem>>) semaphore(%arg20 : memref<!tpu.dma_semaphore, #tpu.memory_space<semaphore_mem>>) {add = true}
      %add3A_176 = arith.constant 2 : i32
      %add3A_177 = arith.addi %add3A_129, %add3A_176 : i32
      %lt3A = arith.constant 64 : i32
      %lt3A_178 = arith.cmpi slt, %add3A_177, %lt3A : i32
      %convert_element_type3A = arith.extui %lt3A_178 : i1 to i32
      %cond3A = arith.constant 0 : i32
      %cond3A_179 = arith.cmpi ne, %convert_element_type3A, %cond3A : i32
      scf.if %cond3A_179 {
        %ge3A = arith.constant 2 : i32
        %ge3A_533 = arith.cmpi sge, %add3A_129, %ge3A : i32
        %convert_element_type3A_534 = arith.extui %ge3A_533 : i1 to i32
        %cond3A_535 = arith.constant 0 : i32
        %cond3A_536 = arith.cmpi ne, %convert_element_type3A_534, %cond3A_535 : i32
        scf.if %cond3A_536 {
          %dma_wait3A_587 = arith.constant 0 : i32
          %dma_wait3A_588 = arith.constant 0 : i32
          %dma_wait3A_589 = tpu.memref_slice %arg5[%dma_wait3A_587, %dma_wait3A_588] : memref<819200x64xf32, #tpu.memory_space<hbm>> -> memref<400x64xf32, #tpu.memory_space<hbm>>
          %dma_wait3A_590 = arith.constant 0 : i32
          %dma_wait3A_591 = arith.constant 0 : i32
          %dma_wait3A_592 = tpu.memref_slice %arg5[%dma_wait3A_590, %dma_wait3A_591] : memref<819200x64xf32, #tpu.memory_space<hbm>> -> memref<400x64xf32, #tpu.memory_space<hbm>>
          tpu.wait_dma2 semaphore(%arg27 : memref<!tpu.dma_semaphore, #tpu.memory_space<semaphore_mem>>) src(%arg15 : memref<400x64xf32, #tpu.memory_space<vmem>>) dst(%dma_wait3A_592 : memref<400x64xf32, #tpu.memory_space<hbm>>)
        } else {
        }
        %add3A_537 = arith.constant 2 : i32
        %add3A_538 = arith.addi %add3A_129, %add3A_537 : i32
        %mul3A_539 = arith.constant 400 : i32
        %mul3A_540 = arith.muli %add3A_538, %mul3A_539 : i32
        %add3A_541 = arith.addi %mul3A_2, %mul3A_540 : i32
        "tpu.region"() ({
          %run_scoped3A = tpu.sem_alloc : memref<!tpu.dma_semaphore, #tpu.memory_space<semaphore_mem>>
          %dma_start3A_587 = arith.constant 16 : i32
          %dma_start3A_588 = tpu.memref_slice %arg6[%dma_start3A_587] : memref<416xi32, #tpu.memory_space<vmem>> -> memref<400xi32, #tpu.memory_space<vmem>>
          %dma_start3A_589 = tpu.memref_slice %arg2[%add3A_541] : memref<819200xi32, #tpu.memory_space<hbm>> -> memref<400xi32, #tpu.memory_space<hbm>>
          %dma_start3A_590 = arith.constant 16 : i32
          %dma_start3A_591 = tpu.memref_slice %arg6[%dma_start3A_590] : memref<416xi32, #tpu.memory_space<vmem>> -> memref<400xi32, #tpu.memory_space<vmem>>
          %dma_start3A_592 = tpu.memref_slice %arg2[%add3A_541] : memref<819200xi32, #tpu.memory_space<hbm>> -> memref<400xi32, #tpu.memory_space<hbm>>
          tpu.enqueue_dma source(%dma_start3A_592 : memref<400xi32, #tpu.memory_space<hbm>>) target(%dma_start3A_591 : memref<400xi32, #tpu.memory_space<vmem>>) target_semaphore(%run_scoped3A : memref<!tpu.dma_semaphore, #tpu.memory_space<semaphore_mem>>)
          %dma_wait3A_593 = arith.constant 16 : i32
          %dma_wait3A_594 = tpu.memref_slice %arg6[%dma_wait3A_593] : memref<416xi32, #tpu.memory_space<vmem>> -> memref<400xi32, #tpu.memory_space<vmem>>
          %dma_wait3A_595 = tpu.memref_slice %arg2[%add3A_541] : memref<819200xi32, #tpu.memory_space<hbm>> -> memref<400xi32, #tpu.memory_space<hbm>>
          %dma_wait3A_596 = arith.constant 16 : i32
          %dma_wait3A_597 = tpu.memref_slice %arg6[%dma_wait3A_596] : memref<416xi32, #tpu.memory_space<vmem>> -> memref<400xi32, #tpu.memory_space<vmem>>
          %dma_wait3A_598 = tpu.memref_slice %arg2[%add3A_541] : memref<819200xi32, #tpu.memory_space<hbm>> -> memref<400xi32, #tpu.memory_space<hbm>>
          tpu.wait_dma2 semaphore(%run_scoped3A : memref<!tpu.dma_semaphore, #tpu.memory_space<semaphore_mem>>) src(%dma_wait3A_598 : memref<400xi32, #tpu.memory_space<hbm>>) dst(%dma_wait3A_597 : memref<400xi32, #tpu.memory_space<vmem>>)
          tpu.yield
        }) : () -> ()
        %scan3A_542 = arith.constant 0 : i32
        %scan3A_543 = arith.constant 25 : i32
        %scan3A_544 = arith.addi %scan3A_542, %scan3A_543 : i32
        %scan3A_545 = arith.constant 1 : i32
        scf.for %scan3A_587 = %scan3A_542 to %scan3A_544 step %scan3A_545  : i32 {
          %mul3A_588 = arith.constant 16 : i32
          %mul3A_589 = arith.muli %scan3A_587, %mul3A_588 : i32
          %add3A_590 = arith.constant 0 : i32
          %add3A_591 = arith.addi %add3A_590, %mul3A_589 : i32
          %add3A_592 = arith.constant 16 : i32
          %add3A_593 = arith.addi %add3A_591, %add3A_592 : i32
          %get3A = arith.index_cast %add3A_593 : i32 to index
          %get3A_594 = tpu.vector_load %arg6[%get3A] {strides = array<i32>} : memref<416xi32, #tpu.memory_space<vmem>>, vector<16xi32>,
          %get3A_595 = vector.shape_cast %get3A_594 : vector<16xi32> to vector<16xi32>
          %add3A_596 = arith.constant 16 : i32
          %add3A_597 = arith.addi %add3A_591, %add3A_596 : i32
          %sub3A = arith.constant 1 : i32
          %sub3A_598 = arith.subi %add3A_597, %sub3A : i32
          %get3A_599 = arith.index_cast %sub3A_598 : i32 to index
          %get3A_600 = tpu.vector_load %arg6[%get3A_599] {strides = array<i32>} : memref<416xi32, #tpu.memory_space<vmem>>, vector<16xi32>,
          %get3A_601 = vector.shape_cast %get3A_600 : vector<16xi32> to vector<16xi32>
          %add3A_602 = vector.broadcast %add3A_591 : i32 to vector<16xi32>
          %add3A_603 = arith.addi %iota3A, %add3A_602 : vector<16xi32>
          %ge3A_604 = arith.constant 400 : i32
          %ge3A_605 = vector.broadcast %ge3A_604 : i32 to vector<16xi32>
          %ge3A_606 = arith.cmpi sge, %add3A_603, %ge3A_605 : vector<16xi32>
          %sub3A_607 = arith.constant 400 : i32
          %sub3A_608 = vector.broadcast %sub3A_607 : i32 to vector<16xi32>
          %sub3A_609 = arith.subi %add3A_603, %sub3A_608 : vector<16xi32>
          %select_n3A = arith.select %ge3A_606, %sub3A_609, %add3A_603 : vector<16xi1>, vector<16xi32>
          %ge3A_610 = arith.constant 200 : i32
          %ge3A_611 = vector.broadcast %ge3A_610 : i32 to vector<16xi32>
          %ge3A_612 = arith.cmpi sge, %select_n3A, %ge3A_611 : vector<16xi32>
          %sub3A_613 = arith.constant 200 : i32
          %sub3A_614 = vector.broadcast %sub3A_613 : i32 to vector<16xi32>
          %sub3A_615 = arith.subi %select_n3A, %sub3A_614 : vector<16xi32>
          %select_n3A_616 = arith.select %ge3A_612, %sub3A_615, %select_n3A : vector<16xi1>, vector<16xi32>
          %eq3A = arith.constant 0 : i32
          %eq3A_617 = vector.broadcast %eq3A : i32 to vector<16xi32>
          %eq3A_618 = arith.cmpi eq, %select_n3A_616, %eq3A_617 : vector<16xi32>
          %jit3A = arith.constant 0 : i32
          %broadcast_in_dim3A = vector.broadcast %jit3A : i32 to vector<16xi32>
          %select_n3A_619 = arith.select %eq3A_618, %broadcast_in_dim3A, %get3A_601 : vector<16xi1>, vector<16xi32>
          %convert_element_type3A_620 = arith.sitofp %get3A_595 : vector<16xi32> to vector<16xf32>
          %mul3A_621 = arith.constant 3.33333332E-6 : f32
          %mul3A_622 = vector.broadcast %mul3A_621 : f32 to vector<16xf32>
          %mul3A_623 = arith.mulf %convert_element_type3A_620, %mul3A_622 : vector<16xf32>
          %convert_element_type3A_624 = arith.fptosi %mul3A_623 : vector<16xf32> to vector<16xi32>
          %mul3A_625 = arith.constant 300000 : i32
          %mul3A_626 = vector.broadcast %mul3A_625 : i32 to vector<16xi32>
          %mul3A_627 = arith.muli %convert_element_type3A_624, %mul3A_626 : vector<16xi32>
          %sub3A_628 = arith.subi %get3A_595, %mul3A_627 : vector<16xi32>
          %ge3A_629 = arith.constant 300000 : i32
          %ge3A_630 = vector.broadcast %ge3A_629 : i32 to vector<16xi32>
          %ge3A_631 = arith.cmpi sge, %sub3A_628, %ge3A_630 : vector<16xi32>
          %sub3A_632 = arith.constant 300000 : i32
          %sub3A_633 = vector.broadcast %sub3A_632 : i32 to vector<16xi32>
          %sub3A_634 = arith.subi %sub3A_628, %sub3A_633 : vector<16xi32>
          %select_n3A_635 = arith.select %ge3A_631, %sub3A_634, %sub3A_628 : vector<16xi1>, vector<16xi32>
          %lt3A_636 = arith.constant 0 : i32
          %lt3A_637 = vector.broadcast %lt3A_636 : i32 to vector<16xi32>
          %lt3A_638 = arith.cmpi slt, %select_n3A_635, %lt3A_637 : vector<16xi32>
          %add3A_639 = arith.constant 300000 : i32
          %add3A_640 = vector.broadcast %add3A_639 : i32 to vector<16xi32>
          %add3A_641 = arith.addi %select_n3A_635, %add3A_640 : vector<16xi32>
          %select_n3A_642 = arith.select %lt3A_638, %add3A_641, %select_n3A_635 : vector<16xi1>, vector<16xi32>
          %swap3A = arith.index_cast %add3A_591 : i32 to index
          %swap3A_643 = tpu.vector_load %arg13[%swap3A] {strides = array<i32>} : memref<400xi32, #tpu.memory_space<vmem>>, vector<16xi32>,
          %swap3A_644 = vector.shape_cast %swap3A_643 : vector<16xi32> to vector<16xi32>
          %swap3A_645 = vector.shape_cast %select_n3A_642 : vector<16xi32> to vector<16xi32>
          tpu.vector_store %arg13[%swap3A], %swap3A_645 {strides = array<i32>} : memref<400xi32, #tpu.memory_space<vmem>>, vector<16xi32>,
          %convert_element_type3A_646 = arith.sitofp %select_n3A_619 : vector<16xi32> to vector<16xf32>
          %mul3A_647 = arith.constant 3.33333332E-6 : f32
          %mul3A_648 = vector.broadcast %mul3A_647 : f32 to vector<16xf32>
          %mul3A_649 = arith.mulf %convert_element_type3A_646, %mul3A_648 : vector<16xf32>
          %convert_element_type3A_650 = arith.fptosi %mul3A_649 : vector<16xf32> to vector<16xi32>
          %mul3A_651 = arith.constant 300000 : i32
          %mul3A_652 = vector.broadcast %mul3A_651 : i32 to vector<16xi32>
          %mul3A_653 = arith.muli %convert_element_type3A_650, %mul3A_652 : vector<16xi32>
          %sub3A_654 = arith.subi %select_n3A_619, %mul3A_653 : vector<16xi32>
          %ge3A_655 = arith.constant 300000 : i32
          %ge3A_656 = vector.broadcast %ge3A_655 : i32 to vector<16xi32>
          %ge3A_657 = arith.cmpi sge, %sub3A_654, %ge3A_656 : vector<16xi32>
          %sub3A_658 = arith.constant 300000 : i32
          %sub3A_659 = vector.broadcast %sub3A_658 : i32 to vector<16xi32>
          %sub3A_660 = arith.subi %sub3A_654, %sub3A_659 : vector<16xi32>
          %select_n3A_661 = arith.select %ge3A_657, %sub3A_660, %sub3A_654 : vector<16xi1>, vector<16xi32>
          %lt3A_662 = arith.constant 0 : i32
          %lt3A_663 = vector.broadcast %lt3A_662 : i32 to vector<16xi32>
          %lt3A_664 = arith.cmpi slt, %select_n3A_661, %lt3A_663 : vector<16xi32>
          %add3A_665 = arith.constant 300000 : i32
          %add3A_666 = vector.broadcast %add3A_665 : i32 to vector<16xi32>
          %add3A_667 = arith.addi %select_n3A_661, %add3A_666 : vector<16xi32>
          %select_n3A_668 = arith.select %lt3A_664, %add3A_667, %select_n3A_661 : vector<16xi1>, vector<16xi32>
          %mul3A_669 = arith.constant 31 : i32
          %mul3A_670 = vector.broadcast %mul3A_669 : i32 to vector<16xi32>
          %mul3A_671 = arith.muli %select_n3A_668, %mul3A_670 : vector<16xi32>
          %add3A_672 = arith.addi %mul3A_671, %get3A_595 : vector<16xi32>
          %convert_element_type3A_673 = arith.sitofp %add3A_672 : vector<16xi32> to vector<16xf32>
          %mul3A_674 = arith.constant 3.33333332E-6 : f32
          %mul3A_675 = vector.broadcast %mul3A_674 : f32 to vector<16xf32>
          %mul3A_676 = arith.mulf %convert_element_type3A_673, %mul3A_675 : vector<16xf32>
          %convert_element_type3A_677 = arith.fptosi %mul3A_676 : vector<16xf32> to vector<16xi32>
          %mul3A_678 = arith.constant 300000 : i32
          %mul3A_679 = vector.broadcast %mul3A_678 : i32 to vector<16xi32>
          %mul3A_680 = arith.muli %convert_element_type3A_677, %mul3A_679 : vector<16xi32>
          %sub3A_681 = arith.subi %add3A_672, %mul3A_680 : vector<16xi32>
          %ge3A_682 = arith.constant 300000 : i32
          %ge3A_683 = vector.broadcast %ge3A_682 : i32 to vector<16xi32>
          %ge3A_684 = arith.cmpi sge, %sub3A_681, %ge3A_683 : vector<16xi32>
          %sub3A_685 = arith.constant 300000 : i32
          %sub3A_686 = vector.broadcast %sub3A_685 : i32 to vector<16xi32>
          %sub3A_687 = arith.subi %sub3A_681, %sub3A_686 : vector<16xi32>
          %select_n3A_688 = arith.select %ge3A_684, %sub3A_687, %sub3A_681 : vector<16xi1>, vector<16xi32>
          %lt3A_689 = arith.constant 0 : i32
          %lt3A_690 = vector.broadcast %lt3A_689 : i32 to vector<16xi32>
          %lt3A_691 = arith.cmpi slt, %select_n3A_688, %lt3A_690 : vector<16xi32>
          %add3A_692 = arith.constant 300000 : i32
          %add3A_693 = vector.broadcast %add3A_692 : i32 to vector<16xi32>
          %add3A_694 = arith.addi %select_n3A_688, %add3A_693 : vector<16xi32>
          %select_n3A_695 = arith.select %lt3A_691, %add3A_694, %select_n3A_688 : vector<16xi1>, vector<16xi32>
          %swap3A_696 = arith.index_cast %add3A_591 : i32 to index
          %swap3A_697 = tpu.vector_load %arg14[%swap3A_696] {strides = array<i32>} : memref<400xi32, #tpu.memory_space<vmem>>, vector<16xi32>,
          %swap3A_698 = vector.shape_cast %swap3A_697 : vector<16xi32> to vector<16xi32>
          %swap3A_699 = vector.shape_cast %select_n3A_695 : vector<16xi32> to vector<16xi32>
          tpu.vector_store %arg14[%swap3A_696], %swap3A_699 {strides = array<i32>} : memref<400xi32, #tpu.memory_space<vmem>>, vector<16xi32>,
        }
        %scan3A_546 = arith.constant 25 : i32
        %dma_start3A_547 = arith.constant 0 : i32
        %dma_start3A_548 = arith.constant 0 : i32
        %dma_start3A_549 = tpu.memref_slice %arg15[%dma_start3A_547, %dma_start3A_548] : memref<400x64xf32, #tpu.memory_space<vmem>> -> memref<80x64xf32, #tpu.memory_space<vmem>>
        %dma_start3A_550 = arith.constant 0 : i32
        %dma_start3A_551 = tpu.memref_slice %arg13[%dma_start3A_550] : memref<400xi32, #tpu.memory_space<vmem>> -> memref<80xi32, #tpu.memory_space<vmem>>
        %dma_start3A_552 = arith.constant 0 : i32
        %dma_start3A_553 = arith.constant 0 : i32
        %dma_start3A_554 = tpu.memref_slice %arg3[%dma_start3A_552, %dma_start3A_553] : memref<300000x64xf32, #tpu.memory_space<hbm>> -> memref<300000x64xf32, #tpu.memory_space<hbm>>
        tpu.enqueue_indirect_dma source(%dma_start3A_554 : memref<300000x64xf32, #tpu.memory_space<hbm>>) target(%dma_start3A_549 : memref<80x64xf32, #tpu.memory_space<vmem>>) offsets(%dma_start3A_551 : memref<80xi32, #tpu.memory_space<vmem>>) semaphore(%arg25 : memref<!tpu.dma_semaphore, #tpu.memory_space<semaphore_mem>>)
        %dma_start3A_555 = arith.constant 80 : i32
        %dma_start3A_556 = arith.constant 0 : i32
        %dma_start3A_557 = tpu.memref_slice %arg15[%dma_start3A_555, %dma_start3A_556] : memref<400x64xf32, #tpu.memory_space<vmem>> -> memref<80x64xf32, #tpu.memory_space<vmem>>
        %dma_start3A_558 = arith.constant 80 : i32
        %dma_start3A_559 = tpu.memref_slice %arg13[%dma_start3A_558] : memref<400xi32, #tpu.memory_space<vmem>> -> memref<80xi32, #tpu.memory_space<vmem>>
        %dma_start3A_560 = arith.constant 0 : i32
        %dma_start3A_561 = arith.constant 0 : i32
        %dma_start3A_562 = tpu.memref_slice %arg3[%dma_start3A_560, %dma_start3A_561] : memref<300000x64xf32, #tpu.memory_space<hbm>> -> memref<300000x64xf32, #tpu.memory_space<hbm>>
        tpu.enqueue_indirect_dma source(%dma_start3A_562 : memref<300000x64xf32, #tpu.memory_space<hbm>>) target(%dma_start3A_557 : memref<80x64xf32, #tpu.memory_space<vmem>>) offsets(%dma_start3A_559 : memref<80xi32, #tpu.memory_space<vmem>>) semaphore(%arg25 : memref<!tpu.dma_semaphore, #tpu.memory_space<semaphore_mem>>)
        %dma_start3A_563 = arith.constant 160 : i32
        %dma_start3A_564 = arith.constant 0 : i32
        %dma_start3A_565 = tpu.memref_slice %arg15[%dma_start3A_563, %dma_start3A_564] : memref<400x64xf32, #tpu.memory_space<vmem>> -> memref<80x64xf32, #tpu.memory_space<vmem>>
        %dma_start3A_566 = arith.constant 160 : i32
        %dma_start3A_567 = tpu.memref_slice %arg13[%dma_start3A_566] : memref<400xi32, #tpu.memory_space<vmem>> -> memref<80xi32, #tpu.memory_space<vmem>>
        %dma_start3A_568 = arith.constant 0 : i32
        %dma_start3A_569 = arith.constant 0 : i32
        %dma_start3A_570 = tpu.memref_slice %arg3[%dma_start3A_568, %dma_start3A_569] : memref<300000x64xf32, #tpu.memory_space<hbm>> -> memref<300000x64xf32, #tpu.memory_space<hbm>>
        tpu.enqueue_indirect_dma source(%dma_start3A_570 : memref<300000x64xf32, #tpu.memory_space<hbm>>) target(%dma_start3A_565 : memref<80x64xf32, #tpu.memory_space<vmem>>) offsets(%dma_start3A_567 : memref<80xi32, #tpu.memory_space<vmem>>) semaphore(%arg25 : memref<!tpu.dma_semaphore, #tpu.memory_space<semaphore_mem>>)
        %dma_start3A_571 = arith.constant 240 : i32
        %dma_start3A_572 = arith.constant 0 : i32
        %dma_start3A_573 = tpu.memref_slice %arg15[%dma_start3A_571, %dma_start3A_572] : memref<400x64xf32, #tpu.memory_space<vmem>> -> memref<80x64xf32, #tpu.memory_space<vmem>>
        %dma_start3A_574 = arith.constant 240 : i32
        %dma_start3A_575 = tpu.memref_slice %arg13[%dma_start3A_574] : memref<400xi32, #tpu.memory_space<vmem>> -> memref<80xi32, #tpu.memory_space<vmem>>
        %dma_start3A_576 = arith.constant 0 : i32
        %dma_start3A_577 = arith.constant 0 : i32
        %dma_start3A_578 = tpu.memref_slice %arg3[%dma_start3A_576, %dma_start3A_577] : memref<300000x64xf32, #tpu.memory_space<hbm>> -> memref<300000x64xf32, #tpu.memory_space<hbm>>
        tpu.enqueue_indirect_dma source(%dma_start3A_578 : memref<300000x64xf32, #tpu.memory_space<hbm>>) target(%dma_start3A_573 : memref<80x64xf32, #tpu.memory_space<vmem>>) offsets(%dma_start3A_575 : memref<80xi32, #tpu.memory_space<vmem>>) semaphore(%arg25 : memref<!tpu.dma_semaphore, #tpu.memory_space<semaphore_mem>>)
        %dma_start3A_579 = arith.constant 320 : i32
        %dma_start3A_580 = arith.constant 0 : i32
        %dma_start3A_581 = tpu.memref_slice %arg15[%dma_start3A_579, %dma_start3A_580] : memref<400x64xf32, #tpu.memory_space<vmem>> -> memref<80x64xf32, #tpu.memory_space<vmem>>
        %dma_start3A_582 = arith.constant 320 : i32
        %dma_start3A_583 = tpu.memref_slice %arg13[%dma_start3A_582] : memref<400xi32, #tpu.memory_space<vmem>> -> memref<80xi32, #tpu.memory_space<vmem>>
        %dma_start3A_584 = arith.constant 0 : i32
        %dma_start3A_585 = arith.constant 0 : i32
        %dma_start3A_586 = tpu.memref_slice %arg3[%dma_start3A_584, %dma_start3A_585] : memref<300000x64xf32, #tpu.memory_space<hbm>> -> memref<300000x64xf32, #tpu.memory_space<hbm>>
        tpu.enqueue_indirect_dma source(%dma_start3A_586 : memref<300000x64xf32, #tpu.memory_space<hbm>>) target(%dma_start3A_581 : memref<80x64xf32, #tpu.memory_space<vmem>>) offsets(%dma_start3A_583 : memref<80xi32, #tpu.memory_space<vmem>>) semaphore(%arg25 : memref<!tpu.dma_semaphore, #tpu.memory_space<semaphore_mem>>)
      } else {
      }
      %dma_wait3A_180 = arith.constant 0 : i32
      %dma_wait3A_181 = arith.constant 0 : i32
      %dma_wait3A_182 = tpu.memref_slice %arg9[%dma_wait3A_180, %dma_wait3A_181] : memref<400x64xf32, #tpu.memory_space<vmem>> -> memref<80x64xf32, #tpu.memory_space<vmem>>
      %dma_wait3A_183 = arith.constant 0 : i32
      %dma_wait3A_184 = tpu.memref_slice %arg8[%dma_wait3A_183] : memref<400xi32, #tpu.memory_space<vmem>> -> memref<80xi32, #tpu.memory_space<vmem>>
      %dma_wait3A_185 = arith.constant 0 : i32
      %dma_wait3A_186 = arith.constant 0 : i32
      %dma_wait3A_187 = tpu.memref_slice %arg4[%dma_wait3A_185, %dma_wait3A_186] : memref<300000x64xf32, #tpu.memory_space<hbm>> -> memref<300000x64xf32, #tpu.memory_space<hbm>>
      tpu.wait_indirect_dma semaphore(%arg20 : memref<!tpu.dma_semaphore, #tpu.memory_space<semaphore_mem>>) src(%dma_wait3A_187 : memref<300000x64xf32, #tpu.memory_space<hbm>>) dst(%dma_wait3A_182 : memref<80x64xf32, #tpu.memory_space<vmem>>)
      %dma_wait3A_188 = arith.constant 80 : i32
      %dma_wait3A_189 = arith.constant 0 : i32
      %dma_wait3A_190 = tpu.memref_slice %arg9[%dma_wait3A_188, %dma_wait3A_189] : memref<400x64xf32, #tpu.memory_space<vmem>> -> memref<80x64xf32, #tpu.memory_space<vmem>>
      %dma_wait3A_191 = arith.constant 80 : i32
      %dma_wait3A_192 = tpu.memref_slice %arg8[%dma_wait3A_191] : memref<400xi32, #tpu.memory_space<vmem>> -> memref<80xi32, #tpu.memory_space<vmem>>
      %dma_wait3A_193 = arith.constant 0 : i32
      %dma_wait3A_194 = arith.constant 0 : i32
      %dma_wait3A_195 = tpu.memref_slice %arg4[%dma_wait3A_193, %dma_wait3A_194] : memref<300000x64xf32, #tpu.memory_space<hbm>> -> memref<300000x64xf32, #tpu.memory_space<hbm>>
      tpu.wait_indirect_dma semaphore(%arg20 : memref<!tpu.dma_semaphore, #tpu.memory_space<semaphore_mem>>) src(%dma_wait3A_195 : memref<300000x64xf32, #tpu.memory_space<hbm>>) dst(%dma_wait3A_190 : memref<80x64xf32, #tpu.memory_space<vmem>>)
      %dma_wait3A_196 = arith.constant 160 : i32
      %dma_wait3A_197 = arith.constant 0 : i32
      %dma_wait3A_198 = tpu.memref_slice %arg9[%dma_wait3A_196, %dma_wait3A_197] : memref<400x64xf32, #tpu.memory_space<vmem>> -> memref<80x64xf32, #tpu.memory_space<vmem>>
      %dma_wait3A_199 = arith.constant 160 : i32
      %dma_wait3A_200 = tpu.memref_slice %arg8[%dma_wait3A_199] : memref<400xi32, #tpu.memory_space<vmem>> -> memref<80xi32, #tpu.memory_space<vmem>>
      %dma_wait3A_201 = arith.constant 0 : i32
      %dma_wait3A_202 = arith.constant 0 : i32
      %dma_wait3A_203 = tpu.memref_slice %arg4[%dma_wait3A_201, %dma_wait3A_202] : memref<300000x64xf32, #tpu.memory_space<hbm>> -> memref<300000x64xf32, #tpu.memory_space<hbm>>
      tpu.wait_indirect_dma semaphore(%arg20 : memref<!tpu.dma_semaphore, #tpu.memory_space<semaphore_mem>>) src(%dma_wait3A_203 : memref<300000x64xf32, #tpu.memory_space<hbm>>) dst(%dma_wait3A_198 : memref<80x64xf32, #tpu.memory_space<vmem>>)
      %dma_wait3A_204 = arith.constant 240 : i32
      %dma_wait3A_205 = arith.constant 0 : i32
      %dma_wait3A_206 = tpu.memref_slice %arg9[%dma_wait3A_204, %dma_wait3A_205] : memref<400x64xf32, #tpu.memory_space<vmem>> -> memref<80x64xf32, #tpu.memory_space<vmem>>
      %dma_wait3A_207 = arith.constant 240 : i32
      %dma_wait3A_208 = tpu.memref_slice %arg8[%dma_wait3A_207] : memref<400xi32, #tpu.memory_space<vmem>> -> memref<80xi32, #tpu.memory_space<vmem>>
      %dma_wait3A_209 = arith.constant 0 : i32
      %dma_wait3A_210 = arith.constant 0 : i32
      %dma_wait3A_211 = tpu.memref_slice %arg4[%dma_wait3A_209, %dma_wait3A_210] : memref<300000x64xf32, #tpu.memory_space<hbm>> -> memref<300000x64xf32, #tpu.memory_space<hbm>>
      tpu.wait_indirect_dma semaphore(%arg20 : memref<!tpu.dma_semaphore, #tpu.memory_space<semaphore_mem>>) src(%dma_wait3A_211 : memref<300000x64xf32, #tpu.memory_space<hbm>>) dst(%dma_wait3A_206 : memref<80x64xf32, #tpu.memory_space<vmem>>)
      %dma_wait3A_212 = arith.constant 320 : i32
      %dma_wait3A_213 = arith.constant 0 : i32
      %dma_wait3A_214 = tpu.memref_slice %arg9[%dma_wait3A_212, %dma_wait3A_213] : memref<400x64xf32, #tpu.memory_space<vmem>> -> memref<80x64xf32, #tpu.memory_space<vmem>>
      %dma_wait3A_215 = arith.constant 320 : i32
      %dma_wait3A_216 = tpu.memref_slice %arg8[%dma_wait3A_215] : memref<400xi32, #tpu.memory_space<vmem>> -> memref<80xi32, #tpu.memory_space<vmem>>
      %dma_wait3A_217 = arith.constant 0 : i32
      %dma_wait3A_218 = arith.constant 0 : i32
      %dma_wait3A_219 = tpu.memref_slice %arg4[%dma_wait3A_217, %dma_wait3A_218] : memref<300000x64xf32, #tpu.memory_space<hbm>> -> memref<300000x64xf32, #tpu.memory_space<hbm>>
      tpu.wait_indirect_dma semaphore(%arg20 : memref<!tpu.dma_semaphore, #tpu.memory_space<semaphore_mem>>) src(%dma_wait3A_219 : memref<300000x64xf32, #tpu.memory_space<hbm>>) dst(%dma_wait3A_214 : memref<80x64xf32, #tpu.memory_space<vmem>>)
      %mul3A_220 = arith.constant 400 : i32
      %mul3A_221 = arith.muli %add3A_129, %mul3A_220 : i32
      %add3A_222 = arith.addi %mul3A_2, %mul3A_221 : i32
      %dma_start3A_223 = arith.constant 0 : i32
      %dma_start3A_224 = tpu.memref_slice %arg5[%add3A_222, %dma_start3A_223] : memref<819200x64xf32, #tpu.memory_space<hbm>> -> memref<400x64xf32, #tpu.memory_space<hbm>>
      %dma_start3A_225 = arith.constant 0 : i32
      %dma_start3A_226 = tpu.memref_slice %arg5[%add3A_222, %dma_start3A_225] : memref<819200x64xf32, #tpu.memory_space<hbm>> -> memref<400x64xf32, #tpu.memory_space<hbm>>
      tpu.enqueue_dma source(%arg9 : memref<400x64xf32, #tpu.memory_space<vmem>>) target(%dma_start3A_226 : memref<400x64xf32, #tpu.memory_space<hbm>>) target_semaphore(%arg21 : memref<!tpu.dma_semaphore, #tpu.memory_space<semaphore_mem>>)
      %add3A_227 = arith.constant 1 : i32
      %add3A_228 = arith.addi %add3A_127, %add3A_227 : i32
      %dma_wait3A_229 = arith.constant 0 : i32
      %dma_wait3A_230 = arith.constant 0 : i32
      %dma_wait3A_231 = tpu.memref_slice %arg3[%dma_wait3A_229, %dma_wait3A_230] : memref<300000x64xf32, #tpu.memory_space<hbm>> -> memref<400x64xf32, #tpu.memory_space<hbm>>
      %dma_wait3A_232 = arith.constant 0 : i32
      %dma_wait3A_233 = arith.constant 0 : i32
      %dma_wait3A_234 = tpu.memref_slice %arg3[%dma_wait3A_232, %dma_wait3A_233] : memref<300000x64xf32, #tpu.memory_space<hbm>> -> memref<400x64xf32, #tpu.memory_space<hbm>>
      tpu.wait_dma2 semaphore(%arg22 : memref<!tpu.dma_semaphore, #tpu.memory_space<semaphore_mem>>) src(%dma_wait3A_234 : memref<400x64xf32, #tpu.memory_space<hbm>>) dst(%arg12 : memref<400x64xf32, #tpu.memory_space<vmem>>)
      %dma_start3A_235 = arith.constant 0 : i32
      %dma_start3A_236 = arith.constant 0 : i32
      %dma_start3A_237 = tpu.memref_slice %arg12[%dma_start3A_235, %dma_start3A_236] : memref<400x64xf32, #tpu.memory_space<vmem>> -> memref<80x64xf32, #tpu.memory_space<vmem>>
      %dma_start3A_238 = arith.constant 0 : i32
      %dma_start3A_239 = tpu.memref_slice %arg11[%dma_start3A_238] : memref<400xi32, #tpu.memory_space<vmem>> -> memref<80xi32, #tpu.memory_space<vmem>>
      %dma_start3A_240 = arith.constant 0 : i32
      %dma_start3A_241 = arith.constant 0 : i32
      %dma_start3A_242 = tpu.memref_slice %arg4[%dma_start3A_240, %dma_start3A_241] : memref<300000x64xf32, #tpu.memory_space<hbm>> -> memref<300000x64xf32, #tpu.memory_space<hbm>>
      tpu.enqueue_indirect_dma source(%dma_start3A_242 : memref<300000x64xf32, #tpu.memory_space<hbm>>) target(%dma_start3A_237 : memref<80x64xf32, #tpu.memory_space<vmem>>) offsets(%dma_start3A_239 : memref<80xi32, #tpu.memory_space<vmem>>) semaphore(%arg23 : memref<!tpu.dma_semaphore, #tpu.memory_space<semaphore_mem>>) {add = true}
      %dma_start3A_243 = arith.constant 80 : i32
      %dma_start3A_244 = arith.constant 0 : i32
      %dma_start3A_245 = tpu.memref_slice %arg12[%dma_start3A_243, %dma_start3A_244] : memref<400x64xf32, #tpu.memory_space<vmem>> -> memref<80x64xf32, #tpu.memory_space<vmem>>
      %dma_start3A_246 = arith.constant 80 : i32
      %dma_start3A_247 = tpu.memref_slice %arg11[%dma_start3A_246] : memref<400xi32, #tpu.memory_space<vmem>> -> memref<80xi32, #tpu.memory_space<vmem>>
      %dma_start3A_248 = arith.constant 0 : i32
      %dma_start3A_249 = arith.constant 0 : i32
      %dma_start3A_250 = tpu.memref_slice %arg4[%dma_start3A_248, %dma_start3A_249] : memref<300000x64xf32, #tpu.memory_space<hbm>> -> memref<300000x64xf32, #tpu.memory_space<hbm>>
      tpu.enqueue_indirect_dma source(%dma_start3A_250 : memref<300000x64xf32, #tpu.memory_space<hbm>>) target(%dma_start3A_245 : memref<80x64xf32, #tpu.memory_space<vmem>>) offsets(%dma_start3A_247 : memref<80xi32, #tpu.memory_space<vmem>>) semaphore(%arg23 : memref<!tpu.dma_semaphore, #tpu.memory_space<semaphore_mem>>) {add = true}
      %dma_start3A_251 = arith.constant 160 : i32
      %dma_start3A_252 = arith.constant 0 : i32
      %dma_start3A_253 = tpu.memref_slice %arg12[%dma_start3A_251, %dma_start3A_252] : memref<400x64xf32, #tpu.memory_space<vmem>> -> memref<80x64xf32, #tpu.memory_space<vmem>>
      %dma_start3A_254 = arith.constant 160 : i32
      %dma_start3A_255 = tpu.memref_slice %arg11[%dma_start3A_254] : memref<400xi32, #tpu.memory_space<vmem>> -> memref<80xi32, #tpu.memory_space<vmem>>
      %dma_start3A_256 = arith.constant 0 : i32
      %dma_start3A_257 = arith.constant 0 : i32
      %dma_start3A_258 = tpu.memref_slice %arg4[%dma_start3A_256, %dma_start3A_257] : memref<300000x64xf32, #tpu.memory_space<hbm>> -> memref<300000x64xf32, #tpu.memory_space<hbm>>
      tpu.enqueue_indirect_dma source(%dma_start3A_258 : memref<300000x64xf32, #tpu.memory_space<hbm>>) target(%dma_start3A_253 : memref<80x64xf32, #tpu.memory_space<vmem>>) offsets(%dma_start3A_255 : memref<80xi32, #tpu.memory_space<vmem>>) semaphore(%arg23 : memref<!tpu.dma_semaphore, #tpu.memory_space<semaphore_mem>>) {add = true}
      %dma_start3A_259 = arith.constant 240 : i32
      %dma_start3A_260 = arith.constant 0 : i32
      %dma_start3A_261 = tpu.memref_slice %arg12[%dma_start3A_259, %dma_start3A_260] : memref<400x64xf32, #tpu.memory_space<vmem>> -> memref<80x64xf32, #tpu.memory_space<vmem>>
      %dma_start3A_262 = arith.constant 240 : i32
      %dma_start3A_263 = tpu.memref_slice %arg11[%dma_start3A_262] : memref<400xi32, #tpu.memory_space<vmem>> -> memref<80xi32, #tpu.memory_space<vmem>>
      %dma_start3A_264 = arith.constant 0 : i32
      %dma_start3A_265 = arith.constant 0 : i32
      %dma_start3A_266 = tpu.memref_slice %arg4[%dma_start3A_264, %dma_start3A_265] : memref<300000x64xf32, #tpu.memory_space<hbm>> -> memref<300000x64xf32, #tpu.memory_space<hbm>>
      tpu.enqueue_indirect_dma source(%dma_start3A_266 : memref<300000x64xf32, #tpu.memory_space<hbm>>) target(%dma_start3A_261 : memref<80x64xf32, #tpu.memory_space<vmem>>) offsets(%dma_start3A_263 : memref<80xi32, #tpu.memory_space<vmem>>) semaphore(%arg23 : memref<!tpu.dma_semaphore, #tpu.memory_space<semaphore_mem>>) {add = true}
      %dma_start3A_267 = arith.constant 320 : i32
      %dma_start3A_268 = arith.constant 0 : i32
      %dma_start3A_269 = tpu.memref_slice %arg12[%dma_start3A_267, %dma_start3A_268] : memref<400x64xf32, #tpu.memory_space<vmem>> -> memref<80x64xf32, #tpu.memory_space<vmem>>
      %dma_start3A_270 = arith.constant 320 : i32
      %dma_start3A_271 = tpu.memref_slice %arg11[%dma_start3A_270] : memref<400xi32, #tpu.memory_space<vmem>> -> memref<80xi32, #tpu.memory_space<vmem>>
      %dma_start3A_272 = arith.constant 0 : i32
      %dma_start3A_273 = arith.constant 0 : i32
      %dma_start3A_274 = tpu.memref_slice %arg4[%dma_start3A_272, %dma_start3A_273] : memref<300000x64xf32, #tpu.memory_space<hbm>> -> memref<300000x64xf32, #tpu.memory_space<hbm>>
      tpu.enqueue_indirect_dma source(%dma_start3A_274 : memref<300000x64xf32, #tpu.memory_space<hbm>>) target(%dma_start3A_269 : memref<80x64xf32, #tpu.memory_space<vmem>>) offsets(%dma_start3A_271 : memref<80xi32, #tpu.memory_space<vmem>>) semaphore(%arg23 : memref<!tpu.dma_semaphore, #tpu.memory_space<semaphore_mem>>) {add = true}
      %add3A_275 = arith.constant 2 : i32
      %add3A_276 = arith.addi %add3A_228, %add3A_275 : i32
      %lt3A_277 = arith.constant 64 : i32
      %lt3A_278 = arith.cmpi slt, %add3A_276, %lt3A_277 : i32
      %convert_element_type3A_279 = arith.extui %lt3A_278 : i1 to i32
      %cond3A_280 = arith.constant 0 : i32
      %cond3A_281 = arith.cmpi ne, %convert_element_type3A_279, %cond3A_280 : i32
      scf.if %cond3A_281 {
        %ge3A = arith.constant 2 : i32
        %ge3A_533 = arith.cmpi sge, %add3A_228, %ge3A : i32
        %convert_element_type3A_534 = arith.extui %ge3A_533 : i1 to i32
        %cond3A_535 = arith.constant 0 : i32
        %cond3A_536 = arith.cmpi ne, %convert_element_type3A_534, %cond3A_535 : i32
        scf.if %cond3A_536 {
          %dma_wait3A_587 = arith.constant 0 : i32
          %dma_wait3A_588 = arith.constant 0 : i32
          %dma_wait3A_589 = tpu.memref_slice %arg5[%dma_wait3A_587, %dma_wait3A_588] : memref<819200x64xf32, #tpu.memory_space<hbm>> -> memref<400x64xf32, #tpu.memory_space<hbm>>
          %dma_wait3A_590 = arith.constant 0 : i32
          %dma_wait3A_591 = arith.constant 0 : i32
          %dma_wait3A_592 = tpu.memref_slice %arg5[%dma_wait3A_590, %dma_wait3A_591] : memref<819200x64xf32, #tpu.memory_space<hbm>> -> memref<400x64xf32, #tpu.memory_space<hbm>>
          tpu.wait_dma2 semaphore(%arg30 : memref<!tpu.dma_semaphore, #tpu.memory_space<semaphore_mem>>) src(%arg18 : memref<400x64xf32, #tpu.memory_space<vmem>>) dst(%dma_wait3A_592 : memref<400x64xf32, #tpu.memory_space<hbm>>)
        } else {
        }
        %add3A_537 = arith.constant 2 : i32
        %add3A_538 = arith.addi %add3A_228, %add3A_537 : i32
        %mul3A_539 = arith.constant 400 : i32
        %mul3A_540 = arith.muli %add3A_538, %mul3A_539 : i32
        %add3A_541 = arith.addi %mul3A_2, %mul3A_540 : i32
        "tpu.region"() ({
          %run_scoped3A = tpu.sem_alloc : memref<!tpu.dma_semaphore, #tpu.memory_space<semaphore_mem>>
          %dma_start3A_587 = arith.constant 16 : i32
          %dma_start3A_588 = tpu.memref_slice %arg6[%dma_start3A_587] : memref<416xi32, #tpu.memory_space<vmem>> -> memref<400xi32, #tpu.memory_space<vmem>>
          %dma_start3A_589 = tpu.memref_slice %arg2[%add3A_541] : memref<819200xi32, #tpu.memory_space<hbm>> -> memref<400xi32, #tpu.memory_space<hbm>>
          %dma_start3A_590 = arith.constant 16 : i32
          %dma_start3A_591 = tpu.memref_slice %arg6[%dma_start3A_590] : memref<416xi32, #tpu.memory_space<vmem>> -> memref<400xi32, #tpu.memory_space<vmem>>
          %dma_start3A_592 = tpu.memref_slice %arg2[%add3A_541] : memref<819200xi32, #tpu.memory_space<hbm>> -> memref<400xi32, #tpu.memory_space<hbm>>
          tpu.enqueue_dma source(%dma_start3A_592 : memref<400xi32, #tpu.memory_space<hbm>>) target(%dma_start3A_591 : memref<400xi32, #tpu.memory_space<vmem>>) target_semaphore(%run_scoped3A : memref<!tpu.dma_semaphore, #tpu.memory_space<semaphore_mem>>)
          %dma_wait3A_593 = arith.constant 16 : i32
          %dma_wait3A_594 = tpu.memref_slice %arg6[%dma_wait3A_593] : memref<416xi32, #tpu.memory_space<vmem>> -> memref<400xi32, #tpu.memory_space<vmem>>
          %dma_wait3A_595 = tpu.memref_slice %arg2[%add3A_541] : memref<819200xi32, #tpu.memory_space<hbm>> -> memref<400xi32, #tpu.memory_space<hbm>>
          %dma_wait3A_596 = arith.constant 16 : i32
          %dma_wait3A_597 = tpu.memref_slice %arg6[%dma_wait3A_596] : memref<416xi32, #tpu.memory_space<vmem>> -> memref<400xi32, #tpu.memory_space<vmem>>
          %dma_wait3A_598 = tpu.memref_slice %arg2[%add3A_541] : memref<819200xi32, #tpu.memory_space<hbm>> -> memref<400xi32, #tpu.memory_space<hbm>>
          tpu.wait_dma2 semaphore(%run_scoped3A : memref<!tpu.dma_semaphore, #tpu.memory_space<semaphore_mem>>) src(%dma_wait3A_598 : memref<400xi32, #tpu.memory_space<hbm>>) dst(%dma_wait3A_597 : memref<400xi32, #tpu.memory_space<vmem>>)
          tpu.yield
        }) : () -> ()
        %scan3A_542 = arith.constant 0 : i32
        %scan3A_543 = arith.constant 25 : i32
        %scan3A_544 = arith.addi %scan3A_542, %scan3A_543 : i32
        %scan3A_545 = arith.constant 1 : i32
        scf.for %scan3A_587 = %scan3A_542 to %scan3A_544 step %scan3A_545  : i32 {
          %mul3A_588 = arith.constant 16 : i32
          %mul3A_589 = arith.muli %scan3A_587, %mul3A_588 : i32
          %add3A_590 = arith.constant 0 : i32
          %add3A_591 = arith.addi %add3A_590, %mul3A_589 : i32
          %add3A_592 = arith.constant 16 : i32
          %add3A_593 = arith.addi %add3A_591, %add3A_592 : i32
          %get3A = arith.index_cast %add3A_593 : i32 to index
          %get3A_594 = tpu.vector_load %arg6[%get3A] {strides = array<i32>} : memref<416xi32, #tpu.memory_space<vmem>>, vector<16xi32>,
          %get3A_595 = vector.shape_cast %get3A_594 : vector<16xi32> to vector<16xi32>
          %add3A_596 = arith.constant 16 : i32
          %add3A_597 = arith.addi %add3A_591, %add3A_596 : i32
          %sub3A = arith.constant 1 : i32
          %sub3A_598 = arith.subi %add3A_597, %sub3A : i32
          %get3A_599 = arith.index_cast %sub3A_598 : i32 to index
          %get3A_600 = tpu.vector_load %arg6[%get3A_599] {strides = array<i32>} : memref<416xi32, #tpu.memory_space<vmem>>, vector<16xi32>,
          %get3A_601 = vector.shape_cast %get3A_600 : vector<16xi32> to vector<16xi32>
          %add3A_602 = vector.broadcast %add3A_591 : i32 to vector<16xi32>
          %add3A_603 = arith.addi %iota3A, %add3A_602 : vector<16xi32>
          %ge3A_604 = arith.constant 400 : i32
          %ge3A_605 = vector.broadcast %ge3A_604 : i32 to vector<16xi32>
          %ge3A_606 = arith.cmpi sge, %add3A_603, %ge3A_605 : vector<16xi32>
          %sub3A_607 = arith.constant 400 : i32
          %sub3A_608 = vector.broadcast %sub3A_607 : i32 to vector<16xi32>
          %sub3A_609 = arith.subi %add3A_603, %sub3A_608 : vector<16xi32>
          %select_n3A = arith.select %ge3A_606, %sub3A_609, %add3A_603 : vector<16xi1>, vector<16xi32>
          %ge3A_610 = arith.constant 200 : i32
          %ge3A_611 = vector.broadcast %ge3A_610 : i32 to vector<16xi32>
          %ge3A_612 = arith.cmpi sge, %select_n3A, %ge3A_611 : vector<16xi32>
          %sub3A_613 = arith.constant 200 : i32
          %sub3A_614 = vector.broadcast %sub3A_613 : i32 to vector<16xi32>
          %sub3A_615 = arith.subi %select_n3A, %sub3A_614 : vector<16xi32>
          %select_n3A_616 = arith.select %ge3A_612, %sub3A_615, %select_n3A : vector<16xi1>, vector<16xi32>
          %eq3A = arith.constant 0 : i32
          %eq3A_617 = vector.broadcast %eq3A : i32 to vector<16xi32>
          %eq3A_618 = arith.cmpi eq, %select_n3A_616, %eq3A_617 : vector<16xi32>
          %jit3A = arith.constant 0 : i32
          %broadcast_in_dim3A = vector.broadcast %jit3A : i32 to vector<16xi32>
          %select_n3A_619 = arith.select %eq3A_618, %broadcast_in_dim3A, %get3A_601 : vector<16xi1>, vector<16xi32>
          %convert_element_type3A_620 = arith.sitofp %get3A_595 : vector<16xi32> to vector<16xf32>
          %mul3A_621 = arith.constant 3.33333332E-6 : f32
          %mul3A_622 = vector.broadcast %mul3A_621 : f32 to vector<16xf32>
          %mul3A_623 = arith.mulf %convert_element_type3A_620, %mul3A_622 : vector<16xf32>
          %convert_element_type3A_624 = arith.fptosi %mul3A_623 : vector<16xf32> to vector<16xi32>
          %mul3A_625 = arith.constant 300000 : i32
          %mul3A_626 = vector.broadcast %mul3A_625 : i32 to vector<16xi32>
          %mul3A_627 = arith.muli %convert_element_type3A_624, %mul3A_626 : vector<16xi32>
          %sub3A_628 = arith.subi %get3A_595, %mul3A_627 : vector<16xi32>
          %ge3A_629 = arith.constant 300000 : i32
          %ge3A_630 = vector.broadcast %ge3A_629 : i32 to vector<16xi32>
          %ge3A_631 = arith.cmpi sge, %sub3A_628, %ge3A_630 : vector<16xi32>
          %sub3A_632 = arith.constant 300000 : i32
          %sub3A_633 = vector.broadcast %sub3A_632 : i32 to vector<16xi32>
          %sub3A_634 = arith.subi %sub3A_628, %sub3A_633 : vector<16xi32>
          %select_n3A_635 = arith.select %ge3A_631, %sub3A_634, %sub3A_628 : vector<16xi1>, vector<16xi32>
          %lt3A_636 = arith.constant 0 : i32
          %lt3A_637 = vector.broadcast %lt3A_636 : i32 to vector<16xi32>
          %lt3A_638 = arith.cmpi slt, %select_n3A_635, %lt3A_637 : vector<16xi32>
          %add3A_639 = arith.constant 300000 : i32
          %add3A_640 = vector.broadcast %add3A_639 : i32 to vector<16xi32>
          %add3A_641 = arith.addi %select_n3A_635, %add3A_640 : vector<16xi32>
          %select_n3A_642 = arith.select %lt3A_638, %add3A_641, %select_n3A_635 : vector<16xi1>, vector<16xi32>
          %swap3A = arith.index_cast %add3A_591 : i32 to index
          %swap3A_643 = tpu.vector_load %arg16[%swap3A] {strides = array<i32>} : memref<400xi32, #tpu.memory_space<vmem>>, vector<16xi32>,
          %swap3A_644 = vector.shape_cast %swap3A_643 : vector<16xi32> to vector<16xi32>
          %swap3A_645 = vector.shape_cast %select_n3A_642 : vector<16xi32> to vector<16xi32>
          tpu.vector_store %arg16[%swap3A], %swap3A_645 {strides = array<i32>} : memref<400xi32, #tpu.memory_space<vmem>>, vector<16xi32>,
          %convert_element_type3A_646 = arith.sitofp %select_n3A_619 : vector<16xi32> to vector<16xf32>
          %mul3A_647 = arith.constant 3.33333332E-6 : f32
          %mul3A_648 = vector.broadcast %mul3A_647 : f32 to vector<16xf32>
          %mul3A_649 = arith.mulf %convert_element_type3A_646, %mul3A_648 : vector<16xf32>
          %convert_element_type3A_650 = arith.fptosi %mul3A_649 : vector<16xf32> to vector<16xi32>
          %mul3A_651 = arith.constant 300000 : i32
          %mul3A_652 = vector.broadcast %mul3A_651 : i32 to vector<16xi32>
          %mul3A_653 = arith.muli %convert_element_type3A_650, %mul3A_652 : vector<16xi32>
          %sub3A_654 = arith.subi %select_n3A_619, %mul3A_653 : vector<16xi32>
          %ge3A_655 = arith.constant 300000 : i32
          %ge3A_656 = vector.broadcast %ge3A_655 : i32 to vector<16xi32>
          %ge3A_657 = arith.cmpi sge, %sub3A_654, %ge3A_656 : vector<16xi32>
          %sub3A_658 = arith.constant 300000 : i32
          %sub3A_659 = vector.broadcast %sub3A_658 : i32 to vector<16xi32>
          %sub3A_660 = arith.subi %sub3A_654, %sub3A_659 : vector<16xi32>
          %select_n3A_661 = arith.select %ge3A_657, %sub3A_660, %sub3A_654 : vector<16xi1>, vector<16xi32>
          %lt3A_662 = arith.constant 0 : i32
          %lt3A_663 = vector.broadcast %lt3A_662 : i32 to vector<16xi32>
          %lt3A_664 = arith.cmpi slt, %select_n3A_661, %lt3A_663 : vector<16xi32>
          %add3A_665 = arith.constant 300000 : i32
          %add3A_666 = vector.broadcast %add3A_665 : i32 to vector<16xi32>
          %add3A_667 = arith.addi %select_n3A_661, %add3A_666 : vector<16xi32>
          %select_n3A_668 = arith.select %lt3A_664, %add3A_667, %select_n3A_661 : vector<16xi1>, vector<16xi32>
          %mul3A_669 = arith.constant 31 : i32
          %mul3A_670 = vector.broadcast %mul3A_669 : i32 to vector<16xi32>
          %mul3A_671 = arith.muli %select_n3A_668, %mul3A_670 : vector<16xi32>
          %add3A_672 = arith.addi %mul3A_671, %get3A_595 : vector<16xi32>
          %convert_element_type3A_673 = arith.sitofp %add3A_672 : vector<16xi32> to vector<16xf32>
          %mul3A_674 = arith.constant 3.33333332E-6 : f32
          %mul3A_675 = vector.broadcast %mul3A_674 : f32 to vector<16xf32>
          %mul3A_676 = arith.mulf %convert_element_type3A_673, %mul3A_675 : vector<16xf32>
          %convert_element_type3A_677 = arith.fptosi %mul3A_676 : vector<16xf32> to vector<16xi32>
          %mul3A_678 = arith.constant 300000 : i32
          %mul3A_679 = vector.broadcast %mul3A_678 : i32 to vector<16xi32>
          %mul3A_680 = arith.muli %convert_element_type3A_677, %mul3A_679 : vector<16xi32>
          %sub3A_681 = arith.subi %add3A_672, %mul3A_680 : vector<16xi32>
          %ge3A_682 = arith.constant 300000 : i32
          %ge3A_683 = vector.broadcast %ge3A_682 : i32 to vector<16xi32>
          %ge3A_684 = arith.cmpi sge, %sub3A_681, %ge3A_683 : vector<16xi32>
          %sub3A_685 = arith.constant 300000 : i32
          %sub3A_686 = vector.broadcast %sub3A_685 : i32 to vector<16xi32>
          %sub3A_687 = arith.subi %sub3A_681, %sub3A_686 : vector<16xi32>
          %select_n3A_688 = arith.select %ge3A_684, %sub3A_687, %sub3A_681 : vector<16xi1>, vector<16xi32>
          %lt3A_689 = arith.constant 0 : i32
          %lt3A_690 = vector.broadcast %lt3A_689 : i32 to vector<16xi32>
          %lt3A_691 = arith.cmpi slt, %select_n3A_688, %lt3A_690 : vector<16xi32>
          %add3A_692 = arith.constant 300000 : i32
          %add3A_693 = vector.broadcast %add3A_692 : i32 to vector<16xi32>
          %add3A_694 = arith.addi %select_n3A_688, %add3A_693 : vector<16xi32>
          %select_n3A_695 = arith.select %lt3A_691, %add3A_694, %select_n3A_688 : vector<16xi1>, vector<16xi32>
          %swap3A_696 = arith.index_cast %add3A_591 : i32 to index
          %swap3A_697 = tpu.vector_load %arg17[%swap3A_696] {strides = array<i32>} : memref<400xi32, #tpu.memory_space<vmem>>, vector<16xi32>,
          %swap3A_698 = vector.shape_cast %swap3A_697 : vector<16xi32> to vector<16xi32>
          %swap3A_699 = vector.shape_cast %select_n3A_695 : vector<16xi32> to vector<16xi32>
          tpu.vector_store %arg17[%swap3A_696], %swap3A_699 {strides = array<i32>} : memref<400xi32, #tpu.memory_space<vmem>>, vector<16xi32>,
        }
        %scan3A_546 = arith.constant 25 : i32
        %dma_start3A_547 = arith.constant 0 : i32
        %dma_start3A_548 = arith.constant 0 : i32
        %dma_start3A_549 = tpu.memref_slice %arg18[%dma_start3A_547, %dma_start3A_548] : memref<400x64xf32, #tpu.memory_space<vmem>> -> memref<80x64xf32, #tpu.memory_space<vmem>>
        %dma_start3A_550 = arith.constant 0 : i32
        %dma_start3A_551 = tpu.memref_slice %arg16[%dma_start3A_550] : memref<400xi32, #tpu.memory_space<vmem>> -> memref<80xi32, #tpu.memory_space<vmem>>
        %dma_start3A_552 = arith.constant 0 : i32
        %dma_start3A_553 = arith.constant 0 : i32
        %dma_start3A_554 = tpu.memref_slice %arg3[%dma_start3A_552, %dma_start3A_553] : memref<300000x64xf32, #tpu.memory_space<hbm>> -> memref<300000x64xf32, #tpu.memory_space<hbm>>
        tpu.enqueue_indirect_dma source(%dma_start3A_554 : memref<300000x64xf32, #tpu.memory_space<hbm>>) target(%dma_start3A_549 : memref<80x64xf32, #tpu.memory_space<vmem>>) offsets(%dma_start3A_551 : memref<80xi32, #tpu.memory_space<vmem>>) semaphore(%arg28 : memref<!tpu.dma_semaphore, #tpu.memory_space<semaphore_mem>>)
        %dma_start3A_555 = arith.constant 80 : i32
        %dma_start3A_556 = arith.constant 0 : i32
        %dma_start3A_557 = tpu.memref_slice %arg18[%dma_start3A_555, %dma_start3A_556] : memref<400x64xf32, #tpu.memory_space<vmem>> -> memref<80x64xf32, #tpu.memory_space<vmem>>
        %dma_start3A_558 = arith.constant 80 : i32
        %dma_start3A_559 = tpu.memref_slice %arg16[%dma_start3A_558] : memref<400xi32, #tpu.memory_space<vmem>> -> memref<80xi32, #tpu.memory_space<vmem>>
        %dma_start3A_560 = arith.constant 0 : i32
        %dma_start3A_561 = arith.constant 0 : i32
        %dma_start3A_562 = tpu.memref_slice %arg3[%dma_start3A_560, %dma_start3A_561] : memref<300000x64xf32, #tpu.memory_space<hbm>> -> memref<300000x64xf32, #tpu.memory_space<hbm>>
        tpu.enqueue_indirect_dma source(%dma_start3A_562 : memref<300000x64xf32, #tpu.memory_space<hbm>>) target(%dma_start3A_557 : memref<80x64xf32, #tpu.memory_space<vmem>>) offsets(%dma_start3A_559 : memref<80xi32, #tpu.memory_space<vmem>>) semaphore(%arg28 : memref<!tpu.dma_semaphore, #tpu.memory_space<semaphore_mem>>)
        %dma_start3A_563 = arith.constant 160 : i32
        %dma_start3A_564 = arith.constant 0 : i32
        %dma_start3A_565 = tpu.memref_slice %arg18[%dma_start3A_563, %dma_start3A_564] : memref<400x64xf32, #tpu.memory_space<vmem>> -> memref<80x64xf32, #tpu.memory_space<vmem>>
        %dma_start3A_566 = arith.constant 160 : i32
        %dma_start3A_567 = tpu.memref_slice %arg16[%dma_start3A_566] : memref<400xi32, #tpu.memory_space<vmem>> -> memref<80xi32, #tpu.memory_space<vmem>>
        %dma_start3A_568 = arith.constant 0 : i32
        %dma_start3A_569 = arith.constant 0 : i32
        %dma_start3A_570 = tpu.memref_slice %arg3[%dma_start3A_568, %dma_start3A_569] : memref<300000x64xf32, #tpu.memory_space<hbm>> -> memref<300000x64xf32, #tpu.memory_space<hbm>>
        tpu.enqueue_indirect_dma source(%dma_start3A_570 : memref<300000x64xf32, #tpu.memory_space<hbm>>) target(%dma_start3A_565 : memref<80x64xf32, #tpu.memory_space<vmem>>) offsets(%dma_start3A_567 : memref<80xi32, #tpu.memory_space<vmem>>) semaphore(%arg28 : memref<!tpu.dma_semaphore, #tpu.memory_space<semaphore_mem>>)
        %dma_start3A_571 = arith.constant 240 : i32
        %dma_start3A_572 = arith.constant 0 : i32
        %dma_start3A_573 = tpu.memref_slice %arg18[%dma_start3A_571, %dma_start3A_572] : memref<400x64xf32, #tpu.memory_space<vmem>> -> memref<80x64xf32, #tpu.memory_space<vmem>>
        %dma_start3A_574 = arith.constant 240 : i32
        %dma_start3A_575 = tpu.memref_slice %arg16[%dma_start3A_574] : memref<400xi32, #tpu.memory_space<vmem>> -> memref<80xi32, #tpu.memory_space<vmem>>
        %dma_start3A_576 = arith.constant 0 : i32
        %dma_start3A_577 = arith.constant 0 : i32
        %dma_start3A_578 = tpu.memref_slice %arg3[%dma_start3A_576, %dma_start3A_577] : memref<300000x64xf32, #tpu.memory_space<hbm>> -> memref<300000x64xf32, #tpu.memory_space<hbm>>
        tpu.enqueue_indirect_dma source(%dma_start3A_578 : memref<300000x64xf32, #tpu.memory_space<hbm>>) target(%dma_start3A_573 : memref<80x64xf32, #tpu.memory_space<vmem>>) offsets(%dma_start3A_575 : memref<80xi32, #tpu.memory_space<vmem>>) semaphore(%arg28 : memref<!tpu.dma_semaphore, #tpu.memory_space<semaphore_mem>>)
        %dma_start3A_579 = arith.constant 320 : i32
        %dma_start3A_580 = arith.constant 0 : i32
        %dma_start3A_581 = tpu.memref_slice %arg18[%dma_start3A_579, %dma_start3A_580] : memref<400x64xf32, #tpu.memory_space<vmem>> -> memref<80x64xf32, #tpu.memory_space<vmem>>
        %dma_start3A_582 = arith.constant 320 : i32
        %dma_start3A_583 = tpu.memref_slice %arg16[%dma_start3A_582] : memref<400xi32, #tpu.memory_space<vmem>> -> memref<80xi32, #tpu.memory_space<vmem>>
        %dma_start3A_584 = arith.constant 0 : i32
        %dma_start3A_585 = arith.constant 0 : i32
        %dma_start3A_586 = tpu.memref_slice %arg3[%dma_start3A_584, %dma_start3A_585] : memref<300000x64xf32, #tpu.memory_space<hbm>> -> memref<300000x64xf32, #tpu.memory_space<hbm>>
        tpu.enqueue_indirect_dma source(%dma_start3A_586 : memref<300000x64xf32, #tpu.memory_space<hbm>>) target(%dma_start3A_581 : memref<80x64xf32, #tpu.memory_space<vmem>>) offsets(%dma_start3A_583 : memref<80xi32, #tpu.memory_space<vmem>>) semaphore(%arg28 : memref<!tpu.dma_semaphore, #tpu.memory_space<semaphore_mem>>)
      } else {
      }
      %dma_wait3A_282 = arith.constant 0 : i32
      %dma_wait3A_283 = arith.constant 0 : i32
      %dma_wait3A_284 = tpu.memref_slice %arg12[%dma_wait3A_282, %dma_wait3A_283] : memref<400x64xf32, #tpu.memory_space<vmem>> -> memref<80x64xf32, #tpu.memory_space<vmem>>
      %dma_wait3A_285 = arith.constant 0 : i32
      %dma_wait3A_286 = tpu.memref_slice %arg11[%dma_wait3A_285] : memref<400xi32, #tpu.memory_space<vmem>> -> memref<80xi32, #tpu.memory_space<vmem>>
      %dma_wait3A_287 = arith.constant 0 : i32
      %dma_wait3A_288 = arith.constant 0 : i32
      %dma_wait3A_289 = tpu.memref_slice %arg4[%dma_wait3A_287, %dma_wait3A_288] : memref<300000x64xf32, #tpu.memory_space<hbm>> -> memref<300000x64xf32, #tpu.memory_space<hbm>>
      tpu.wait_indirect_dma semaphore(%arg23 : memref<!tpu.dma_semaphore, #tpu.memory_space<semaphore_mem>>) src(%dma_wait3A_289 : memref<300000x64xf32, #tpu.memory_space<hbm>>) dst(%dma_wait3A_284 : memref<80x64xf32, #tpu.memory_space<vmem>>)
      %dma_wait3A_290 = arith.constant 80 : i32
      %dma_wait3A_291 = arith.constant 0 : i32
      %dma_wait3A_292 = tpu.memref_slice %arg12[%dma_wait3A_290, %dma_wait3A_291] : memref<400x64xf32, #tpu.memory_space<vmem>> -> memref<80x64xf32, #tpu.memory_space<vmem>>
      %dma_wait3A_293 = arith.constant 80 : i32
      %dma_wait3A_294 = tpu.memref_slice %arg11[%dma_wait3A_293] : memref<400xi32, #tpu.memory_space<vmem>> -> memref<80xi32, #tpu.memory_space<vmem>>
      %dma_wait3A_295 = arith.constant 0 : i32
      %dma_wait3A_296 = arith.constant 0 : i32
      %dma_wait3A_297 = tpu.memref_slice %arg4[%dma_wait3A_295, %dma_wait3A_296] : memref<300000x64xf32, #tpu.memory_space<hbm>> -> memref<300000x64xf32, #tpu.memory_space<hbm>>
      tpu.wait_indirect_dma semaphore(%arg23 : memref<!tpu.dma_semaphore, #tpu.memory_space<semaphore_mem>>) src(%dma_wait3A_297 : memref<300000x64xf32, #tpu.memory_space<hbm>>) dst(%dma_wait3A_292 : memref<80x64xf32, #tpu.memory_space<vmem>>)
      %dma_wait3A_298 = arith.constant 160 : i32
      %dma_wait3A_299 = arith.constant 0 : i32
      %dma_wait3A_300 = tpu.memref_slice %arg12[%dma_wait3A_298, %dma_wait3A_299] : memref<400x64xf32, #tpu.memory_space<vmem>> -> memref<80x64xf32, #tpu.memory_space<vmem>>
      %dma_wait3A_301 = arith.constant 160 : i32
      %dma_wait3A_302 = tpu.memref_slice %arg11[%dma_wait3A_301] : memref<400xi32, #tpu.memory_space<vmem>> -> memref<80xi32, #tpu.memory_space<vmem>>
      %dma_wait3A_303 = arith.constant 0 : i32
      %dma_wait3A_304 = arith.constant 0 : i32
      %dma_wait3A_305 = tpu.memref_slice %arg4[%dma_wait3A_303, %dma_wait3A_304] : memref<300000x64xf32, #tpu.memory_space<hbm>> -> memref<300000x64xf32, #tpu.memory_space<hbm>>
      tpu.wait_indirect_dma semaphore(%arg23 : memref<!tpu.dma_semaphore, #tpu.memory_space<semaphore_mem>>) src(%dma_wait3A_305 : memref<300000x64xf32, #tpu.memory_space<hbm>>) dst(%dma_wait3A_300 : memref<80x64xf32, #tpu.memory_space<vmem>>)
      %dma_wait3A_306 = arith.constant 240 : i32
      %dma_wait3A_307 = arith.constant 0 : i32
      %dma_wait3A_308 = tpu.memref_slice %arg12[%dma_wait3A_306, %dma_wait3A_307] : memref<400x64xf32, #tpu.memory_space<vmem>> -> memref<80x64xf32, #tpu.memory_space<vmem>>
      %dma_wait3A_309 = arith.constant 240 : i32
      %dma_wait3A_310 = tpu.memref_slice %arg11[%dma_wait3A_309] : memref<400xi32, #tpu.memory_space<vmem>> -> memref<80xi32, #tpu.memory_space<vmem>>
      %dma_wait3A_311 = arith.constant 0 : i32
      %dma_wait3A_312 = arith.constant 0 : i32
      %dma_wait3A_313 = tpu.memref_slice %arg4[%dma_wait3A_311, %dma_wait3A_312] : memref<300000x64xf32, #tpu.memory_space<hbm>> -> memref<300000x64xf32, #tpu.memory_space<hbm>>
      tpu.wait_indirect_dma semaphore(%arg23 : memref<!tpu.dma_semaphore, #tpu.memory_space<semaphore_mem>>) src(%dma_wait3A_313 : memref<300000x64xf32, #tpu.memory_space<hbm>>) dst(%dma_wait3A_308 : memref<80x64xf32, #tpu.memory_space<vmem>>)
      %dma_wait3A_314 = arith.constant 320 : i32
      %dma_wait3A_315 = arith.constant 0 : i32
      %dma_wait3A_316 = tpu.memref_slice %arg12[%dma_wait3A_314, %dma_wait3A_315] : memref<400x64xf32, #tpu.memory_space<vmem>> -> memref<80x64xf32, #tpu.memory_space<vmem>>
      %dma_wait3A_317 = arith.constant 320 : i32
      %dma_wait3A_318 = tpu.memref_slice %arg11[%dma_wait3A_317] : memref<400xi32, #tpu.memory_space<vmem>> -> memref<80xi32, #tpu.memory_space<vmem>>
      %dma_wait3A_319 = arith.constant 0 : i32
      %dma_wait3A_320 = arith.constant 0 : i32
      %dma_wait3A_321 = tpu.memref_slice %arg4[%dma_wait3A_319, %dma_wait3A_320] : memref<300000x64xf32, #tpu.memory_space<hbm>> -> memref<300000x64xf32, #tpu.memory_space<hbm>>
      tpu.wait_indirect_dma semaphore(%arg23 : memref<!tpu.dma_semaphore, #tpu.memory_space<semaphore_mem>>) src(%dma_wait3A_321 : memref<300000x64xf32, #tpu.memory_space<hbm>>) dst(%dma_wait3A_316 : memref<80x64xf32, #tpu.memory_space<vmem>>)
      %mul3A_322 = arith.constant 400 : i32
      %mul3A_323 = arith.muli %add3A_228, %mul3A_322 : i32
      %add3A_324 = arith.addi %mul3A_2, %mul3A_323 : i32
      %dma_start3A_325 = arith.constant 0 : i32
      %dma_start3A_326 = tpu.memref_slice %arg5[%add3A_324, %dma_start3A_325] : memref<819200x64xf32, #tpu.memory_space<hbm>> -> memref<400x64xf32, #tpu.memory_space<hbm>>
      %dma_start3A_327 = arith.constant 0 : i32
      %dma_start3A_328 = tpu.memref_slice %arg5[%add3A_324, %dma_start3A_327] : memref<819200x64xf32, #tpu.memory_space<hbm>> -> memref<400x64xf32, #tpu.memory_space<hbm>>
      tpu.enqueue_dma source(%arg12 : memref<400x64xf32, #tpu.memory_space<vmem>>) target(%dma_start3A_328 : memref<400x64xf32, #tpu.memory_space<hbm>>) target_semaphore(%arg24 : memref<!tpu.dma_semaphore, #tpu.memory_space<semaphore_mem>>)
      %add3A_329 = arith.constant 2 : i32
      %add3A_330 = arith.addi %add3A_127, %add3A_329 : i32
      %dma_wait3A_331 = arith.constant 0 : i32
      %dma_wait3A_332 = arith.constant 0 : i32
      %dma_wait3A_333 = tpu.memref_slice %arg3[%dma_wait3A_331, %dma_wait3A_332] : memref<300000x64xf32, #tpu.memory_space<hbm>> -> memref<400x64xf32, #tpu.memory_space<hbm>>
      %dma_wait3A_334 = arith.constant 0 : i32
      %dma_wait3A_335 = arith.constant 0 : i32
      %dma_wait3A_336 = tpu.memref_slice %arg3[%dma_wait3A_334, %dma_wait3A_335] : memref<300000x64xf32, #tpu.memory_space<hbm>> -> memref<400x64xf32, #tpu.memory_space<hbm>>
      tpu.wait_dma2 semaphore(%arg25 : memref<!tpu.dma_semaphore, #tpu.memory_space<semaphore_mem>>) src(%dma_wait3A_336 : memref<400x64xf32, #tpu.memory_space<hbm>>) dst(%arg15 : memref<400x64xf32, #tpu.memory_space<vmem>>)
      %dma_start3A_337 = arith.constant 0 : i32
      %dma_start3A_338 = arith.constant 0 : i32
      %dma_start3A_339 = tpu.memref_slice %arg15[%dma_start3A_337, %dma_start3A_338] : memref<400x64xf32, #tpu.memory_space<vmem>> -> memref<80x64xf32, #tpu.memory_space<vmem>>
      %dma_start3A_340 = arith.constant 0 : i32
      %dma_start3A_341 = tpu.memref_slice %arg14[%dma_start3A_340] : memref<400xi32, #tpu.memory_space<vmem>> -> memref<80xi32, #tpu.memory_space<vmem>>
      %dma_start3A_342 = arith.constant 0 : i32
      %dma_start3A_343 = arith.constant 0 : i32
      %dma_start3A_344 = tpu.memref_slice %arg4[%dma_start3A_342, %dma_start3A_343] : memref<300000x64xf32, #tpu.memory_space<hbm>> -> memref<300000x64xf32, #tpu.memory_space<hbm>>
      tpu.enqueue_indirect_dma source(%dma_start3A_344 : memref<300000x64xf32, #tpu.memory_space<hbm>>) target(%dma_start3A_339 : memref<80x64xf32, #tpu.memory_space<vmem>>) offsets(%dma_start3A_341 : memref<80xi32, #tpu.memory_space<vmem>>) semaphore(%arg26 : memref<!tpu.dma_semaphore, #tpu.memory_space<semaphore_mem>>) {add = true}
      %dma_start3A_345 = arith.constant 80 : i32
      %dma_start3A_346 = arith.constant 0 : i32
      %dma_start3A_347 = tpu.memref_slice %arg15[%dma_start3A_345, %dma_start3A_346] : memref<400x64xf32, #tpu.memory_space<vmem>> -> memref<80x64xf32, #tpu.memory_space<vmem>>
      %dma_start3A_348 = arith.constant 80 : i32
      %dma_start3A_349 = tpu.memref_slice %arg14[%dma_start3A_348] : memref<400xi32, #tpu.memory_space<vmem>> -> memref<80xi32, #tpu.memory_space<vmem>>
      %dma_start3A_350 = arith.constant 0 : i32
      %dma_start3A_351 = arith.constant 0 : i32
      %dma_start3A_352 = tpu.memref_slice %arg4[%dma_start3A_350, %dma_start3A_351] : memref<300000x64xf32, #tpu.memory_space<hbm>> -> memref<300000x64xf32, #tpu.memory_space<hbm>>
      tpu.enqueue_indirect_dma source(%dma_start3A_352 : memref<300000x64xf32, #tpu.memory_space<hbm>>) target(%dma_start3A_347 : memref<80x64xf32, #tpu.memory_space<vmem>>) offsets(%dma_start3A_349 : memref<80xi32, #tpu.memory_space<vmem>>) semaphore(%arg26 : memref<!tpu.dma_semaphore, #tpu.memory_space<semaphore_mem>>) {add = true}
      %dma_start3A_353 = arith.constant 160 : i32
      %dma_start3A_354 = arith.constant 0 : i32
      %dma_start3A_355 = tpu.memref_slice %arg15[%dma_start3A_353, %dma_start3A_354] : memref<400x64xf32, #tpu.memory_space<vmem>> -> memref<80x64xf32, #tpu.memory_space<vmem>>
      %dma_start3A_356 = arith.constant 160 : i32
      %dma_start3A_357 = tpu.memref_slice %arg14[%dma_start3A_356] : memref<400xi32, #tpu.memory_space<vmem>> -> memref<80xi32, #tpu.memory_space<vmem>>
      %dma_start3A_358 = arith.constant 0 : i32
      %dma_start3A_359 = arith.constant 0 : i32
      %dma_start3A_360 = tpu.memref_slice %arg4[%dma_start3A_358, %dma_start3A_359] : memref<300000x64xf32, #tpu.memory_space<hbm>> -> memref<300000x64xf32, #tpu.memory_space<hbm>>
      tpu.enqueue_indirect_dma source(%dma_start3A_360 : memref<300000x64xf32, #tpu.memory_space<hbm>>) target(%dma_start3A_355 : memref<80x64xf32, #tpu.memory_space<vmem>>) offsets(%dma_start3A_357 : memref<80xi32, #tpu.memory_space<vmem>>) semaphore(%arg26 : memref<!tpu.dma_semaphore, #tpu.memory_space<semaphore_mem>>) {add = true}
      %dma_start3A_361 = arith.constant 240 : i32
      %dma_start3A_362 = arith.constant 0 : i32
      %dma_start3A_363 = tpu.memref_slice %arg15[%dma_start3A_361, %dma_start3A_362] : memref<400x64xf32, #tpu.memory_space<vmem>> -> memref<80x64xf32, #tpu.memory_space<vmem>>
      %dma_start3A_364 = arith.constant 240 : i32
      %dma_start3A_365 = tpu.memref_slice %arg14[%dma_start3A_364] : memref<400xi32, #tpu.memory_space<vmem>> -> memref<80xi32, #tpu.memory_space<vmem>>
      %dma_start3A_366 = arith.constant 0 : i32
      %dma_start3A_367 = arith.constant 0 : i32
      %dma_start3A_368 = tpu.memref_slice %arg4[%dma_start3A_366, %dma_start3A_367] : memref<300000x64xf32, #tpu.memory_space<hbm>> -> memref<300000x64xf32, #tpu.memory_space<hbm>>
      tpu.enqueue_indirect_dma source(%dma_start3A_368 : memref<300000x64xf32, #tpu.memory_space<hbm>>) target(%dma_start3A_363 : memref<80x64xf32, #tpu.memory_space<vmem>>) offsets(%dma_start3A_365 : memref<80xi32, #tpu.memory_space<vmem>>) semaphore(%arg26 : memref<!tpu.dma_semaphore, #tpu.memory_space<semaphore_mem>>) {add = true}
      %dma_start3A_369 = arith.constant 320 : i32
      %dma_start3A_370 = arith.constant 0 : i32
      %dma_start3A_371 = tpu.memref_slice %arg15[%dma_start3A_369, %dma_start3A_370] : memref<400x64xf32, #tpu.memory_space<vmem>> -> memref<80x64xf32, #tpu.memory_space<vmem>>
      %dma_start3A_372 = arith.constant 320 : i32
      %dma_start3A_373 = tpu.memref_slice %arg14[%dma_start3A_372] : memref<400xi32, #tpu.memory_space<vmem>> -> memref<80xi32, #tpu.memory_space<vmem>>
      %dma_start3A_374 = arith.constant 0 : i32
      %dma_start3A_375 = arith.constant 0 : i32
      %dma_start3A_376 = tpu.memref_slice %arg4[%dma_start3A_374, %dma_start3A_375] : memref<300000x64xf32, #tpu.memory_space<hbm>> -> memref<300000x64xf32, #tpu.memory_space<hbm>>
      tpu.enqueue_indirect_dma source(%dma_start3A_376 : memref<300000x64xf32, #tpu.memory_space<hbm>>) target(%dma_start3A_371 : memref<80x64xf32, #tpu.memory_space<vmem>>) offsets(%dma_start3A_373 : memref<80xi32, #tpu.memory_space<vmem>>) semaphore(%arg26 : memref<!tpu.dma_semaphore, #tpu.memory_space<semaphore_mem>>) {add = true}
      %add3A_377 = arith.constant 2 : i32
      %add3A_378 = arith.addi %add3A_330, %add3A_377 : i32
      %lt3A_379 = arith.constant 64 : i32
      %lt3A_380 = arith.cmpi slt, %add3A_378, %lt3A_379 : i32
      %convert_element_type3A_381 = arith.extui %lt3A_380 : i1 to i32
      %cond3A_382 = arith.constant 0 : i32
      %cond3A_383 = arith.cmpi ne, %convert_element_type3A_381, %cond3A_382 : i32
      scf.if %cond3A_383 {
        %ge3A = arith.constant 2 : i32
        %ge3A_533 = arith.cmpi sge, %add3A_330, %ge3A : i32
        %convert_element_type3A_534 = arith.extui %ge3A_533 : i1 to i32
        %cond3A_535 = arith.constant 0 : i32
        %cond3A_536 = arith.cmpi ne, %convert_element_type3A_534, %cond3A_535 : i32
        scf.if %cond3A_536 {
          %dma_wait3A_587 = arith.constant 0 : i32
          %dma_wait3A_588 = arith.constant 0 : i32
          %dma_wait3A_589 = tpu.memref_slice %arg5[%dma_wait3A_587, %dma_wait3A_588] : memref<819200x64xf32, #tpu.memory_space<hbm>> -> memref<400x64xf32, #tpu.memory_space<hbm>>
          %dma_wait3A_590 = arith.constant 0 : i32
          %dma_wait3A_591 = arith.constant 0 : i32
          %dma_wait3A_592 = tpu.memref_slice %arg5[%dma_wait3A_590, %dma_wait3A_591] : memref<819200x64xf32, #tpu.memory_space<hbm>> -> memref<400x64xf32, #tpu.memory_space<hbm>>
          tpu.wait_dma2 semaphore(%arg21 : memref<!tpu.dma_semaphore, #tpu.memory_space<semaphore_mem>>) src(%arg9 : memref<400x64xf32, #tpu.memory_space<vmem>>) dst(%dma_wait3A_592 : memref<400x64xf32, #tpu.memory_space<hbm>>)
        } else {
        }
        %add3A_537 = arith.constant 2 : i32
        %add3A_538 = arith.addi %add3A_330, %add3A_537 : i32
        %mul3A_539 = arith.constant 400 : i32
        %mul3A_540 = arith.muli %add3A_538, %mul3A_539 : i32
        %add3A_541 = arith.addi %mul3A_2, %mul3A_540 : i32
        "tpu.region"() ({
          %run_scoped3A = tpu.sem_alloc : memref<!tpu.dma_semaphore, #tpu.memory_space<semaphore_mem>>
          %dma_start3A_587 = arith.constant 16 : i32
          %dma_start3A_588 = tpu.memref_slice %arg6[%dma_start3A_587] : memref<416xi32, #tpu.memory_space<vmem>> -> memref<400xi32, #tpu.memory_space<vmem>>
          %dma_start3A_589 = tpu.memref_slice %arg2[%add3A_541] : memref<819200xi32, #tpu.memory_space<hbm>> -> memref<400xi32, #tpu.memory_space<hbm>>
          %dma_start3A_590 = arith.constant 16 : i32
          %dma_start3A_591 = tpu.memref_slice %arg6[%dma_start3A_590] : memref<416xi32, #tpu.memory_space<vmem>> -> memref<400xi32, #tpu.memory_space<vmem>>
          %dma_start3A_592 = tpu.memref_slice %arg2[%add3A_541] : memref<819200xi32, #tpu.memory_space<hbm>> -> memref<400xi32, #tpu.memory_space<hbm>>
          tpu.enqueue_dma source(%dma_start3A_592 : memref<400xi32, #tpu.memory_space<hbm>>) target(%dma_start3A_591 : memref<400xi32, #tpu.memory_space<vmem>>) target_semaphore(%run_scoped3A : memref<!tpu.dma_semaphore, #tpu.memory_space<semaphore_mem>>)
          %dma_wait3A_593 = arith.constant 16 : i32
          %dma_wait3A_594 = tpu.memref_slice %arg6[%dma_wait3A_593] : memref<416xi32, #tpu.memory_space<vmem>> -> memref<400xi32, #tpu.memory_space<vmem>>
          %dma_wait3A_595 = tpu.memref_slice %arg2[%add3A_541] : memref<819200xi32, #tpu.memory_space<hbm>> -> memref<400xi32, #tpu.memory_space<hbm>>
          %dma_wait3A_596 = arith.constant 16 : i32
          %dma_wait3A_597 = tpu.memref_slice %arg6[%dma_wait3A_596] : memref<416xi32, #tpu.memory_space<vmem>> -> memref<400xi32, #tpu.memory_space<vmem>>
          %dma_wait3A_598 = tpu.memref_slice %arg2[%add3A_541] : memref<819200xi32, #tpu.memory_space<hbm>> -> memref<400xi32, #tpu.memory_space<hbm>>
          tpu.wait_dma2 semaphore(%run_scoped3A : memref<!tpu.dma_semaphore, #tpu.memory_space<semaphore_mem>>) src(%dma_wait3A_598 : memref<400xi32, #tpu.memory_space<hbm>>) dst(%dma_wait3A_597 : memref<400xi32, #tpu.memory_space<vmem>>)
          tpu.yield
        }) : () -> ()
        %scan3A_542 = arith.constant 0 : i32
        %scan3A_543 = arith.constant 25 : i32
        %scan3A_544 = arith.addi %scan3A_542, %scan3A_543 : i32
        %scan3A_545 = arith.constant 1 : i32
        scf.for %scan3A_587 = %scan3A_542 to %scan3A_544 step %scan3A_545  : i32 {
          %mul3A_588 = arith.constant 16 : i32
          %mul3A_589 = arith.muli %scan3A_587, %mul3A_588 : i32
          %add3A_590 = arith.constant 0 : i32
          %add3A_591 = arith.addi %add3A_590, %mul3A_589 : i32
          %add3A_592 = arith.constant 16 : i32
          %add3A_593 = arith.addi %add3A_591, %add3A_592 : i32
          %get3A = arith.index_cast %add3A_593 : i32 to index
          %get3A_594 = tpu.vector_load %arg6[%get3A] {strides = array<i32>} : memref<416xi32, #tpu.memory_space<vmem>>, vector<16xi32>,
          %get3A_595 = vector.shape_cast %get3A_594 : vector<16xi32> to vector<16xi32>
          %add3A_596 = arith.constant 16 : i32
          %add3A_597 = arith.addi %add3A_591, %add3A_596 : i32
          %sub3A = arith.constant 1 : i32
          %sub3A_598 = arith.subi %add3A_597, %sub3A : i32
          %get3A_599 = arith.index_cast %sub3A_598 : i32 to index
          %get3A_600 = tpu.vector_load %arg6[%get3A_599] {strides = array<i32>} : memref<416xi32, #tpu.memory_space<vmem>>, vector<16xi32>,
          %get3A_601 = vector.shape_cast %get3A_600 : vector<16xi32> to vector<16xi32>
          %add3A_602 = vector.broadcast %add3A_591 : i32 to vector<16xi32>
          %add3A_603 = arith.addi %iota3A, %add3A_602 : vector<16xi32>
          %ge3A_604 = arith.constant 400 : i32
          %ge3A_605 = vector.broadcast %ge3A_604 : i32 to vector<16xi32>
          %ge3A_606 = arith.cmpi sge, %add3A_603, %ge3A_605 : vector<16xi32>
          %sub3A_607 = arith.constant 400 : i32
          %sub3A_608 = vector.broadcast %sub3A_607 : i32 to vector<16xi32>
          %sub3A_609 = arith.subi %add3A_603, %sub3A_608 : vector<16xi32>
          %select_n3A = arith.select %ge3A_606, %sub3A_609, %add3A_603 : vector<16xi1>, vector<16xi32>
          %ge3A_610 = arith.constant 200 : i32
          %ge3A_611 = vector.broadcast %ge3A_610 : i32 to vector<16xi32>
          %ge3A_612 = arith.cmpi sge, %select_n3A, %ge3A_611 : vector<16xi32>
          %sub3A_613 = arith.constant 200 : i32
          %sub3A_614 = vector.broadcast %sub3A_613 : i32 to vector<16xi32>
          %sub3A_615 = arith.subi %select_n3A, %sub3A_614 : vector<16xi32>
          %select_n3A_616 = arith.select %ge3A_612, %sub3A_615, %select_n3A : vector<16xi1>, vector<16xi32>
          %eq3A = arith.constant 0 : i32
          %eq3A_617 = vector.broadcast %eq3A : i32 to vector<16xi32>
          %eq3A_618 = arith.cmpi eq, %select_n3A_616, %eq3A_617 : vector<16xi32>
          %jit3A = arith.constant 0 : i32
          %broadcast_in_dim3A = vector.broadcast %jit3A : i32 to vector<16xi32>
          %select_n3A_619 = arith.select %eq3A_618, %broadcast_in_dim3A, %get3A_601 : vector<16xi1>, vector<16xi32>
          %convert_element_type3A_620 = arith.sitofp %get3A_595 : vector<16xi32> to vector<16xf32>
          %mul3A_621 = arith.constant 3.33333332E-6 : f32
          %mul3A_622 = vector.broadcast %mul3A_621 : f32 to vector<16xf32>
          %mul3A_623 = arith.mulf %convert_element_type3A_620, %mul3A_622 : vector<16xf32>
          %convert_element_type3A_624 = arith.fptosi %mul3A_623 : vector<16xf32> to vector<16xi32>
          %mul3A_625 = arith.constant 300000 : i32
          %mul3A_626 = vector.broadcast %mul3A_625 : i32 to vector<16xi32>
          %mul3A_627 = arith.muli %convert_element_type3A_624, %mul3A_626 : vector<16xi32>
          %sub3A_628 = arith.subi %get3A_595, %mul3A_627 : vector<16xi32>
          %ge3A_629 = arith.constant 300000 : i32
          %ge3A_630 = vector.broadcast %ge3A_629 : i32 to vector<16xi32>
          %ge3A_631 = arith.cmpi sge, %sub3A_628, %ge3A_630 : vector<16xi32>
          %sub3A_632 = arith.constant 300000 : i32
          %sub3A_633 = vector.broadcast %sub3A_632 : i32 to vector<16xi32>
          %sub3A_634 = arith.subi %sub3A_628, %sub3A_633 : vector<16xi32>
          %select_n3A_635 = arith.select %ge3A_631, %sub3A_634, %sub3A_628 : vector<16xi1>, vector<16xi32>
          %lt3A_636 = arith.constant 0 : i32
          %lt3A_637 = vector.broadcast %lt3A_636 : i32 to vector<16xi32>
          %lt3A_638 = arith.cmpi slt, %select_n3A_635, %lt3A_637 : vector<16xi32>
          %add3A_639 = arith.constant 300000 : i32
          %add3A_640 = vector.broadcast %add3A_639 : i32 to vector<16xi32>
          %add3A_641 = arith.addi %select_n3A_635, %add3A_640 : vector<16xi32>
          %select_n3A_642 = arith.select %lt3A_638, %add3A_641, %select_n3A_635 : vector<16xi1>, vector<16xi32>
          %swap3A = arith.index_cast %add3A_591 : i32 to index
          %swap3A_643 = tpu.vector_load %arg7[%swap3A] {strides = array<i32>} : memref<400xi32, #tpu.memory_space<vmem>>, vector<16xi32>,
          %swap3A_644 = vector.shape_cast %swap3A_643 : vector<16xi32> to vector<16xi32>
          %swap3A_645 = vector.shape_cast %select_n3A_642 : vector<16xi32> to vector<16xi32>
          tpu.vector_store %arg7[%swap3A], %swap3A_645 {strides = array<i32>} : memref<400xi32, #tpu.memory_space<vmem>>, vector<16xi32>,
          %convert_element_type3A_646 = arith.sitofp %select_n3A_619 : vector<16xi32> to vector<16xf32>
          %mul3A_647 = arith.constant 3.33333332E-6 : f32
          %mul3A_648 = vector.broadcast %mul3A_647 : f32 to vector<16xf32>
          %mul3A_649 = arith.mulf %convert_element_type3A_646, %mul3A_648 : vector<16xf32>
          %convert_element_type3A_650 = arith.fptosi %mul3A_649 : vector<16xf32> to vector<16xi32>
          %mul3A_651 = arith.constant 300000 : i32
          %mul3A_652 = vector.broadcast %mul3A_651 : i32 to vector<16xi32>
          %mul3A_653 = arith.muli %convert_element_type3A_650, %mul3A_652 : vector<16xi32>
          %sub3A_654 = arith.subi %select_n3A_619, %mul3A_653 : vector<16xi32>
          %ge3A_655 = arith.constant 300000 : i32
          %ge3A_656 = vector.broadcast %ge3A_655 : i32 to vector<16xi32>
          %ge3A_657 = arith.cmpi sge, %sub3A_654, %ge3A_656 : vector<16xi32>
          %sub3A_658 = arith.constant 300000 : i32
          %sub3A_659 = vector.broadcast %sub3A_658 : i32 to vector<16xi32>
          %sub3A_660 = arith.subi %sub3A_654, %sub3A_659 : vector<16xi32>
          %select_n3A_661 = arith.select %ge3A_657, %sub3A_660, %sub3A_654 : vector<16xi1>, vector<16xi32>
          %lt3A_662 = arith.constant 0 : i32
          %lt3A_663 = vector.broadcast %lt3A_662 : i32 to vector<16xi32>
          %lt3A_664 = arith.cmpi slt, %select_n3A_661, %lt3A_663 : vector<16xi32>
          %add3A_665 = arith.constant 300000 : i32
          %add3A_666 = vector.broadcast %add3A_665 : i32 to vector<16xi32>
          %add3A_667 = arith.addi %select_n3A_661, %add3A_666 : vector<16xi32>
          %select_n3A_668 = arith.select %lt3A_664, %add3A_667, %select_n3A_661 : vector<16xi1>, vector<16xi32>
          %mul3A_669 = arith.constant 31 : i32
          %mul3A_670 = vector.broadcast %mul3A_669 : i32 to vector<16xi32>
          %mul3A_671 = arith.muli %select_n3A_668, %mul3A_670 : vector<16xi32>
          %add3A_672 = arith.addi %mul3A_671, %get3A_595 : vector<16xi32>
          %convert_element_type3A_673 = arith.sitofp %add3A_672 : vector<16xi32> to vector<16xf32>
          %mul3A_674 = arith.constant 3.33333332E-6 : f32
          %mul3A_675 = vector.broadcast %mul3A_674 : f32 to vector<16xf32>
          %mul3A_676 = arith.mulf %convert_element_type3A_673, %mul3A_675 : vector<16xf32>
          %convert_element_type3A_677 = arith.fptosi %mul3A_676 : vector<16xf32> to vector<16xi32>
          %mul3A_678 = arith.constant 300000 : i32
          %mul3A_679 = vector.broadcast %mul3A_678 : i32 to vector<16xi32>
          %mul3A_680 = arith.muli %convert_element_type3A_677, %mul3A_679 : vector<16xi32>
          %sub3A_681 = arith.subi %add3A_672, %mul3A_680 : vector<16xi32>
          %ge3A_682 = arith.constant 300000 : i32
          %ge3A_683 = vector.broadcast %ge3A_682 : i32 to vector<16xi32>
          %ge3A_684 = arith.cmpi sge, %sub3A_681, %ge3A_683 : vector<16xi32>
          %sub3A_685 = arith.constant 300000 : i32
          %sub3A_686 = vector.broadcast %sub3A_685 : i32 to vector<16xi32>
          %sub3A_687 = arith.subi %sub3A_681, %sub3A_686 : vector<16xi32>
          %select_n3A_688 = arith.select %ge3A_684, %sub3A_687, %sub3A_681 : vector<16xi1>, vector<16xi32>
          %lt3A_689 = arith.constant 0 : i32
          %lt3A_690 = vector.broadcast %lt3A_689 : i32 to vector<16xi32>
          %lt3A_691 = arith.cmpi slt, %select_n3A_688, %lt3A_690 : vector<16xi32>
          %add3A_692 = arith.constant 300000 : i32
          %add3A_693 = vector.broadcast %add3A_692 : i32 to vector<16xi32>
          %add3A_694 = arith.addi %select_n3A_688, %add3A_693 : vector<16xi32>
          %select_n3A_695 = arith.select %lt3A_691, %add3A_694, %select_n3A_688 : vector<16xi1>, vector<16xi32>
          %swap3A_696 = arith.index_cast %add3A_591 : i32 to index
          %swap3A_697 = tpu.vector_load %arg8[%swap3A_696] {strides = array<i32>} : memref<400xi32, #tpu.memory_space<vmem>>, vector<16xi32>,
          %swap3A_698 = vector.shape_cast %swap3A_697 : vector<16xi32> to vector<16xi32>
          %swap3A_699 = vector.shape_cast %select_n3A_695 : vector<16xi32> to vector<16xi32>
          tpu.vector_store %arg8[%swap3A_696], %swap3A_699 {strides = array<i32>} : memref<400xi32, #tpu.memory_space<vmem>>, vector<16xi32>,
        }
        %scan3A_546 = arith.constant 25 : i32
        %dma_start3A_547 = arith.constant 0 : i32
        %dma_start3A_548 = arith.constant 0 : i32
        %dma_start3A_549 = tpu.memref_slice %arg9[%dma_start3A_547, %dma_start3A_548] : memref<400x64xf32, #tpu.memory_space<vmem>> -> memref<80x64xf32, #tpu.memory_space<vmem>>
        %dma_start3A_550 = arith.constant 0 : i32
        %dma_start3A_551 = tpu.memref_slice %arg7[%dma_start3A_550] : memref<400xi32, #tpu.memory_space<vmem>> -> memref<80xi32, #tpu.memory_space<vmem>>
        %dma_start3A_552 = arith.constant 0 : i32
        %dma_start3A_553 = arith.constant 0 : i32
        %dma_start3A_554 = tpu.memref_slice %arg3[%dma_start3A_552, %dma_start3A_553] : memref<300000x64xf32, #tpu.memory_space<hbm>> -> memref<300000x64xf32, #tpu.memory_space<hbm>>
        tpu.enqueue_indirect_dma source(%dma_start3A_554 : memref<300000x64xf32, #tpu.memory_space<hbm>>) target(%dma_start3A_549 : memref<80x64xf32, #tpu.memory_space<vmem>>) offsets(%dma_start3A_551 : memref<80xi32, #tpu.memory_space<vmem>>) semaphore(%arg19 : memref<!tpu.dma_semaphore, #tpu.memory_space<semaphore_mem>>)
        %dma_start3A_555 = arith.constant 80 : i32
        %dma_start3A_556 = arith.constant 0 : i32
        %dma_start3A_557 = tpu.memref_slice %arg9[%dma_start3A_555, %dma_start3A_556] : memref<400x64xf32, #tpu.memory_space<vmem>> -> memref<80x64xf32, #tpu.memory_space<vmem>>
        %dma_start3A_558 = arith.constant 80 : i32
        %dma_start3A_559 = tpu.memref_slice %arg7[%dma_start3A_558] : memref<400xi32, #tpu.memory_space<vmem>> -> memref<80xi32, #tpu.memory_space<vmem>>
        %dma_start3A_560 = arith.constant 0 : i32
        %dma_start3A_561 = arith.constant 0 : i32
        %dma_start3A_562 = tpu.memref_slice %arg3[%dma_start3A_560, %dma_start3A_561] : memref<300000x64xf32, #tpu.memory_space<hbm>> -> memref<300000x64xf32, #tpu.memory_space<hbm>>
        tpu.enqueue_indirect_dma source(%dma_start3A_562 : memref<300000x64xf32, #tpu.memory_space<hbm>>) target(%dma_start3A_557 : memref<80x64xf32, #tpu.memory_space<vmem>>) offsets(%dma_start3A_559 : memref<80xi32, #tpu.memory_space<vmem>>) semaphore(%arg19 : memref<!tpu.dma_semaphore, #tpu.memory_space<semaphore_mem>>)
        %dma_start3A_563 = arith.constant 160 : i32
        %dma_start3A_564 = arith.constant 0 : i32
        %dma_start3A_565 = tpu.memref_slice %arg9[%dma_start3A_563, %dma_start3A_564] : memref<400x64xf32, #tpu.memory_space<vmem>> -> memref<80x64xf32, #tpu.memory_space<vmem>>
        %dma_start3A_566 = arith.constant 160 : i32
        %dma_start3A_567 = tpu.memref_slice %arg7[%dma_start3A_566] : memref<400xi32, #tpu.memory_space<vmem>> -> memref<80xi32, #tpu.memory_space<vmem>>
        %dma_start3A_568 = arith.constant 0 : i32
        %dma_start3A_569 = arith.constant 0 : i32
        %dma_start3A_570 = tpu.memref_slice %arg3[%dma_start3A_568, %dma_start3A_569] : memref<300000x64xf32, #tpu.memory_space<hbm>> -> memref<300000x64xf32, #tpu.memory_space<hbm>>
        tpu.enqueue_indirect_dma source(%dma_start3A_570 : memref<300000x64xf32, #tpu.memory_space<hbm>>) target(%dma_start3A_565 : memref<80x64xf32, #tpu.memory_space<vmem>>) offsets(%dma_start3A_567 : memref<80xi32, #tpu.memory_space<vmem>>) semaphore(%arg19 : memref<!tpu.dma_semaphore, #tpu.memory_space<semaphore_mem>>)
        %dma_start3A_571 = arith.constant 240 : i32
        %dma_start3A_572 = arith.constant 0 : i32
        %dma_start3A_573 = tpu.memref_slice %arg9[%dma_start3A_571, %dma_start3A_572] : memref<400x64xf32, #tpu.memory_space<vmem>> -> memref<80x64xf32, #tpu.memory_space<vmem>>
        %dma_start3A_574 = arith.constant 240 : i32
        %dma_start3A_575 = tpu.memref_slice %arg7[%dma_start3A_574] : memref<400xi32, #tpu.memory_space<vmem>> -> memref<80xi32, #tpu.memory_space<vmem>>
        %dma_start3A_576 = arith.constant 0 : i32
        %dma_start3A_577 = arith.constant 0 : i32
        %dma_start3A_578 = tpu.memref_slice %arg3[%dma_start3A_576, %dma_start3A_577] : memref<300000x64xf32, #tpu.memory_space<hbm>> -> memref<300000x64xf32, #tpu.memory_space<hbm>>
        tpu.enqueue_indirect_dma source(%dma_start3A_578 : memref<300000x64xf32, #tpu.memory_space<hbm>>) target(%dma_start3A_573 : memref<80x64xf32, #tpu.memory_space<vmem>>) offsets(%dma_start3A_575 : memref<80xi32, #tpu.memory_space<vmem>>) semaphore(%arg19 : memref<!tpu.dma_semaphore, #tpu.memory_space<semaphore_mem>>)
        %dma_start3A_579 = arith.constant 320 : i32
        %dma_start3A_580 = arith.constant 0 : i32
        %dma_start3A_581 = tpu.memref_slice %arg9[%dma_start3A_579, %dma_start3A_580] : memref<400x64xf32, #tpu.memory_space<vmem>> -> memref<80x64xf32, #tpu.memory_space<vmem>>
        %dma_start3A_582 = arith.constant 320 : i32
        %dma_start3A_583 = tpu.memref_slice %arg7[%dma_start3A_582] : memref<400xi32, #tpu.memory_space<vmem>> -> memref<80xi32, #tpu.memory_space<vmem>>
        %dma_start3A_584 = arith.constant 0 : i32
        %dma_start3A_585 = arith.constant 0 : i32
        %dma_start3A_586 = tpu.memref_slice %arg3[%dma_start3A_584, %dma_start3A_585] : memref<300000x64xf32, #tpu.memory_space<hbm>> -> memref<300000x64xf32, #tpu.memory_space<hbm>>
        tpu.enqueue_indirect_dma source(%dma_start3A_586 : memref<300000x64xf32, #tpu.memory_space<hbm>>) target(%dma_start3A_581 : memref<80x64xf32, #tpu.memory_space<vmem>>) offsets(%dma_start3A_583 : memref<80xi32, #tpu.memory_space<vmem>>) semaphore(%arg19 : memref<!tpu.dma_semaphore, #tpu.memory_space<semaphore_mem>>)
      } else {
      }
      %dma_wait3A_384 = arith.constant 0 : i32
      %dma_wait3A_385 = arith.constant 0 : i32
      %dma_wait3A_386 = tpu.memref_slice %arg15[%dma_wait3A_384, %dma_wait3A_385] : memref<400x64xf32, #tpu.memory_space<vmem>> -> memref<80x64xf32, #tpu.memory_space<vmem>>
      %dma_wait3A_387 = arith.constant 0 : i32
      %dma_wait3A_388 = tpu.memref_slice %arg14[%dma_wait3A_387] : memref<400xi32, #tpu.memory_space<vmem>> -> memref<80xi32, #tpu.memory_space<vmem>>
      %dma_wait3A_389 = arith.constant 0 : i32
      %dma_wait3A_390 = arith.constant 0 : i32
      %dma_wait3A_391 = tpu.memref_slice %arg4[%dma_wait3A_389, %dma_wait3A_390] : memref<300000x64xf32, #tpu.memory_space<hbm>> -> memref<300000x64xf32, #tpu.memory_space<hbm>>
      tpu.wait_indirect_dma semaphore(%arg26 : memref<!tpu.dma_semaphore, #tpu.memory_space<semaphore_mem>>) src(%dma_wait3A_391 : memref<300000x64xf32, #tpu.memory_space<hbm>>) dst(%dma_wait3A_386 : memref<80x64xf32, #tpu.memory_space<vmem>>)
      %dma_wait3A_392 = arith.constant 80 : i32
      %dma_wait3A_393 = arith.constant 0 : i32
      %dma_wait3A_394 = tpu.memref_slice %arg15[%dma_wait3A_392, %dma_wait3A_393] : memref<400x64xf32, #tpu.memory_space<vmem>> -> memref<80x64xf32, #tpu.memory_space<vmem>>
      %dma_wait3A_395 = arith.constant 80 : i32
      %dma_wait3A_396 = tpu.memref_slice %arg14[%dma_wait3A_395] : memref<400xi32, #tpu.memory_space<vmem>> -> memref<80xi32, #tpu.memory_space<vmem>>
      %dma_wait3A_397 = arith.constant 0 : i32
      %dma_wait3A_398 = arith.constant 0 : i32
      %dma_wait3A_399 = tpu.memref_slice %arg4[%dma_wait3A_397, %dma_wait3A_398] : memref<300000x64xf32, #tpu.memory_space<hbm>> -> memref<300000x64xf32, #tpu.memory_space<hbm>>
      tpu.wait_indirect_dma semaphore(%arg26 : memref<!tpu.dma_semaphore, #tpu.memory_space<semaphore_mem>>) src(%dma_wait3A_399 : memref<300000x64xf32, #tpu.memory_space<hbm>>) dst(%dma_wait3A_394 : memref<80x64xf32, #tpu.memory_space<vmem>>)
      %dma_wait3A_400 = arith.constant 160 : i32
      %dma_wait3A_401 = arith.constant 0 : i32
      %dma_wait3A_402 = tpu.memref_slice %arg15[%dma_wait3A_400, %dma_wait3A_401] : memref<400x64xf32, #tpu.memory_space<vmem>> -> memref<80x64xf32, #tpu.memory_space<vmem>>
      %dma_wait3A_403 = arith.constant 160 : i32
      %dma_wait3A_404 = tpu.memref_slice %arg14[%dma_wait3A_403] : memref<400xi32, #tpu.memory_space<vmem>> -> memref<80xi32, #tpu.memory_space<vmem>>
      %dma_wait3A_405 = arith.constant 0 : i32
      %dma_wait3A_406 = arith.constant 0 : i32
      %dma_wait3A_407 = tpu.memref_slice %arg4[%dma_wait3A_405, %dma_wait3A_406] : memref<300000x64xf32, #tpu.memory_space<hbm>> -> memref<300000x64xf32, #tpu.memory_space<hbm>>
      tpu.wait_indirect_dma semaphore(%arg26 : memref<!tpu.dma_semaphore, #tpu.memory_space<semaphore_mem>>) src(%dma_wait3A_407 : memref<300000x64xf32, #tpu.memory_space<hbm>>) dst(%dma_wait3A_402 : memref<80x64xf32, #tpu.memory_space<vmem>>)
      %dma_wait3A_408 = arith.constant 240 : i32
      %dma_wait3A_409 = arith.constant 0 : i32
      %dma_wait3A_410 = tpu.memref_slice %arg15[%dma_wait3A_408, %dma_wait3A_409] : memref<400x64xf32, #tpu.memory_space<vmem>> -> memref<80x64xf32, #tpu.memory_space<vmem>>
      %dma_wait3A_411 = arith.constant 240 : i32
      %dma_wait3A_412 = tpu.memref_slice %arg14[%dma_wait3A_411] : memref<400xi32, #tpu.memory_space<vmem>> -> memref<80xi32, #tpu.memory_space<vmem>>
      %dma_wait3A_413 = arith.constant 0 : i32
      %dma_wait3A_414 = arith.constant 0 : i32
      %dma_wait3A_415 = tpu.memref_slice %arg4[%dma_wait3A_413, %dma_wait3A_414] : memref<300000x64xf32, #tpu.memory_space<hbm>> -> memref<300000x64xf32, #tpu.memory_space<hbm>>
      tpu.wait_indirect_dma semaphore(%arg26 : memref<!tpu.dma_semaphore, #tpu.memory_space<semaphore_mem>>) src(%dma_wait3A_415 : memref<300000x64xf32, #tpu.memory_space<hbm>>) dst(%dma_wait3A_410 : memref<80x64xf32, #tpu.memory_space<vmem>>)
      %dma_wait3A_416 = arith.constant 320 : i32
      %dma_wait3A_417 = arith.constant 0 : i32
      %dma_wait3A_418 = tpu.memref_slice %arg15[%dma_wait3A_416, %dma_wait3A_417] : memref<400x64xf32, #tpu.memory_space<vmem>> -> memref<80x64xf32, #tpu.memory_space<vmem>>
      %dma_wait3A_419 = arith.constant 320 : i32
      %dma_wait3A_420 = tpu.memref_slice %arg14[%dma_wait3A_419] : memref<400xi32, #tpu.memory_space<vmem>> -> memref<80xi32, #tpu.memory_space<vmem>>
      %dma_wait3A_421 = arith.constant 0 : i32
      %dma_wait3A_422 = arith.constant 0 : i32
      %dma_wait3A_423 = tpu.memref_slice %arg4[%dma_wait3A_421, %dma_wait3A_422] : memref<300000x64xf32, #tpu.memory_space<hbm>> -> memref<300000x64xf32, #tpu.memory_space<hbm>>
      tpu.wait_indirect_dma semaphore(%arg26 : memref<!tpu.dma_semaphore, #tpu.memory_space<semaphore_mem>>) src(%dma_wait3A_423 : memref<300000x64xf32, #tpu.memory_space<hbm>>) dst(%dma_wait3A_418 : memref<80x64xf32, #tpu.memory_space<vmem>>)
      %mul3A_424 = arith.constant 400 : i32
      %mul3A_425 = arith.muli %add3A_330, %mul3A_424 : i32
      %add3A_426 = arith.addi %mul3A_2, %mul3A_425 : i32
      %dma_start3A_427 = arith.constant 0 : i32
      %dma_start3A_428 = tpu.memref_slice %arg5[%add3A_426, %dma_start3A_427] : memref<819200x64xf32, #tpu.memory_space<hbm>> -> memref<400x64xf32, #tpu.memory_space<hbm>>
      %dma_start3A_429 = arith.constant 0 : i32
      %dma_start3A_430 = tpu.memref_slice %arg5[%add3A_426, %dma_start3A_429] : memref<819200x64xf32, #tpu.memory_space<hbm>> -> memref<400x64xf32, #tpu.memory_space<hbm>>
      tpu.enqueue_dma source(%arg15 : memref<400x64xf32, #tpu.memory_space<vmem>>) target(%dma_start3A_430 : memref<400x64xf32, #tpu.memory_space<hbm>>) target_semaphore(%arg27 : memref<!tpu.dma_semaphore, #tpu.memory_space<semaphore_mem>>)
      %add3A_431 = arith.constant 3 : i32
      %add3A_432 = arith.addi %add3A_127, %add3A_431 : i32
      %dma_wait3A_433 = arith.constant 0 : i32
      %dma_wait3A_434 = arith.constant 0 : i32
      %dma_wait3A_435 = tpu.memref_slice %arg3[%dma_wait3A_433, %dma_wait3A_434] : memref<300000x64xf32, #tpu.memory_space<hbm>> -> memref<400x64xf32, #tpu.memory_space<hbm>>
      %dma_wait3A_436 = arith.constant 0 : i32
      %dma_wait3A_437 = arith.constant 0 : i32
      %dma_wait3A_438 = tpu.memref_slice %arg3[%dma_wait3A_436, %dma_wait3A_437] : memref<300000x64xf32, #tpu.memory_space<hbm>> -> memref<400x64xf32, #tpu.memory_space<hbm>>
      tpu.wait_dma2 semaphore(%arg28 : memref<!tpu.dma_semaphore, #tpu.memory_space<semaphore_mem>>) src(%dma_wait3A_438 : memref<400x64xf32, #tpu.memory_space<hbm>>) dst(%arg18 : memref<400x64xf32, #tpu.memory_space<vmem>>)
      %dma_start3A_439 = arith.constant 0 : i32
      %dma_start3A_440 = arith.constant 0 : i32
      %dma_start3A_441 = tpu.memref_slice %arg18[%dma_start3A_439, %dma_start3A_440] : memref<400x64xf32, #tpu.memory_space<vmem>> -> memref<80x64xf32, #tpu.memory_space<vmem>>
      %dma_start3A_442 = arith.constant 0 : i32
      %dma_start3A_443 = tpu.memref_slice %arg17[%dma_start3A_442] : memref<400xi32, #tpu.memory_space<vmem>> -> memref<80xi32, #tpu.memory_space<vmem>>
      %dma_start3A_444 = arith.constant 0 : i32
      %dma_start3A_445 = arith.constant 0 : i32
      %dma_start3A_446 = tpu.memref_slice %arg4[%dma_start3A_444, %dma_start3A_445] : memref<300000x64xf32, #tpu.memory_space<hbm>> -> memref<300000x64xf32, #tpu.memory_space<hbm>>
      tpu.enqueue_indirect_dma source(%dma_start3A_446 : memref<300000x64xf32, #tpu.memory_space<hbm>>) target(%dma_start3A_441 : memref<80x64xf32, #tpu.memory_space<vmem>>) offsets(%dma_start3A_443 : memref<80xi32, #tpu.memory_space<vmem>>) semaphore(%arg29 : memref<!tpu.dma_semaphore, #tpu.memory_space<semaphore_mem>>) {add = true}
      %dma_start3A_447 = arith.constant 80 : i32
      %dma_start3A_448 = arith.constant 0 : i32
      %dma_start3A_449 = tpu.memref_slice %arg18[%dma_start3A_447, %dma_start3A_448] : memref<400x64xf32, #tpu.memory_space<vmem>> -> memref<80x64xf32, #tpu.memory_space<vmem>>
      %dma_start3A_450 = arith.constant 80 : i32
      %dma_start3A_451 = tpu.memref_slice %arg17[%dma_start3A_450] : memref<400xi32, #tpu.memory_space<vmem>> -> memref<80xi32, #tpu.memory_space<vmem>>
      %dma_start3A_452 = arith.constant 0 : i32
      %dma_start3A_453 = arith.constant 0 : i32
      %dma_start3A_454 = tpu.memref_slice %arg4[%dma_start3A_452, %dma_start3A_453] : memref<300000x64xf32, #tpu.memory_space<hbm>> -> memref<300000x64xf32, #tpu.memory_space<hbm>>
      tpu.enqueue_indirect_dma source(%dma_start3A_454 : memref<300000x64xf32, #tpu.memory_space<hbm>>) target(%dma_start3A_449 : memref<80x64xf32, #tpu.memory_space<vmem>>) offsets(%dma_start3A_451 : memref<80xi32, #tpu.memory_space<vmem>>) semaphore(%arg29 : memref<!tpu.dma_semaphore, #tpu.memory_space<semaphore_mem>>) {add = true}
      %dma_start3A_455 = arith.constant 160 : i32
      %dma_start3A_456 = arith.constant 0 : i32
      %dma_start3A_457 = tpu.memref_slice %arg18[%dma_start3A_455, %dma_start3A_456] : memref<400x64xf32, #tpu.memory_space<vmem>> -> memref<80x64xf32, #tpu.memory_space<vmem>>
      %dma_start3A_458 = arith.constant 160 : i32
      %dma_start3A_459 = tpu.memref_slice %arg17[%dma_start3A_458] : memref<400xi32, #tpu.memory_space<vmem>> -> memref<80xi32, #tpu.memory_space<vmem>>
      %dma_start3A_460 = arith.constant 0 : i32
      %dma_start3A_461 = arith.constant 0 : i32
      %dma_start3A_462 = tpu.memref_slice %arg4[%dma_start3A_460, %dma_start3A_461] : memref<300000x64xf32, #tpu.memory_space<hbm>> -> memref<300000x64xf32, #tpu.memory_space<hbm>>
      tpu.enqueue_indirect_dma source(%dma_start3A_462 : memref<300000x64xf32, #tpu.memory_space<hbm>>) target(%dma_start3A_457 : memref<80x64xf32, #tpu.memory_space<vmem>>) offsets(%dma_start3A_459 : memref<80xi32, #tpu.memory_space<vmem>>) semaphore(%arg29 : memref<!tpu.dma_semaphore, #tpu.memory_space<semaphore_mem>>) {add = true}
      %dma_start3A_463 = arith.constant 240 : i32
      %dma_start3A_464 = arith.constant 0 : i32
      %dma_start3A_465 = tpu.memref_slice %arg18[%dma_start3A_463, %dma_start3A_464] : memref<400x64xf32, #tpu.memory_space<vmem>> -> memref<80x64xf32, #tpu.memory_space<vmem>>
      %dma_start3A_466 = arith.constant 240 : i32
      %dma_start3A_467 = tpu.memref_slice %arg17[%dma_start3A_466] : memref<400xi32, #tpu.memory_space<vmem>> -> memref<80xi32, #tpu.memory_space<vmem>>
      %dma_start3A_468 = arith.constant 0 : i32
      %dma_start3A_469 = arith.constant 0 : i32
      %dma_start3A_470 = tpu.memref_slice %arg4[%dma_start3A_468, %dma_start3A_469] : memref<300000x64xf32, #tpu.memory_space<hbm>> -> memref<300000x64xf32, #tpu.memory_space<hbm>>
      tpu.enqueue_indirect_dma source(%dma_start3A_470 : memref<300000x64xf32, #tpu.memory_space<hbm>>) target(%dma_start3A_465 : memref<80x64xf32, #tpu.memory_space<vmem>>) offsets(%dma_start3A_467 : memref<80xi32, #tpu.memory_space<vmem>>) semaphore(%arg29 : memref<!tpu.dma_semaphore, #tpu.memory_space<semaphore_mem>>) {add = true}
      %dma_start3A_471 = arith.constant 320 : i32
      %dma_start3A_472 = arith.constant 0 : i32
      %dma_start3A_473 = tpu.memref_slice %arg18[%dma_start3A_471, %dma_start3A_472] : memref<400x64xf32, #tpu.memory_space<vmem>> -> memref<80x64xf32, #tpu.memory_space<vmem>>
      %dma_start3A_474 = arith.constant 320 : i32
      %dma_start3A_475 = tpu.memref_slice %arg17[%dma_start3A_474] : memref<400xi32, #tpu.memory_space<vmem>> -> memref<80xi32, #tpu.memory_space<vmem>>
      %dma_start3A_476 = arith.constant 0 : i32
      %dma_start3A_477 = arith.constant 0 : i32
      %dma_start3A_478 = tpu.memref_slice %arg4[%dma_start3A_476, %dma_start3A_477] : memref<300000x64xf32, #tpu.memory_space<hbm>> -> memref<300000x64xf32, #tpu.memory_space<hbm>>
      tpu.enqueue_indirect_dma source(%dma_start3A_478 : memref<300000x64xf32, #tpu.memory_space<hbm>>) target(%dma_start3A_473 : memref<80x64xf32, #tpu.memory_space<vmem>>) offsets(%dma_start3A_475 : memref<80xi32, #tpu.memory_space<vmem>>) semaphore(%arg29 : memref<!tpu.dma_semaphore, #tpu.memory_space<semaphore_mem>>) {add = true}
      %add3A_479 = arith.constant 2 : i32
      %add3A_480 = arith.addi %add3A_432, %add3A_479 : i32
      %lt3A_481 = arith.constant 64 : i32
      %lt3A_482 = arith.cmpi slt, %add3A_480, %lt3A_481 : i32
      %convert_element_type3A_483 = arith.extui %lt3A_482 : i1 to i32
      %cond3A_484 = arith.constant 0 : i32
      %cond3A_485 = arith.cmpi ne, %convert_element_type3A_483, %cond3A_484 : i32
      scf.if %cond3A_485 {
        %ge3A = arith.constant 2 : i32
        %ge3A_533 = arith.cmpi sge, %add3A_432, %ge3A : i32
        %convert_element_type3A_534 = arith.extui %ge3A_533 : i1 to i32
        %cond3A_535 = arith.constant 0 : i32
        %cond3A_536 = arith.cmpi ne, %convert_element_type3A_534, %cond3A_535 : i32
        scf.if %cond3A_536 {
          %dma_wait3A_587 = arith.constant 0 : i32
          %dma_wait3A_588 = arith.constant 0 : i32
          %dma_wait3A_589 = tpu.memref_slice %arg5[%dma_wait3A_587, %dma_wait3A_588] : memref<819200x64xf32, #tpu.memory_space<hbm>> -> memref<400x64xf32, #tpu.memory_space<hbm>>
          %dma_wait3A_590 = arith.constant 0 : i32
          %dma_wait3A_591 = arith.constant 0 : i32
          %dma_wait3A_592 = tpu.memref_slice %arg5[%dma_wait3A_590, %dma_wait3A_591] : memref<819200x64xf32, #tpu.memory_space<hbm>> -> memref<400x64xf32, #tpu.memory_space<hbm>>
          tpu.wait_dma2 semaphore(%arg24 : memref<!tpu.dma_semaphore, #tpu.memory_space<semaphore_mem>>) src(%arg12 : memref<400x64xf32, #tpu.memory_space<vmem>>) dst(%dma_wait3A_592 : memref<400x64xf32, #tpu.memory_space<hbm>>)
        } else {
        }
        %add3A_537 = arith.constant 2 : i32
        %add3A_538 = arith.addi %add3A_432, %add3A_537 : i32
        %mul3A_539 = arith.constant 400 : i32
        %mul3A_540 = arith.muli %add3A_538, %mul3A_539 : i32
        %add3A_541 = arith.addi %mul3A_2, %mul3A_540 : i32
        "tpu.region"() ({
          %run_scoped3A = tpu.sem_alloc : memref<!tpu.dma_semaphore, #tpu.memory_space<semaphore_mem>>
          %dma_start3A_587 = arith.constant 16 : i32
          %dma_start3A_588 = tpu.memref_slice %arg6[%dma_start3A_587] : memref<416xi32, #tpu.memory_space<vmem>> -> memref<400xi32, #tpu.memory_space<vmem>>
          %dma_start3A_589 = tpu.memref_slice %arg2[%add3A_541] : memref<819200xi32, #tpu.memory_space<hbm>> -> memref<400xi32, #tpu.memory_space<hbm>>
          %dma_start3A_590 = arith.constant 16 : i32
          %dma_start3A_591 = tpu.memref_slice %arg6[%dma_start3A_590] : memref<416xi32, #tpu.memory_space<vmem>> -> memref<400xi32, #tpu.memory_space<vmem>>
          %dma_start3A_592 = tpu.memref_slice %arg2[%add3A_541] : memref<819200xi32, #tpu.memory_space<hbm>> -> memref<400xi32, #tpu.memory_space<hbm>>
          tpu.enqueue_dma source(%dma_start3A_592 : memref<400xi32, #tpu.memory_space<hbm>>) target(%dma_start3A_591 : memref<400xi32, #tpu.memory_space<vmem>>) target_semaphore(%run_scoped3A : memref<!tpu.dma_semaphore, #tpu.memory_space<semaphore_mem>>)
          %dma_wait3A_593 = arith.constant 16 : i32
          %dma_wait3A_594 = tpu.memref_slice %arg6[%dma_wait3A_593] : memref<416xi32, #tpu.memory_space<vmem>> -> memref<400xi32, #tpu.memory_space<vmem>>
          %dma_wait3A_595 = tpu.memref_slice %arg2[%add3A_541] : memref<819200xi32, #tpu.memory_space<hbm>> -> memref<400xi32, #tpu.memory_space<hbm>>
          %dma_wait3A_596 = arith.constant 16 : i32
          %dma_wait3A_597 = tpu.memref_slice %arg6[%dma_wait3A_596] : memref<416xi32, #tpu.memory_space<vmem>> -> memref<400xi32, #tpu.memory_space<vmem>>
          %dma_wait3A_598 = tpu.memref_slice %arg2[%add3A_541] : memref<819200xi32, #tpu.memory_space<hbm>> -> memref<400xi32, #tpu.memory_space<hbm>>
          tpu.wait_dma2 semaphore(%run_scoped3A : memref<!tpu.dma_semaphore, #tpu.memory_space<semaphore_mem>>) src(%dma_wait3A_598 : memref<400xi32, #tpu.memory_space<hbm>>) dst(%dma_wait3A_597 : memref<400xi32, #tpu.memory_space<vmem>>)
          tpu.yield
        }) : () -> ()
        %scan3A_542 = arith.constant 0 : i32
        %scan3A_543 = arith.constant 25 : i32
        %scan3A_544 = arith.addi %scan3A_542, %scan3A_543 : i32
        %scan3A_545 = arith.constant 1 : i32
        scf.for %scan3A_587 = %scan3A_542 to %scan3A_544 step %scan3A_545  : i32 {
          %mul3A_588 = arith.constant 16 : i32
          %mul3A_589 = arith.muli %scan3A_587, %mul3A_588 : i32
          %add3A_590 = arith.constant 0 : i32
          %add3A_591 = arith.addi %add3A_590, %mul3A_589 : i32
          %add3A_592 = arith.constant 16 : i32
          %add3A_593 = arith.addi %add3A_591, %add3A_592 : i32
          %get3A = arith.index_cast %add3A_593 : i32 to index
          %get3A_594 = tpu.vector_load %arg6[%get3A] {strides = array<i32>} : memref<416xi32, #tpu.memory_space<vmem>>, vector<16xi32>,
          %get3A_595 = vector.shape_cast %get3A_594 : vector<16xi32> to vector<16xi32>
          %add3A_596 = arith.constant 16 : i32
          %add3A_597 = arith.addi %add3A_591, %add3A_596 : i32
          %sub3A = arith.constant 1 : i32
          %sub3A_598 = arith.subi %add3A_597, %sub3A : i32
          %get3A_599 = arith.index_cast %sub3A_598 : i32 to index
          %get3A_600 = tpu.vector_load %arg6[%get3A_599] {strides = array<i32>} : memref<416xi32, #tpu.memory_space<vmem>>, vector<16xi32>,
          %get3A_601 = vector.shape_cast %get3A_600 : vector<16xi32> to vector<16xi32>
          %add3A_602 = vector.broadcast %add3A_591 : i32 to vector<16xi32>
          %add3A_603 = arith.addi %iota3A, %add3A_602 : vector<16xi32>
          %ge3A_604 = arith.constant 400 : i32
          %ge3A_605 = vector.broadcast %ge3A_604 : i32 to vector<16xi32>
          %ge3A_606 = arith.cmpi sge, %add3A_603, %ge3A_605 : vector<16xi32>
          %sub3A_607 = arith.constant 400 : i32
          %sub3A_608 = vector.broadcast %sub3A_607 : i32 to vector<16xi32>
          %sub3A_609 = arith.subi %add3A_603, %sub3A_608 : vector<16xi32>
          %select_n3A = arith.select %ge3A_606, %sub3A_609, %add3A_603 : vector<16xi1>, vector<16xi32>
          %ge3A_610 = arith.constant 200 : i32
          %ge3A_611 = vector.broadcast %ge3A_610 : i32 to vector<16xi32>
          %ge3A_612 = arith.cmpi sge, %select_n3A, %ge3A_611 : vector<16xi32>
          %sub3A_613 = arith.constant 200 : i32
          %sub3A_614 = vector.broadcast %sub3A_613 : i32 to vector<16xi32>
          %sub3A_615 = arith.subi %select_n3A, %sub3A_614 : vector<16xi32>
          %select_n3A_616 = arith.select %ge3A_612, %sub3A_615, %select_n3A : vector<16xi1>, vector<16xi32>
          %eq3A = arith.constant 0 : i32
          %eq3A_617 = vector.broadcast %eq3A : i32 to vector<16xi32>
          %eq3A_618 = arith.cmpi eq, %select_n3A_616, %eq3A_617 : vector<16xi32>
          %jit3A = arith.constant 0 : i32
          %broadcast_in_dim3A = vector.broadcast %jit3A : i32 to vector<16xi32>
          %select_n3A_619 = arith.select %eq3A_618, %broadcast_in_dim3A, %get3A_601 : vector<16xi1>, vector<16xi32>
          %convert_element_type3A_620 = arith.sitofp %get3A_595 : vector<16xi32> to vector<16xf32>
          %mul3A_621 = arith.constant 3.33333332E-6 : f32
          %mul3A_622 = vector.broadcast %mul3A_621 : f32 to vector<16xf32>
          %mul3A_623 = arith.mulf %convert_element_type3A_620, %mul3A_622 : vector<16xf32>
          %convert_element_type3A_624 = arith.fptosi %mul3A_623 : vector<16xf32> to vector<16xi32>
          %mul3A_625 = arith.constant 300000 : i32
          %mul3A_626 = vector.broadcast %mul3A_625 : i32 to vector<16xi32>
          %mul3A_627 = arith.muli %convert_element_type3A_624, %mul3A_626 : vector<16xi32>
          %sub3A_628 = arith.subi %get3A_595, %mul3A_627 : vector<16xi32>
          %ge3A_629 = arith.constant 300000 : i32
          %ge3A_630 = vector.broadcast %ge3A_629 : i32 to vector<16xi32>
          %ge3A_631 = arith.cmpi sge, %sub3A_628, %ge3A_630 : vector<16xi32>
          %sub3A_632 = arith.constant 300000 : i32
          %sub3A_633 = vector.broadcast %sub3A_632 : i32 to vector<16xi32>
          %sub3A_634 = arith.subi %sub3A_628, %sub3A_633 : vector<16xi32>
          %select_n3A_635 = arith.select %ge3A_631, %sub3A_634, %sub3A_628 : vector<16xi1>, vector<16xi32>
          %lt3A_636 = arith.constant 0 : i32
          %lt3A_637 = vector.broadcast %lt3A_636 : i32 to vector<16xi32>
          %lt3A_638 = arith.cmpi slt, %select_n3A_635, %lt3A_637 : vector<16xi32>
          %add3A_639 = arith.constant 300000 : i32
          %add3A_640 = vector.broadcast %add3A_639 : i32 to vector<16xi32>
          %add3A_641 = arith.addi %select_n3A_635, %add3A_640 : vector<16xi32>
          %select_n3A_642 = arith.select %lt3A_638, %add3A_641, %select_n3A_635 : vector<16xi1>, vector<16xi32>
          %swap3A = arith.index_cast %add3A_591 : i32 to index
          %swap3A_643 = tpu.vector_load %arg10[%swap3A] {strides = array<i32>} : memref<400xi32, #tpu.memory_space<vmem>>, vector<16xi32>,
          %swap3A_644 = vector.shape_cast %swap3A_643 : vector<16xi32> to vector<16xi32>
          %swap3A_645 = vector.shape_cast %select_n3A_642 : vector<16xi32> to vector<16xi32>
          tpu.vector_store %arg10[%swap3A], %swap3A_645 {strides = array<i32>} : memref<400xi32, #tpu.memory_space<vmem>>, vector<16xi32>,
          %convert_element_type3A_646 = arith.sitofp %select_n3A_619 : vector<16xi32> to vector<16xf32>
          %mul3A_647 = arith.constant 3.33333332E-6 : f32
          %mul3A_648 = vector.broadcast %mul3A_647 : f32 to vector<16xf32>
          %mul3A_649 = arith.mulf %convert_element_type3A_646, %mul3A_648 : vector<16xf32>
          %convert_element_type3A_650 = arith.fptosi %mul3A_649 : vector<16xf32> to vector<16xi32>
          %mul3A_651 = arith.constant 300000 : i32
          %mul3A_652 = vector.broadcast %mul3A_651 : i32 to vector<16xi32>
          %mul3A_653 = arith.muli %convert_element_type3A_650, %mul3A_652 : vector<16xi32>
          %sub3A_654 = arith.subi %select_n3A_619, %mul3A_653 : vector<16xi32>
          %ge3A_655 = arith.constant 300000 : i32
          %ge3A_656 = vector.broadcast %ge3A_655 : i32 to vector<16xi32>
          %ge3A_657 = arith.cmpi sge, %sub3A_654, %ge3A_656 : vector<16xi32>
          %sub3A_658 = arith.constant 300000 : i32
          %sub3A_659 = vector.broadcast %sub3A_658 : i32 to vector<16xi32>
          %sub3A_660 = arith.subi %sub3A_654, %sub3A_659 : vector<16xi32>
          %select_n3A_661 = arith.select %ge3A_657, %sub3A_660, %sub3A_654 : vector<16xi1>, vector<16xi32>
          %lt3A_662 = arith.constant 0 : i32
          %lt3A_663 = vector.broadcast %lt3A_662 : i32 to vector<16xi32>
          %lt3A_664 = arith.cmpi slt, %select_n3A_661, %lt3A_663 : vector<16xi32>
          %add3A_665 = arith.constant 300000 : i32
          %add3A_666 = vector.broadcast %add3A_665 : i32 to vector<16xi32>
          %add3A_667 = arith.addi %select_n3A_661, %add3A_666 : vector<16xi32>
          %select_n3A_668 = arith.select %lt3A_664, %add3A_667, %select_n3A_661 : vector<16xi1>, vector<16xi32>
          %mul3A_669 = arith.constant 31 : i32
          %mul3A_670 = vector.broadcast %mul3A_669 : i32 to vector<16xi32>
          %mul3A_671 = arith.muli %select_n3A_668, %mul3A_670 : vector<16xi32>
          %add3A_672 = arith.addi %mul3A_671, %get3A_595 : vector<16xi32>
          %convert_element_type3A_673 = arith.sitofp %add3A_672 : vector<16xi32> to vector<16xf32>
          %mul3A_674 = arith.constant 3.33333332E-6 : f32
          %mul3A_675 = vector.broadcast %mul3A_674 : f32 to vector<16xf32>
          %mul3A_676 = arith.mulf %convert_element_type3A_673, %mul3A_675 : vector<16xf32>
          %convert_element_type3A_677 = arith.fptosi %mul3A_676 : vector<16xf32> to vector<16xi32>
          %mul3A_678 = arith.constant 300000 : i32
          %mul3A_679 = vector.broadcast %mul3A_678 : i32 to vector<16xi32>
          %mul3A_680 = arith.muli %convert_element_type3A_677, %mul3A_679 : vector<16xi32>
          %sub3A_681 = arith.subi %add3A_672, %mul3A_680 : vector<16xi32>
          %ge3A_682 = arith.constant 300000 : i32
          %ge3A_683 = vector.broadcast %ge3A_682 : i32 to vector<16xi32>
          %ge3A_684 = arith.cmpi sge, %sub3A_681, %ge3A_683 : vector<16xi32>
          %sub3A_685 = arith.constant 300000 : i32
          %sub3A_686 = vector.broadcast %sub3A_685 : i32 to vector<16xi32>
          %sub3A_687 = arith.subi %sub3A_681, %sub3A_686 : vector<16xi32>
          %select_n3A_688 = arith.select %ge3A_684, %sub3A_687, %sub3A_681 : vector<16xi1>, vector<16xi32>
          %lt3A_689 = arith.constant 0 : i32
          %lt3A_690 = vector.broadcast %lt3A_689 : i32 to vector<16xi32>
          %lt3A_691 = arith.cmpi slt, %select_n3A_688, %lt3A_690 : vector<16xi32>
          %add3A_692 = arith.constant 300000 : i32
          %add3A_693 = vector.broadcast %add3A_692 : i32 to vector<16xi32>
          %add3A_694 = arith.addi %select_n3A_688, %add3A_693 : vector<16xi32>
          %select_n3A_695 = arith.select %lt3A_691, %add3A_694, %select_n3A_688 : vector<16xi1>, vector<16xi32>
          %swap3A_696 = arith.index_cast %add3A_591 : i32 to index
          %swap3A_697 = tpu.vector_load %arg11[%swap3A_696] {strides = array<i32>} : memref<400xi32, #tpu.memory_space<vmem>>, vector<16xi32>,
          %swap3A_698 = vector.shape_cast %swap3A_697 : vector<16xi32> to vector<16xi32>
          %swap3A_699 = vector.shape_cast %select_n3A_695 : vector<16xi32> to vector<16xi32>
          tpu.vector_store %arg11[%swap3A_696], %swap3A_699 {strides = array<i32>} : memref<400xi32, #tpu.memory_space<vmem>>, vector<16xi32>,
        }
        %scan3A_546 = arith.constant 25 : i32
        %dma_start3A_547 = arith.constant 0 : i32
        %dma_start3A_548 = arith.constant 0 : i32
        %dma_start3A_549 = tpu.memref_slice %arg12[%dma_start3A_547, %dma_start3A_548] : memref<400x64xf32, #tpu.memory_space<vmem>> -> memref<80x64xf32, #tpu.memory_space<vmem>>
        %dma_start3A_550 = arith.constant 0 : i32
        %dma_start3A_551 = tpu.memref_slice %arg10[%dma_start3A_550] : memref<400xi32, #tpu.memory_space<vmem>> -> memref<80xi32, #tpu.memory_space<vmem>>
        %dma_start3A_552 = arith.constant 0 : i32
        %dma_start3A_553 = arith.constant 0 : i32
        %dma_start3A_554 = tpu.memref_slice %arg3[%dma_start3A_552, %dma_start3A_553] : memref<300000x64xf32, #tpu.memory_space<hbm>> -> memref<300000x64xf32, #tpu.memory_space<hbm>>
        tpu.enqueue_indirect_dma source(%dma_start3A_554 : memref<300000x64xf32, #tpu.memory_space<hbm>>) target(%dma_start3A_549 : memref<80x64xf32, #tpu.memory_space<vmem>>) offsets(%dma_start3A_551 : memref<80xi32, #tpu.memory_space<vmem>>) semaphore(%arg22 : memref<!tpu.dma_semaphore, #tpu.memory_space<semaphore_mem>>)
        %dma_start3A_555 = arith.constant 80 : i32
        %dma_start3A_556 = arith.constant 0 : i32
        %dma_start3A_557 = tpu.memref_slice %arg12[%dma_start3A_555, %dma_start3A_556] : memref<400x64xf32, #tpu.memory_space<vmem>> -> memref<80x64xf32, #tpu.memory_space<vmem>>
        %dma_start3A_558 = arith.constant 80 : i32
        %dma_start3A_559 = tpu.memref_slice %arg10[%dma_start3A_558] : memref<400xi32, #tpu.memory_space<vmem>> -> memref<80xi32, #tpu.memory_space<vmem>>
        %dma_start3A_560 = arith.constant 0 : i32
        %dma_start3A_561 = arith.constant 0 : i32
        %dma_start3A_562 = tpu.memref_slice %arg3[%dma_start3A_560, %dma_start3A_561] : memref<300000x64xf32, #tpu.memory_space<hbm>> -> memref<300000x64xf32, #tpu.memory_space<hbm>>
        tpu.enqueue_indirect_dma source(%dma_start3A_562 : memref<300000x64xf32, #tpu.memory_space<hbm>>) target(%dma_start3A_557 : memref<80x64xf32, #tpu.memory_space<vmem>>) offsets(%dma_start3A_559 : memref<80xi32, #tpu.memory_space<vmem>>) semaphore(%arg22 : memref<!tpu.dma_semaphore, #tpu.memory_space<semaphore_mem>>)
        %dma_start3A_563 = arith.constant 160 : i32
        %dma_start3A_564 = arith.constant 0 : i32
        %dma_start3A_565 = tpu.memref_slice %arg12[%dma_start3A_563, %dma_start3A_564] : memref<400x64xf32, #tpu.memory_space<vmem>> -> memref<80x64xf32, #tpu.memory_space<vmem>>
        %dma_start3A_566 = arith.constant 160 : i32
        %dma_start3A_567 = tpu.memref_slice %arg10[%dma_start3A_566] : memref<400xi32, #tpu.memory_space<vmem>> -> memref<80xi32, #tpu.memory_space<vmem>>
        %dma_start3A_568 = arith.constant 0 : i32
        %dma_start3A_569 = arith.constant 0 : i32
        %dma_start3A_570 = tpu.memref_slice %arg3[%dma_start3A_568, %dma_start3A_569] : memref<300000x64xf32, #tpu.memory_space<hbm>> -> memref<300000x64xf32, #tpu.memory_space<hbm>>
        tpu.enqueue_indirect_dma source(%dma_start3A_570 : memref<300000x64xf32, #tpu.memory_space<hbm>>) target(%dma_start3A_565 : memref<80x64xf32, #tpu.memory_space<vmem>>) offsets(%dma_start3A_567 : memref<80xi32, #tpu.memory_space<vmem>>) semaphore(%arg22 : memref<!tpu.dma_semaphore, #tpu.memory_space<semaphore_mem>>)
        %dma_start3A_571 = arith.constant 240 : i32
        %dma_start3A_572 = arith.constant 0 : i32
        %dma_start3A_573 = tpu.memref_slice %arg12[%dma_start3A_571, %dma_start3A_572] : memref<400x64xf32, #tpu.memory_space<vmem>> -> memref<80x64xf32, #tpu.memory_space<vmem>>
        %dma_start3A_574 = arith.constant 240 : i32
        %dma_start3A_575 = tpu.memref_slice %arg10[%dma_start3A_574] : memref<400xi32, #tpu.memory_space<vmem>> -> memref<80xi32, #tpu.memory_space<vmem>>
        %dma_start3A_576 = arith.constant 0 : i32
        %dma_start3A_577 = arith.constant 0 : i32
        %dma_start3A_578 = tpu.memref_slice %arg3[%dma_start3A_576, %dma_start3A_577] : memref<300000x64xf32, #tpu.memory_space<hbm>> -> memref<300000x64xf32, #tpu.memory_space<hbm>>
        tpu.enqueue_indirect_dma source(%dma_start3A_578 : memref<300000x64xf32, #tpu.memory_space<hbm>>) target(%dma_start3A_573 : memref<80x64xf32, #tpu.memory_space<vmem>>) offsets(%dma_start3A_575 : memref<80xi32, #tpu.memory_space<vmem>>) semaphore(%arg22 : memref<!tpu.dma_semaphore, #tpu.memory_space<semaphore_mem>>)
        %dma_start3A_579 = arith.constant 320 : i32
        %dma_start3A_580 = arith.constant 0 : i32
        %dma_start3A_581 = tpu.memref_slice %arg12[%dma_start3A_579, %dma_start3A_580] : memref<400x64xf32, #tpu.memory_space<vmem>> -> memref<80x64xf32, #tpu.memory_space<vmem>>
        %dma_start3A_582 = arith.constant 320 : i32
        %dma_start3A_583 = tpu.memref_slice %arg10[%dma_start3A_582] : memref<400xi32, #tpu.memory_space<vmem>> -> memref<80xi32, #tpu.memory_space<vmem>>
        %dma_start3A_584 = arith.constant 0 : i32
        %dma_start3A_585 = arith.constant 0 : i32
        %dma_start3A_586 = tpu.memref_slice %arg3[%dma_start3A_584, %dma_start3A_585] : memref<300000x64xf32, #tpu.memory_space<hbm>> -> memref<300000x64xf32, #tpu.memory_space<hbm>>
        tpu.enqueue_indirect_dma source(%dma_start3A_586 : memref<300000x64xf32, #tpu.memory_space<hbm>>) target(%dma_start3A_581 : memref<80x64xf32, #tpu.memory_space<vmem>>) offsets(%dma_start3A_583 : memref<80xi32, #tpu.memory_space<vmem>>) semaphore(%arg22 : memref<!tpu.dma_semaphore, #tpu.memory_space<semaphore_mem>>)
      } else {
      }
      %dma_wait3A_486 = arith.constant 0 : i32
      %dma_wait3A_487 = arith.constant 0 : i32
      %dma_wait3A_488 = tpu.memref_slice %arg18[%dma_wait3A_486, %dma_wait3A_487] : memref<400x64xf32, #tpu.memory_space<vmem>> -> memref<80x64xf32, #tpu.memory_space<vmem>>
      %dma_wait3A_489 = arith.constant 0 : i32
      %dma_wait3A_490 = tpu.memref_slice %arg17[%dma_wait3A_489] : memref<400xi32, #tpu.memory_space<vmem>> -> memref<80xi32, #tpu.memory_space<vmem>>
      %dma_wait3A_491 = arith.constant 0 : i32
      %dma_wait3A_492 = arith.constant 0 : i32
      %dma_wait3A_493 = tpu.memref_slice %arg4[%dma_wait3A_491, %dma_wait3A_492] : memref<300000x64xf32, #tpu.memory_space<hbm>> -> memref<300000x64xf32, #tpu.memory_space<hbm>>
      tpu.wait_indirect_dma semaphore(%arg29 : memref<!tpu.dma_semaphore, #tpu.memory_space<semaphore_mem>>) src(%dma_wait3A_493 : memref<300000x64xf32, #tpu.memory_space<hbm>>) dst(%dma_wait3A_488 : memref<80x64xf32, #tpu.memory_space<vmem>>)
      %dma_wait3A_494 = arith.constant 80 : i32
      %dma_wait3A_495 = arith.constant 0 : i32
      %dma_wait3A_496 = tpu.memref_slice %arg18[%dma_wait3A_494, %dma_wait3A_495] : memref<400x64xf32, #tpu.memory_space<vmem>> -> memref<80x64xf32, #tpu.memory_space<vmem>>
      %dma_wait3A_497 = arith.constant 80 : i32
      %dma_wait3A_498 = tpu.memref_slice %arg17[%dma_wait3A_497] : memref<400xi32, #tpu.memory_space<vmem>> -> memref<80xi32, #tpu.memory_space<vmem>>
      %dma_wait3A_499 = arith.constant 0 : i32
      %dma_wait3A_500 = arith.constant 0 : i32
      %dma_wait3A_501 = tpu.memref_slice %arg4[%dma_wait3A_499, %dma_wait3A_500] : memref<300000x64xf32, #tpu.memory_space<hbm>> -> memref<300000x64xf32, #tpu.memory_space<hbm>>
      tpu.wait_indirect_dma semaphore(%arg29 : memref<!tpu.dma_semaphore, #tpu.memory_space<semaphore_mem>>) src(%dma_wait3A_501 : memref<300000x64xf32, #tpu.memory_space<hbm>>) dst(%dma_wait3A_496 : memref<80x64xf32, #tpu.memory_space<vmem>>)
      %dma_wait3A_502 = arith.constant 160 : i32
      %dma_wait3A_503 = arith.constant 0 : i32
      %dma_wait3A_504 = tpu.memref_slice %arg18[%dma_wait3A_502, %dma_wait3A_503] : memref<400x64xf32, #tpu.memory_space<vmem>> -> memref<80x64xf32, #tpu.memory_space<vmem>>
      %dma_wait3A_505 = arith.constant 160 : i32
      %dma_wait3A_506 = tpu.memref_slice %arg17[%dma_wait3A_505] : memref<400xi32, #tpu.memory_space<vmem>> -> memref<80xi32, #tpu.memory_space<vmem>>
      %dma_wait3A_507 = arith.constant 0 : i32
      %dma_wait3A_508 = arith.constant 0 : i32
      %dma_wait3A_509 = tpu.memref_slice %arg4[%dma_wait3A_507, %dma_wait3A_508] : memref<300000x64xf32, #tpu.memory_space<hbm>> -> memref<300000x64xf32, #tpu.memory_space<hbm>>
      tpu.wait_indirect_dma semaphore(%arg29 : memref<!tpu.dma_semaphore, #tpu.memory_space<semaphore_mem>>) src(%dma_wait3A_509 : memref<300000x64xf32, #tpu.memory_space<hbm>>) dst(%dma_wait3A_504 : memref<80x64xf32, #tpu.memory_space<vmem>>)
      %dma_wait3A_510 = arith.constant 240 : i32
      %dma_wait3A_511 = arith.constant 0 : i32
      %dma_wait3A_512 = tpu.memref_slice %arg18[%dma_wait3A_510, %dma_wait3A_511] : memref<400x64xf32, #tpu.memory_space<vmem>> -> memref<80x64xf32, #tpu.memory_space<vmem>>
      %dma_wait3A_513 = arith.constant 240 : i32
      %dma_wait3A_514 = tpu.memref_slice %arg17[%dma_wait3A_513] : memref<400xi32, #tpu.memory_space<vmem>> -> memref<80xi32, #tpu.memory_space<vmem>>
      %dma_wait3A_515 = arith.constant 0 : i32
      %dma_wait3A_516 = arith.constant 0 : i32
      %dma_wait3A_517 = tpu.memref_slice %arg4[%dma_wait3A_515, %dma_wait3A_516] : memref<300000x64xf32, #tpu.memory_space<hbm>> -> memref<300000x64xf32, #tpu.memory_space<hbm>>
      tpu.wait_indirect_dma semaphore(%arg29 : memref<!tpu.dma_semaphore, #tpu.memory_space<semaphore_mem>>) src(%dma_wait3A_517 : memref<300000x64xf32, #tpu.memory_space<hbm>>) dst(%dma_wait3A_512 : memref<80x64xf32, #tpu.memory_space<vmem>>)
      %dma_wait3A_518 = arith.constant 320 : i32
      %dma_wait3A_519 = arith.constant 0 : i32
      %dma_wait3A_520 = tpu.memref_slice %arg18[%dma_wait3A_518, %dma_wait3A_519] : memref<400x64xf32, #tpu.memory_space<vmem>> -> memref<80x64xf32, #tpu.memory_space<vmem>>
      %dma_wait3A_521 = arith.constant 320 : i32
      %dma_wait3A_522 = tpu.memref_slice %arg17[%dma_wait3A_521] : memref<400xi32, #tpu.memory_space<vmem>> -> memref<80xi32, #tpu.memory_space<vmem>>
      %dma_wait3A_523 = arith.constant 0 : i32
      %dma_wait3A_524 = arith.constant 0 : i32
      %dma_wait3A_525 = tpu.memref_slice %arg4[%dma_wait3A_523, %dma_wait3A_524] : memref<300000x64xf32, #tpu.memory_space<hbm>> -> memref<300000x64xf32, #tpu.memory_space<hbm>>
      tpu.wait_indirect_dma semaphore(%arg29 : memref<!tpu.dma_semaphore, #tpu.memory_space<semaphore_mem>>) src(%dma_wait3A_525 : memref<300000x64xf32, #tpu.memory_space<hbm>>) dst(%dma_wait3A_520 : memref<80x64xf32, #tpu.memory_space<vmem>>)
      %mul3A_526 = arith.constant 400 : i32
      %mul3A_527 = arith.muli %add3A_432, %mul3A_526 : i32
      %add3A_528 = arith.addi %mul3A_2, %mul3A_527 : i32
      %dma_start3A_529 = arith.constant 0 : i32
      %dma_start3A_530 = tpu.memref_slice %arg5[%add3A_528, %dma_start3A_529] : memref<819200x64xf32, #tpu.memory_space<hbm>> -> memref<400x64xf32, #tpu.memory_space<hbm>>
      %dma_start3A_531 = arith.constant 0 : i32
      %dma_start3A_532 = tpu.memref_slice %arg5[%add3A_528, %dma_start3A_531] : memref<819200x64xf32, #tpu.memory_space<hbm>> -> memref<400x64xf32, #tpu.memory_space<hbm>>
      tpu.enqueue_dma source(%arg18 : memref<400x64xf32, #tpu.memory_space<vmem>>) target(%dma_start3A_532 : memref<400x64xf32, #tpu.memory_space<hbm>>) target_semaphore(%arg30 : memref<!tpu.dma_semaphore, #tpu.memory_space<semaphore_mem>>)
    }
    %scan3A_99 = arith.constant 16 : i32
    %dma_wait3A = arith.constant 0 : i32
    %dma_wait3A_100 = arith.constant 0 : i32
    %dma_wait3A_101 = tpu.memref_slice %arg5[%dma_wait3A, %dma_wait3A_100] : memref<819200x64xf32, #tpu.memory_space<hbm>> -> memref<400x64xf32, #tpu.memory_space<hbm>>
    %dma_wait3A_102 = arith.constant 0 : i32
    %dma_wait3A_103 = arith.constant 0 : i32
    %dma_wait3A_104 = tpu.memref_slice %arg5[%dma_wait3A_102, %dma_wait3A_103] : memref<819200x64xf32, #tpu.memory_space<hbm>> -> memref<400x64xf32, #tpu.memory_space<hbm>>
    tpu.wait_dma2 semaphore(%arg21 : memref<!tpu.dma_semaphore, #tpu.memory_space<semaphore_mem>>) src(%arg9 : memref<400x64xf32, #tpu.memory_space<vmem>>) dst(%dma_wait3A_104 : memref<400x64xf32, #tpu.memory_space<hbm>>)
    %dma_wait3A_105 = arith.constant 0 : i32
    %dma_wait3A_106 = arith.constant 0 : i32
    %dma_wait3A_107 = tpu.memref_slice %arg5[%dma_wait3A_105, %dma_wait3A_106] : memref<819200x64xf32, #tpu.memory_space<hbm>> -> memref<400x64xf32, #tpu.memory_space<hbm>>
    %dma_wait3A_108 = arith.constant 0 : i32
    %dma_wait3A_109 = arith.constant 0 : i32
    %dma_wait3A_110 = tpu.memref_slice %arg5[%dma_wait3A_108, %dma_wait3A_109] : memref<819200x64xf32, #tpu.memory_space<hbm>> -> memref<400x64xf32, #tpu.memory_space<hbm>>
    tpu.wait_dma2 semaphore(%arg24 : memref<!tpu.dma_semaphore, #tpu.memory_space<semaphore_mem>>) src(%arg12 : memref<400x64xf32, #tpu.memory_space<vmem>>) dst(%dma_wait3A_110 : memref<400x64xf32, #tpu.memory_space<hbm>>)
    %dma_wait3A_111 = arith.constant 0 : i32
    %dma_wait3A_112 = arith.constant 0 : i32
    %dma_wait3A_113 = tpu.memref_slice %arg5[%dma_wait3A_111, %dma_wait3A_112] : memref<819200x64xf32, #tpu.memory_space<hbm>> -> memref<400x64xf32, #tpu.memory_space<hbm>>
    %dma_wait3A_114 = arith.constant 0 : i32
    %dma_wait3A_115 = arith.constant 0 : i32
    %dma_wait3A_116 = tpu.memref_slice %arg5[%dma_wait3A_114, %dma_wait3A_115] : memref<819200x64xf32, #tpu.memory_space<hbm>> -> memref<400x64xf32, #tpu.memory_space<hbm>>
    tpu.wait_dma2 semaphore(%arg27 : memref<!tpu.dma_semaphore, #tpu.memory_space<semaphore_mem>>) src(%arg15 : memref<400x64xf32, #tpu.memory_space<vmem>>) dst(%dma_wait3A_116 : memref<400x64xf32, #tpu.memory_space<hbm>>)
    %dma_wait3A_117 = arith.constant 0 : i32
    %dma_wait3A_118 = arith.constant 0 : i32
    %dma_wait3A_119 = tpu.memref_slice %arg5[%dma_wait3A_117, %dma_wait3A_118] : memref<819200x64xf32, #tpu.memory_space<hbm>> -> memref<400x64xf32, #tpu.memory_space<hbm>>
    %dma_wait3A_120 = arith.constant 0 : i32
    %dma_wait3A_121 = arith.constant 0 : i32
    %dma_wait3A_122 = tpu.memref_slice %arg5[%dma_wait3A_120, %dma_wait3A_121] : memref<819200x64xf32, #tpu.memory_space<hbm>> -> memref<400x64xf32, #tpu.memory_space<hbm>>
    tpu.wait_dma2 semaphore(%arg30 : memref<!tpu.dma_semaphore, #tpu.memory_space<semaphore_mem>>) src(%arg18 : memref<400x64xf32, #tpu.memory_space<vmem>>) dst(%dma_wait3A_122 : memref<400x64xf32, #tpu.memory_space<hbm>>)
    return
  }
}

</mosaic_0001>

<sc_bundles>
// kernel: kernel.3.cloned.1.call-start
scs
__scs_entry_jumppad:
0x0: {  	(pc) =	sbr.rel $0x88, $3  }
0x1: {  	(tag) =	ssettag $0x0;
	lr =	simm.s32 $0x1  }
0x2: {  	[smem:$0x3F9E] =	sst lr;
	_ =	strace $0xD0000000  }
0x3: {  	_ = 	snop  }
0x4: {  	_ = 	snop  }
0x5: {  	_ = 	snop  }
0x6: {  	_ = 	snop  }
0x7: {  	_ = 	snop  }
__scs_overlays_trampoline_lowered:
0x8: {  	[smem:$0x3FAD] =	sst s0  }
0x9: {  	[smem:$0x3FAE] =	sst s1  }
0xa: {  	[smem:$0x3FAF] =	sst s2  }
0xb: {  	[smem:$0x3FB0] =	sst s3  }
0xc: {  	[smem:$0x3FB1] =	sst s4  }
0xd: {  	[smem:$0x3FB2] =	sst s5  }
0xe: {  	[smem:$0x3FB3] =	sst s6  }
0xf: {  	[smem:$0x3FB4] =	sst s7  }
0x10: {  	[smem:$0x3FB5] =	sst s8  }
0x11: {  	[smem:$0x3FB6] =	sst s9;
	s0 =	simm.s32 @!p0 $0x0  }
0x12: {  	s1 =	sld [smem:$0x3F9C];
	s0 =	simm.s32 @p0 $0x1  }
0x13: {  	[smem:$0x3FB7] =	sst s0;
	s0 =	simm.s32 @!p1 $0x0  }
0x14: {  	s2 =	sld [smem:$0x3F9B];
	s0 =	simm.s32 @p1 $0x1  }
0x15: {  	[smem:$0x3FB8] =	sst s0;
	s0 =	simm.s32 @!p2 $0x0  }
0x16: {  	s3 =	sld [smem:$0x3FDB];
	s0 =	simm.s32 @p2 $0x1  }
0x17: {  	s4 =	simm.s32 $0x1BF5;
	[smem:$0x3FBA] =	sst s0  }
0x18: {  	s0 =	sld [smem:$0x3F9D];
	_ =	swait.ge [sflag:s4], $0x0  }
0x19: {  	s7 =	sld [smem:$0x3F9E]  }
0x1a: {  	s8 =	sadd.s32 $0xFFFFE003, lr  }
0x1b: {  	s9 =	sadd.s32 $0xFFFFFEF7, lr;
	s5 =	simm.s32 $0xFFFFFFFF;
	p2 =	slt.u32 s8, $0xFFFFF086  }
0x1c: {  	p1 =	slt.u32 s9, $0xF7A;
	s5 =	simm.s32 @!p2 $0x0  }
0x1d: {  	s5 =	simm.s32 @p1 $0x1;
	p0 =	seq.s32 s7, s2  }
0x1e: {  	s7 =	smul.u32 @!p0 $0xF7A, s2;
	p2 =	seq.s32 @!p0 s5, $0x0  }
0x1f: {  	s9 =	smul.u32 $0xF7A, s1;
	s8 =	simm.s32 @!p0 $0x1BF5;
	p2 =	por !p2, p0  }
0x20: {  	[sflag:s8] =	ssyncset.s32 @!p0 $0xFFFFF086;
	s6 =	sadd.s32 @!p0 s3, s7;
	s7 =	simm.s32 @!p0 $0x108  }
0x21: {  	s3 =	sadd.s32 s3, s9;
	s6 =	sadd.s32 @!p0 $0x88, s6;
	s7 =	simm.s32 @p2 $0x1082  }
0x22: {  	[simem:s7], [sflag:s8] =	dma.local @!p0 [hbm:s6], $0xF7A  }
0x23: {  	s9 =	sor.u32 $0xD0000000, s2;
	s6 =	simm.s32 $0x108;
	_ =	swait.ge @!p0 [sflag:s8], $0x0  }
0x24: {  	s3 =	sadd.s32 $0x88, s3;
	s6 =	simm.s32 @!p1 $0x1082;
	[sflag:s4] =	ssyncset.s32 $0xFFFFF086  }
0x25: {  	[simem:s6], [sflag:s4] =	dma.local [hbm:s3], $0xF7A  }
0x26: {  	[smem:$0x3F9E] =	sst s1;
	(tag) =	ssettag s2;
	_ =	strace s9  }
0x27: {  	s1 =	sld [smem:$0x3FAE]  }
0x28: {  	s2 =	sld [smem:$0x3FAF]  }
0x29: {  	s4 =	sld [smem:$0x3FB1]  }
0x2a: {  	p0 =	seq.s32 s5, $0x0;
	s5 =	sld [smem:$0x3FB2]  }
0x2b: {  	s6 =	sld [smem:$0x3FB3]  }
0x2c: {  	s7 =	sld [smem:$0x3FB4]  }
0x2d: {  	s3 =	simm.s32 $0x108;
	s8 =	sld [smem:$0x3FB5]  }
0x2e: {  	s3 =	simm.s32 @!p0 $0x1082;
	s9 =	sld [smem:$0x3FB6]  }
0x2f: {  	lr =	sadd.s32 s0, s3;
	s0 =	sld [smem:$0x3FAD]  }
0x30: {  	s3 =	sld [smem:$0x3FB0]  }
0x31: {  	[smem:$0x3FB9] =	sst s10  }
0x32: {  	s10 =	sld [smem:$0x3FB7];
	_ =	sdelay $0x3  }
0x33: {  	p0 =	seq.s32 s10, $0x1;
	s10 =	sld [smem:$0x3FB9];
	_ =	sdelay $0x3  }
0x34: {  	[smem:$0x3FB9] =	sst s10  }
0x35: {  	s10 =	sld [smem:$0x3FB8];
	_ =	sdelay $0x3  }
0x36: {  	p1 =	seq.s32 s10, $0x1;
	s10 =	sld [smem:$0x3FB9];
	_ =	sdelay $0x3  }
0x37: {  	[smem:$0x3FB9] =	sst s10  }
0x38: {  	s10 =	sld [smem:$0x3FBA]  }
0x39: {  	_ = 	snop;
	(pc) =	sbr.ind lr, $3  }
0x3a: {  	_ = 	snop  }
0x3b: {  	_ = 	snop  }
0x3c: {  	p2 =	seq.s32 s10, $0x1;
	s10 =	sld [smem:$0x3FB9]  }
0x3d: {  	_ =	shalt  }
0x3e: {  	_ =	shalt  }
0x3f: {  	_ =	shalt  }
0x40: {  	_ =	shalt  }
0x41: {  	_ =	shalt  }
0x42: {  	_ =	shalt  }
0x43: {  	_ =	shalt  }
0x44: {  	_ =	shalt  }
0x45: {  	_ =	shalt  }
0x46: {  	_ =	shalt  }
0x47: {  	_ =	shalt  }
0x48: {  	_ =	shalt  }
0x49: {  	_ =	shalt  }
0x4a: {  	_ =	shalt  }
0x4b: {  	_ =	shalt  }
0x4c: {  	_ =	shalt  }
0x4d: {  	_ =	shalt  }
0x4e: {  	_ =	shalt  }
0x4f: {  	_ =	shalt  }
0x50: {  	_ =	shalt  }
0x51: {  	_ =	shalt  }
0x52: {  	_ =	shalt  }
0x53: {  	_ =	shalt  }
0x54: {  	_ =	shalt  }
0x55: {  	_ =	shalt  }
0x56: {  	_ =	shalt  }
0x57: {  	_ =	shalt  }
0x58: {  	_ =	shalt  }
0x59: {  	_ =	shalt  }
0x5a: {  	_ =	shalt  }
0x5b: {  	_ =	shalt  }
0x5c: {  	_ =	shalt  }
0x5d: {  	_ =	shalt  }
0x5e: {  	_ =	shalt  }
0x5f: {  	_ =	shalt  }
0x60: {  	_ =	shalt  }
0x61: {  	_ =	shalt  }
0x62: {  	_ =	shalt  }
0x63: {  	_ =	shalt  }
0x64: {  	_ =	shalt  }
0x65: {  	_ =	shalt  }
0x66: {  	_ =	shalt  }
0x67: {  	_ =	shalt  }
0x68: {  	_ =	shalt  }
0x69: {  	_ =	shalt  }
0x6a: {  	_ =	shalt  }
0x6b: {  	_ =	shalt  }
0x6c: {  	_ =	shalt  }
0x6d: {  	_ =	shalt  }
0x6e: {  	_ =	shalt  }
0x6f: {  	_ =	shalt  }
0x70: {  	_ =	shalt  }
0x71: {  	_ =	shalt  }
0x72: {  	_ =	shalt  }
0x73: {  	_ =	shalt  }
0x74: {  	_ =	shalt  }
0x75: {  	_ =	shalt  }
0x76: {  	_ =	shalt  }
0x77: {  	_ =	shalt  }
0x78: {  	_ =	shalt  }
0x79: {  	_ =	shalt  }
0x7a: {  	_ =	shalt  }
0x7b: {  	_ =	shalt  }
0x7c: {  	_ =	shalt  }
0x7d: {  	_ =	shalt  }
0x7e: {  	_ =	shalt  }
0x7f: {  	_ =	shalt  }
0x80: {  	_ =	shalt  }
0x81: {  	_ =	shalt  }
0x82: {  	_ =	shalt  }
0x83: {  	_ =	shalt  }
0x84: {  	_ =	shalt  }
0x85: {  	_ =	shalt  }
0x86: {  	_ =	shalt  }
0x87: {  	_ =	shalt  }
.Lfunc_end0:
.L_simem_size_0:
called_computation.1_lowered:
.L_overlay_start_0:
0x88: {  	s2 =	sld [smem:$0x3FD9]  }
0x89: {  	s3 =	sld [smem:$0x3FFE];
	_ =	sdelay $0x1  }
0x8a: {  	s1 =	srdreg.scid  }
0x8b: {  	s0 =	sand.u32 $0x1, s1  }
0x8c: {  	s17 =	sshll.u32 s0, $0xA;
	s2 =	sadd.s32 s3, s2  }
0x8d: {  	s2 =	sadd.s32 s2, s17  }
0x8e: {  	[smem:$0x3FC5] =	sst s2  }
0x8f: {  	_ = 	snop  }
0x90: {  	s2 =	sld [smem:$0x3FD0];
	(tm) =	ssettm $0x1  }
0x91: {  	s18 =	sld [smem:$0x3FFB];
	_ =	sdelay $0x3  }
0x92: {  	_ =	strace s18  }
0x93: {  	s3 =	sld [smem:$0x3FFC];
	_ =	sdelay $0x3  }
0x94: {  	_ =	strace s3  }
0x95: {  	s3 =	sld [smem:$0x3FFD];
	_ =	sdelay $0x3  }
0x96: {  	_ =	strace s3  }
0x97: {  	_ =	strace $0x8FFFFFFF  }
0x98: {  	s19 =	sld [smem:$0x3FDB];
	_ =	sdelay $0x1  }
0x99: {  	s4 =	simm.s32 $_scs_section_size  }
0x9a: {  	s5 =	simm.s32 $_size__tile_overlayer_lowered;
	s6 =	simm.s32 $_tile_overlayer_lowered  }
0x9b: {  	s22 =	simm.s32 $0x1BFF;
	s21 =	sshll.u32 s6, $0x1;
	s3 =	sadd.s32 s4, s19  }
0x9c: {  	s7 =	simm.s32 $0x0;
	s20 =	sshll.u32 s5, $0x1;
	s5 =	sadd.s32 s21, s3  }
0x9d: {  	[timem:s7], [sflag:s22] =	dma.local [hbm:s5], s20  }
0x9e: {  	_ =	swait.ge [sflag:s22], s20  }
0x9f: {  	s4 =	ssub.s32 $0x0, s20;
	[sflag:s22] =	ssyncset.done $0x0  }
0xa0: {  	[sflag:s22] =	ssyncadd.s32 s4;
	_ =	sdelay $0x1  }
0xa1: {  	s23 =	simm.s32 $0x1B8B  }
0xa2: {  	_ =	swait.ge [sflag:s23], $0x1  }
0xa3: {  	[sflag:s23] =	ssyncset.done $0x0  }
0xa4: {  	s25 =	simm.s32 $0x1B8E;
	s24 =	sld [smem:$0x3FFE];
	[sflag:s23] =	ssyncadd.s32 $0xFFFFFFFF  }
0xa5: {  	s26 =	simm.s32 $execute0_lowered;
	[smem:$0x3FD2] =	sst s25  }
0xa6: {  	s5 =	sshll.u32 s26, $0x1;
	_ =	strace $0x80000046;
	[dreg:$0x1] =	wrdreg $0xFFFFFFFF  }
0xa7: {  	s28 =	simm.s32 $_size_execute0_lowered;
	s3 =	sadd.s32 s3, s5;
	[dreg:$0x0] =	wrdreg $0x0  }
0xa8: {  	s5 =	sshll.u32 s28, $0x1;
	[dreg:$0x2] =	wrdreg s3  }
0xa9: {  	[dreg:$0x3] =	wrdreg s5  }
0xaa: {  	[dreg:$0x4] =	wrdreg $0xC0  }
0xab: {  	_ =	task [dreg:s7], $0x5FFFF  }
0xac: {  	[dreg:$0x1] =	wrdreg $0xFFFFFFFF  }
0xad: {  	[dreg:$0x0] =	wrdreg $0x60  }
0xae: {  	[dreg:$0x2] =	wrdreg s24  }
0xaf: {  	[dreg:$0x3] =	wrdreg s2  }
0xb0: {  	[dreg:$0x4] =	wrdreg $0x9  }
0xb1: {  	_ =	task.clear_ibuf [dreg:s7], $0x5FFFF;
	_ =	strace $0x90000046  }
0xb2: {  	s29 =	simm.s32 $0x9;
	_ =	strace $0x80000048  }
0xb3: {  	_ =	swait.ge [sflag:s29], $0x1  }
0xb4: {  	[sflag:s29] =	ssyncadd.s32 $0xFFFFFFFF  }
0xb5: {  	_ =	strace $0x90000048  }
0xb6: {  	_ =	sfence  }
0xb7: {  	s30 =	sld [smem:$0x0];
	_ =	sdelay $0x2  }
0xb8: {  	s31 =	sshll.u32 s1, $0xD;
	s1 =	sshrl.u32 s1, $0x2  }
0xb9: {  	s3 =	sand.u32 $0x4000, s31;
	s1 =	sadd.s32 s1, s30  }
0xba: {  	s0 =	sor.u32 s3, s0;
	s1 =	sshll.u32 s1, $0x11  }
0xbb: {  	s0 =	sor.u32 s1, s0  }
0xbc: {  	s0 =	sadd.s32 $0x8F2B, s0  }
0xbd: {  	[sflag:s0] =	ssyncadd.remote.s32 $0x1  }
0xbe: {  	_ =	sfence.sel $0xFFFF  }
0xbf: {  	[dreg:$0x0] =	wrdreg $0xFFFFFFFF;
	(pc) =	sbr.abs _section_cstart, $3  }
0xc0: {  	[dreg:$0x1] =	wrdreg $0xFFFFFFFF  }
0xc1: {  	_ =	task.clear_ibuf [dreg:s7], $0x2FFFF;
	_ =	strace $0x9FFFFFFF  }
0xc2: {  	(tm) =	ssettm $0x7FFFFFFF  }
0xc3: {  	_ =	shalt  }
tec
execute0_lowered:
.L_overlay_start_1:
0x0: {  	(tag) =	ssettag $0x1  }
0x1: {  	s0 =	rddreg [dreg:$0x0];
	s1 =	srdreg.scid  }
0x2: {  	s3 =	stileid.u32;
	s2 =	rddreg [dreg:$0x1];
	s16 =	simm.s32 $0xD  }
0x3: {  	s17 =	simm.s32 $0x50;
	s19 =	simm.s32 $0x4C0;
	s30 =	simm.s32 $0x6BE0  }
0x4: {  	s18 =	simm.s32 $0xD300;
	s29 =	simm.s32 $0x2;
	s20 =	simm.s32 $0x13A20  }
0x5: {  	s28 =	simm.s32 $0x5;
	s11 =	simm.s32 $0x0;
	s1 =	sand.u32 $0x1, s1  }
0x6: {  	s4 =	sshll.u32 s3, $0x1;
	s3 =	simm.s32 $0x0;
	s5 =	sadd.s32 $0x800, s0  }
0x7: {  	s6 =	sadd.s32 $0x19800, s0;
	s4 =	sor.u32 s1, s4;
	s1 =	ssub.s32 $0x2, s1  }
0x8: {  	[smem:$0x7FF] =	sst s3;
	s9 =	smul.u32 $0x6400, s4;
	s7 =	sshrl.u32 s1, $0x1  }
0x9: {  	s8 =	sadd.s32 $0x263800, s0;
	_ =	strace $0x80000047;
	s21 =	ssub.s32 s1, s7  }
0xa: {  	s1 =	simm.s32 $0x7;
	s23 =	sor.u32 $0x320, s9;
	[dreg:$0x3] =	wrdreg s9  }
0xb: {  	s7 =	simm.s32 $0xA;
	s24 =	sadd.s32 $0x4B0, s9;
	[dreg:$0x6] =	wrdreg s23  }
0xc: {  	s4 =	sshrl.u32 s9, $0x3;
	s25 =	sor.u32 $0x190, s9;
	[dreg:$0x7] =	wrdreg s24  }
0xd: {  	s26 =	sadd.s32 $0x640, s9;
	s31 =	sadd.s32 $0x7D0, s9;
	[dreg:$0x8] =	wrdreg s25  }
.Ltmp0:
0xe: {  	s0 =	smax.u32 s21, $0x1;
	[dreg:$0x9] =	wrdreg s26;
	(pc) =	sbr.rel .LBB2_1-.Ltmp0, $4  }
0xf: {  	s9 =	simm.s32 $0x8;
	s4 =	sadd.s32 s5, s4;
	[dreg:$0xa] =	wrdreg s31  }
0x10: {  	[dreg:$0xb] =	wrdreg s0;
	s24 =	simm.s32 $0x1;
	s0 =	simm.s32 $0x4  }
0x11: {  	v0 =	vlaneseq.u32;
	s23 =	simm.s32 $0x17620;
	[dreg:$0x4] =	wrdreg s4;
	s22 =	sadd.s32 $0x32, s4  }
0x12: {  	v1 =	vor.u32 $0xFFFFFE70, v0;
	s25 =	simm.s32 $0x18A20;
	[dreg:$0x5] =	wrdreg s22;
	s22 =	simm.s32 $0xB  }
.LBB2_19:
0x13: {  	s4 =	simm.s32 $0x3  }
0x14: {  	_ =	swait.ge [sflag:s4], $0x6400  }
0x15: {  	[sflag:s4] =	ssyncset.done $0x0  }
0x16: {  	s21 =	simm.s32 $0x6;
	[sflag:s4] =	ssyncadd.s32 $0xFFFF9C00  }
0x17: {  	_ =	swait.ge [sflag:s21], $0x6400  }
0x18: {  	[sflag:s21] =	ssyncset.done $0x0  }
0x19: {  	s26 =	simm.s32 $0x9;
	[sflag:s21] =	ssyncadd.s32 $0xFFFF9C00  }
0x1a: {  	_ =	swait.ge [sflag:s26], $0x6400  }
0x1b: {  	[sflag:s26] =	ssyncset.done $0x0  }
0x1c: {  	s10 =	simm.s32 $0xC;
	[sflag:s26] =	ssyncadd.s32 $0xFFFF9C00  }
0x1d: {  	_ =	swait.ge [sflag:s10], $0x6400  }
0x1e: {  	s11 =	rddreg [dreg:$0xc]  }
0x1f: {  	s31 =	rddreg [dreg:$0xb];
	s11 =	sadd.s32 $0x1, s11  }
0x20: {  	p0 =	sne.s32 s11, s31  }
.Ltmp1:
0x21: {  	_ = 	snop;
	(pc) =	sbr.rel @!p0 .LBB2_20-.Ltmp1, $3  }
0x22: {  	_ =	sdelay $0x1  }
0x23: {  	[sflag:s10] =	ssyncset.done $0x0  }
0x24: {  	[sflag:s10] =	ssyncadd.s32 $0xFFFF9C00  }
.LBB2_1:
0x25: {  	[dreg:$0xc] =	wrdreg s11  }
0x26: {  	s4 =	simm.s32 $0x10;
	s10 =	rddreg [dreg:$0x4]  }
0x27: {  	[tilespmem:s4], [sflag:$0xD] =	stream.linear.gather [hbm4b:s10+s3], $0x190, $0x38;
	[tilespmem:$0x19E20] =	vst v63  }
0x28: {  	_ =	swait.ge [sflag:s16], $0x190  }
0x29: {  	[sflag:s16] =	ssyncset.done $0x0  }
0x2a: {  	v2 =	vmov s3;
	[sflag:s16] =	ssyncadd.s32 $0xFFFFFE70  }
0x2b: {  	v4 =	vor.u32 s3, v0;
	vm0 =	vgt.u32 v2, $0x18F;
	v2 =	vadd.s32 s3, v1;
	v3 =	vld [tilespmem:s4+$0xFFFFFFFF]  }
0x2c: {  	v2 =	vsel vm0, v2, v4  }
0x2d: {  	vm0 =	vgt.s32 v2, $0xC7;
	v4 =	vadd.s32 $0xFFFFFF38, v2  }
0x2e: {  	v2 =	vsel vm0, v4, v2  }
0x2f: {  	vm0 =	veq.s32 v2, $0x0  }
0x30: {  	v2 =	vsel vm0, $0x0, v3  }
0x31: {  	v3 =	vcvt.s32.f32 v2;
	_ =	sdelay $0x1  }
0x32: {  	v3 =	vmul.f32 $3.333333320e-06, v3;
	_ =	sdelay $0x1  }
0x33: {  	v3 =	vtrunc.f32 v3  }
0x34: {  	v3 =	vcvt.f32.s32 v3;
	_ =	sdelay $0x1  }
0x35: {  	v3 =	vmul.u32 $0xFFFB6C20, v3;
	_ =	sdelay $0x1  }
0x36: {  	v2 =	vadd.s32 v2, v3  }
0x37: {  	vm13 =	vgt.s32 v2, $0x493DF;
	v3 =	vadd.s32 $0xFFFB6C20, v2  }
0x38: {  	v61 =	vld [tilespmem:s4+$0x0];
	v2 =	vsel vm13, v3, v2  }
0x39: {  	vm0 =	vlt.s32 v2, $0x0;
	v3 =	vadd.s32 $0x493E0, v2  }
0x3a: {  	v2 =	vsel vm0, v3, v2  }
0x3b: {  	v2 =	vmul.u32 $0x1F, v2;
	_ =	sdelay $0x1  }
0x3c: {  	v3 =	vcvt.s32.f32 v61;
	v2 =	vadd.s32 v61, v2  }
0x3d: {  	v5 =	vcvt.s32.f32 v2  }
0x3e: {  	v3 =	vmul.f32 $3.333333320e-06, v3  }
0x3f: {  	v5 =	vmul.f32 $3.333333320e-06, v5  }
0x40: {  	v3 =	vtrunc.f32 v3  }
0x41: {  	v3 =	vcvt.f32.s32 v3;
	v5 =	vtrunc.f32 v5  }
0x42: {  	v5 =	vcvt.f32.s32 v5  }
0x43: {  	v3 =	vmul.u32 $0xFFFB6C20, v3  }
0x44: {  	v5 =	vmul.u32 $0xFFFB6C20, v5  }
0x45: {  	v3 =	vadd.s32 v61, v3  }
0x46: {  	vm14 =	vgt.s32 v3, $0x493DF;
	v4 =	vadd.s32 $0xFFFB6C20, v3;
	v2 =	vadd.s32 v2, v5  }
0x47: {  	v3 =	vsel vm14, v4, v3;
	vm15 =	vgt.s32 v2, $0x493DF;
	v62 =	vadd.s32 $0xFFFB6C20, v2  }
0x48: {  	vm1 =	vlt.s32 v3, $0x0;
	v63 =	vadd.s32 $0x493E0, v3;
	v2 =	vsel vm15, v62, v2  }
0x49: {  	s26 =	simm.s32 $0x1A0;
	v3 =	vsel vm1, v63, v3;
	vm0 =	vlt.s32 v2, $0x0;
	v4 =	vadd.s32 $0x493E0, v2  }
0x4a: {  	s12 =	simm.s32 $0x10;
	s13 =	simm.s32 $0x20;
	s31 =	simm.s32 $0x330;
	[tilespmem:s26+$0x0] =	vst v3;
	v3 =	vsel vm0, v4, v2  }
0x4b: {  	s11 =	simm.s32 $0x20;
	s10 =	simm.s32 $0x1A0;
	s4 =	simm.s32 $0x330;
	v2 =	vmov s12;
	[tilespmem:s31+$0x0] =	vst v3  }
.LBB2_2:
0x4c: {  	p0 =	sne.s32 s13, $0x180;
	v3 =	vld [tilespmem:s11+$0xFFFFFFFF];
	v4 =	vor.u32 s12, v0;
	vm0 =	vgt.u32 v2, $0x18F;
	v2 =	vadd.s32 s12, v1;
	s12 =	smov.u32 s13  }
0x4d: {  	v2 =	vsel vm0, v2, v4  }
0x4e: {  	vm0 =	vgt.s32 v2, $0xC7;
	v4 =	vadd.s32 $0xFFFFFF38, v2  }
0x4f: {  	v2 =	vsel vm0, v4, v2  }
0x50: {  	vm0 =	veq.s32 v2, $0x0  }
0x51: {  	v2 =	vsel vm0, $0x0, v3  }
0x52: {  	v3 =	vcvt.s32.f32 v2;
	_ =	sdelay $0x1  }
0x53: {  	v3 =	vmul.f32 $3.333333320e-06, v3;
	_ =	sdelay $0x1  }
0x54: {  	v3 =	vtrunc.f32 v3  }
0x55: {  	v3 =	vcvt.f32.s32 v3;
	_ =	sdelay $0x1  }
0x56: {  	v3 =	vmul.u32 $0xFFFB6C20, v3;
	_ =	sdelay $0x1  }
0x57: {  	v2 =	vadd.s32 v2, v3  }
0x58: {  	vm0 =	vgt.s32 v2, $0x493DF;
	v3 =	vadd.s32 $0xFFFB6C20, v2  }
0x59: {  	v4 =	vld [tilespmem:s11+$0x0];
	v2 =	vsel vm0, v3, v2  }
0x5a: {  	vm0 =	vlt.s32 v2, $0x0;
	v3 =	vadd.s32 $0x493E0, v2  }
0x5b: {  	v2 =	vsel vm0, v3, v2  }
0x5c: {  	v2 =	vmul.u32 $0x1F, v2;
	_ =	sdelay $0x1  }
0x5d: {  	v3 =	vcvt.s32.f32 v4;
	v2 =	vadd.s32 v4, v2  }
0x5e: {  	v5 =	vcvt.s32.f32 v2  }
0x5f: {  	v3 =	vmul.f32 $3.333333320e-06, v3  }
0x60: {  	v5 =	vmul.f32 $3.333333320e-06, v5  }
0x61: {  	v3 =	vtrunc.f32 v3  }
0x62: {  	v3 =	vcvt.f32.s32 v3;
	v5 =	vtrunc.f32 v5  }
0x63: {  	v5 =	vcvt.f32.s32 v5  }
0x64: {  	v3 =	vmul.u32 $0xFFFB6C20, v3  }
0x65: {  	v5 =	vmul.u32 $0xFFFB6C20, v5  }
0x66: {  	v3 =	vadd.s32 v4, v3  }
0x67: {  	vm0 =	vgt.s32 v3, $0x493DF;
	v4 =	vadd.s32 $0xFFFB6C20, v3;
	v2 =	vadd.s32 v2, v5  }
.Ltmp2:
0x68: {  	v3 =	vsel vm0, v4, v3;
	vm0 =	vgt.s32 v2, $0x493DF;
	v4 =	vadd.s32 $0xFFFB6C20, v2;
	(pc) =	sbr.rel @p0 .LBB2_2-.Ltmp2, $4  }
0x69: {  	vm1 =	vlt.s32 v3, $0x0;
	v5 =	vadd.s32 $0x493E0, v3;
	v2 =	vsel vm0, v4, v2  }
0x6a: {  	s10 =	sadd.s32 $0x10, s10;
	v3 =	vsel vm1, v5, v3;
	vm0 =	vlt.s32 v2, $0x0;
	v4 =	vadd.s32 $0x493E0, v2  }
0x6b: {  	s4 =	sadd.s32 $0x10, s4;
	[tilespmem:s10+$0x0] =	vst v3;
	v3 =	vsel vm0, v4, v2  }
0x6c: {  	s13 =	sadd.s32 $0x10, s13;
	s11 =	sadd.s32 $0x10, s11;
	v2 =	vmov s12;
	[tilespmem:s4+$0x0] =	vst v3  }
0x6d: {  	v3 =	vld [tilespmem:s11+$0xFFFFFFFF];
	v4 =	vor.u32 s12, v0;
	vm0 =	vgt.u32 v2, $0x18F;
	v2 =	vadd.s32 s12, v1  }
0x6e: {  	v2 =	vsel vm0, v2, v4  }
0x6f: {  	vm0 =	vgt.s32 v2, $0xC7;
	v4 =	vadd.s32 $0xFFFFFF38, v2  }
0x70: {  	v2 =	vsel vm0, v4, v2  }
0x71: {  	vm0 =	veq.s32 v2, $0x0  }
0x72: {  	v2 =	vsel vm0, $0x0, v3  }
0x73: {  	v3 =	vcvt.s32.f32 v2;
	_ =	sdelay $0x1  }
0x74: {  	v3 =	vmul.f32 $3.333333320e-06, v3;
	_ =	sdelay $0x1  }
0x75: {  	v3 =	vtrunc.f32 v3  }
0x76: {  	v3 =	vcvt.f32.s32 v3;
	_ =	sdelay $0x1  }
0x77: {  	v3 =	vmul.u32 $0xFFFB6C20, v3;
	_ =	sdelay $0x1  }
0x78: {  	v2 =	vadd.s32 v2, v3  }
0x79: {  	vm8 =	vgt.s32 v2, $0x493DF;
	v3 =	vadd.s32 $0xFFFB6C20, v2  }
0x7a: {  	v56 =	vld [tilespmem:s11+$0x0];
	v2 =	vsel vm8, v3, v2  }
0x7b: {  	vm0 =	vlt.s32 v2, $0x0;
	v3 =	vadd.s32 $0x493E0, v2  }
0x7c: {  	v2 =	vsel vm0, v3, v2  }
0x7d: {  	v2 =	vmul.u32 $0x1F, v2;
	_ =	sdelay $0x1  }
0x7e: {  	v3 =	vcvt.s32.f32 v56;
	v2 =	vadd.s32 v56, v2  }
0x7f: {  	v5 =	vcvt.s32.f32 v2  }
0x80: {  	v3 =	vmul.f32 $3.333333320e-06, v3  }
0x81: {  	v5 =	vmul.f32 $3.333333320e-06, v5  }
0x82: {  	v3 =	vtrunc.f32 v3  }
0x83: {  	v3 =	vcvt.f32.s32 v3;
	v5 =	vtrunc.f32 v5  }
0x84: {  	v5 =	vcvt.f32.s32 v5  }
0x85: {  	v3 =	vmul.u32 $0xFFFB6C20, v3  }
0x86: {  	v5 =	vmul.u32 $0xFFFB6C20, v5  }
0x87: {  	v3 =	vadd.s32 v56, v3  }
0x88: {  	vm9 =	vgt.s32 v3, $0x493DF;
	v4 =	vadd.s32 $0xFFFB6C20, v3;
	v2 =	vadd.s32 v2, v5  }
0x89: {  	v3 =	vsel vm9, v4, v3;
	vm10 =	vgt.s32 v2, $0x493DF;
	v57 =	vadd.s32 $0xFFFB6C20, v2  }
0x8a: {  	vm1 =	vlt.s32 v3, $0x0;
	v58 =	vadd.s32 $0x493E0, v3;
	v2 =	vsel vm10, v57, v2  }
0x8b: {  	s10 =	sadd.s32 $0x10, s10;
	v3 =	vsel vm1, v58, v3;
	vm0 =	vlt.s32 v2, $0x0;
	v4 =	vadd.s32 $0x493E0, v2  }
0x8c: {  	s4 =	sadd.s32 $0x10, s4;
	[tilespmem:s10+$0x0] =	vst v3;
	v2 =	vsel vm0, v4, v2  }
0x8d: {  	s21 =	simm.s32 $0x1A0;
	[tilespmem:s4+$0x0] =	vst v2  }
0x8e: {  	[tilespmem:s19], [sflag:$0x1] =	stream.indirect.gather [hbm4b:s6+s17], $0x40, s21, s17, $0xb8;
	[tilespmem:$0x19E20] =	vst v63  }
0x8f: {  	s26 =	simm.s32 $0x1F0;
	s31 =	simm.s32 $0x18C0  }
0x90: {  	[tilespmem:s31], [sflag:$0x1] =	stream.indirect.gather [hbm4b:s6+s17], $0x40, s26, s17, $0xb8;
	[tilespmem:$0x19E20] =	vst v63  }
0x91: {  	s11 =	simm.s32 $0x2CC0;
	s10 =	simm.s32 $0x240  }
0x92: {  	[tilespmem:s11], [sflag:$0x1] =	stream.indirect.gather [hbm4b:s6+s17], $0x40, s10, s17, $0xb8;
	[tilespmem:$0x19E20] =	vst v63  }
0x93: {  	s12 =	simm.s32 $0x290;
	s13 =	simm.s32 $0x40C0  }
0x94: {  	[tilespmem:s13], [sflag:$0x1] =	stream.indirect.gather [hbm4b:s6+s17], $0x40, s12, s17, $0xb8;
	[tilespmem:$0x19E20] =	vst v63  }
0x95: {  	s14 =	simm.s32 $0x2E0;
	s15 =	simm.s32 $0x54C0  }
0x96: {  	[tilespmem:s15], [sflag:$0x1] =	stream.indirect.gather [hbm4b:s6+s17], $0x40, s14, s17, $0xb8;
	[tilespmem:$0x19E20] =	vst v63  }
0x97: {  	s21 =	simm.s32 $0x0;
	s26 =	simm.s32 $0x10;
	s31 =	rddreg [dreg:$0x5]  }
0x98: {  	[tilespmem:s26], [sflag:$0xD] =	stream.linear.gather [hbm4b:s31+s21], $0x190, $0x38;
	[tilespmem:$0x19E20] =	vst v63  }
0x99: {  	_ =	swait.ge [sflag:s16], $0x190  }
0x9a: {  	[sflag:s16] =	ssyncset.done $0x0  }
0x9b: {  	v2 =	vmov s21;
	[sflag:s16] =	ssyncadd.s32 $0xFFFFFE70  }
0x9c: {  	v59 =	vor.u32 s21, v0;
	vm11 =	vgt.u32 v2, $0x18F;
	v2 =	vadd.s32 s21, v1;
	v3 =	vld [tilespmem:s26+$0xFFFFFFFF]  }
0x9d: {  	v2 =	vsel vm11, v2, v59  }
0x9e: {  	vm0 =	vgt.s32 v2, $0xC7;
	v4 =	vadd.s32 $0xFFFFFF38, v2  }
0x9f: {  	v2 =	vsel vm0, v4, v2  }
0xa0: {  	vm0 =	veq.s32 v2, $0x0  }
0xa1: {  	v2 =	vsel vm0, $0x0, v3  }
0xa2: {  	v3 =	vcvt.s32.f32 v2;
	_ =	sdelay $0x1  }
0xa3: {  	v3 =	vmul.f32 $3.333333320e-06, v3;
	_ =	sdelay $0x1  }
0xa4: {  	v3 =	vtrunc.f32 v3  }
0xa5: {  	v3 =	vcvt.f32.s32 v3;
	_ =	sdelay $0x1  }
0xa6: {  	v3 =	vmul.u32 $0xFFFB6C20, v3;
	_ =	sdelay $0x1  }
0xa7: {  	v2 =	vadd.s32 v2, v3  }
0xa8: {  	vm12 =	vgt.s32 v2, $0x493DF;
	v3 =	vadd.s32 $0xFFFB6C20, v2  }
0xa9: {  	v60 =	vld [tilespmem:s26+$0x0];
	v2 =	vsel vm12, v3, v2  }
0xaa: {  	vm0 =	vlt.s32 v2, $0x0;
	v3 =	vadd.s32 $0x493E0, v2  }
0xab: {  	v2 =	vsel vm0, v3, v2  }
0xac: {  	v2 =	vmul.u32 $0x1F, v2;
	_ =	sdelay $0x1  }
0xad: {  	v3 =	vcvt.s32.f32 v60;
	v2 =	vadd.s32 v60, v2  }
0xae: {  	v61 =	vcvt.s32.f32 v2  }
0xaf: {  	v3 =	vmul.f32 $3.333333320e-06, v3  }
0xb0: {  	v5 =	vmul.f32 $3.333333320e-06, v61  }
0xb1: {  	v3 =	vtrunc.f32 v3  }
0xb2: {  	v3 =	vcvt.f32.s32 v3;
	v5 =	vtrunc.f32 v5  }
0xb3: {  	v5 =	vcvt.f32.s32 v5  }
0xb4: {  	v3 =	vmul.u32 $0xFFFB6C20, v3  }
0xb5: {  	v5 =	vmul.u32 $0xFFFB6C20, v5  }
0xb6: {  	v3 =	vadd.s32 v60, v3  }
0xb7: {  	vm13 =	vgt.s32 v3, $0x493DF;
	v4 =	vadd.s32 $0xFFFB6C20, v3;
	v2 =	vadd.s32 v2, v5  }
0xb8: {  	v3 =	vsel vm13, v4, v3;
	vm14 =	vgt.s32 v2, $0x493DF;
	v62 =	vadd.s32 $0xFFFB6C20, v2  }
0xb9: {  	vm15 =	vlt.s32 v3, $0x0;
	v63 =	vadd.s32 $0x493E0, v3;
	v2 =	vsel vm14, v62, v2  }
0xba: {  	s4 =	simm.s32 $0x68C0;
	v3 =	vsel vm15, v63, v3;
	vm0 =	vlt.s32 v2, $0x0;
	v4 =	vadd.s32 $0x493E0, v2  }
0xbb: {  	s10 =	simm.s32 $0x6A50;
	s12 =	simm.s32 $0x10;
	[tilespmem:s4+$0x0] =	vst v3;
	v3 =	vsel vm0, v4, v2  }
0xbc: {  	s11 =	simm.s32 $0x20;
	s13 =	simm.s32 $0x20;
	v2 =	vmov s12;
	[tilespmem:s10+$0x0] =	vst v3  }
.LBB2_4:
0xbd: {  	p0 =	sne.s32 s13, $0x180;
	v3 =	vld [tilespmem:s11+$0xFFFFFFFF];
	v4 =	vor.u32 s12, v0;
	vm0 =	vgt.u32 v2, $0x18F;
	v2 =	vadd.s32 s12, v1;
	s12 =	smov.u32 s13  }
0xbe: {  	v2 =	vsel vm0, v2, v4  }
0xbf: {  	vm0 =	vgt.s32 v2, $0xC7;
	v4 =	vadd.s32 $0xFFFFFF38, v2  }
0xc0: {  	v2 =	vsel vm0, v4, v2  }
0xc1: {  	vm0 =	veq.s32 v2, $0x0  }
0xc2: {  	v2 =	vsel vm0, $0x0, v3  }
0xc3: {  	v3 =	vcvt.s32.f32 v2;
	_ =	sdelay $0x1  }
0xc4: {  	v3 =	vmul.f32 $3.333333320e-06, v3;
	_ =	sdelay $0x1  }
0xc5: {  	v3 =	vtrunc.f32 v3  }
0xc6: {  	v3 =	vcvt.f32.s32 v3;
	_ =	sdelay $0x1  }
0xc7: {  	v3 =	vmul.u32 $0xFFFB6C20, v3;
	_ =	sdelay $0x1  }
0xc8: {  	v2 =	vadd.s32 v2, v3  }
0xc9: {  	vm0 =	vgt.s32 v2, $0x493DF;
	v3 =	vadd.s32 $0xFFFB6C20, v2  }
0xca: {  	v4 =	vld [tilespmem:s11+$0x0];
	v2 =	vsel vm0, v3, v2  }
0xcb: {  	vm0 =	vlt.s32 v2, $0x0;
	v3 =	vadd.s32 $0x493E0, v2  }
0xcc: {  	v2 =	vsel vm0, v3, v2  }
0xcd: {  	v2 =	vmul.u32 $0x1F, v2;
	_ =	sdelay $0x1  }
0xce: {  	v3 =	vcvt.s32.f32 v4;
	v2 =	vadd.s32 v4, v2  }
0xcf: {  	v5 =	vcvt.s32.f32 v2  }
0xd0: {  	v3 =	vmul.f32 $3.333333320e-06, v3  }
0xd1: {  	v5 =	vmul.f32 $3.333333320e-06, v5  }
0xd2: {  	v3 =	vtrunc.f32 v3  }
0xd3: {  	v3 =	vcvt.f32.s32 v3;
	v5 =	vtrunc.f32 v5  }
0xd4: {  	v5 =	vcvt.f32.s32 v5  }
0xd5: {  	v3 =	vmul.u32 $0xFFFB6C20, v3  }
0xd6: {  	v5 =	vmul.u32 $0xFFFB6C20, v5  }
0xd7: {  	v3 =	vadd.s32 v4, v3  }
0xd8: {  	vm0 =	vgt.s32 v3, $0x493DF;
	v4 =	vadd.s32 $0xFFFB6C20, v3;
	v2 =	vadd.s32 v2, v5  }
.Ltmp3:
0xd9: {  	v3 =	vsel vm0, v4, v3;
	vm0 =	vgt.s32 v2, $0x493DF;
	v4 =	vadd.s32 $0xFFFB6C20, v2;
	(pc) =	sbr.rel @p0 .LBB2_4-.Ltmp3, $4  }
0xda: {  	vm1 =	vlt.s32 v3, $0x0;
	v5 =	vadd.s32 $0x493E0, v3;
	v2 =	vsel vm0, v4, v2  }
0xdb: {  	s4 =	sadd.s32 $0x10, s4;
	v3 =	vsel vm1, v5, v3;
	vm0 =	vlt.s32 v2, $0x0;
	v4 =	vadd.s32 $0x493E0, v2  }
0xdc: {  	s10 =	sadd.s32 $0x10, s10;
	[tilespmem:s4+$0x0] =	vst v3;
	v3 =	vsel vm0, v4, v2  }
0xdd: {  	s13 =	sadd.s32 $0x10, s13;
	s11 =	sadd.s32 $0x10, s11;
	v2 =	vmov s12;
	[tilespmem:s10+$0x0] =	vst v3  }
0xde: {  	v3 =	vld [tilespmem:s11+$0xFFFFFFFF];
	v4 =	vor.u32 s12, v0;
	vm0 =	vgt.u32 v2, $0x18F;
	v2 =	vadd.s32 s12, v1  }
0xdf: {  	v2 =	vsel vm0, v2, v4  }
0xe0: {  	vm0 =	vgt.s32 v2, $0xC7;
	v4 =	vadd.s32 $0xFFFFFF38, v2  }
0xe1: {  	v2 =	vsel vm0, v4, v2  }
0xe2: {  	vm0 =	veq.s32 v2, $0x0  }
0xe3: {  	v2 =	vsel vm0, $0x0, v3  }
0xe4: {  	v3 =	vcvt.s32.f32 v2;
	_ =	sdelay $0x1  }
0xe5: {  	v3 =	vmul.f32 $3.333333320e-06, v3;
	_ =	sdelay $0x1  }
0xe6: {  	v3 =	vtrunc.f32 v3  }
0xe7: {  	v3 =	vcvt.f32.s32 v3;
	_ =	sdelay $0x1  }
0xe8: {  	v3 =	vmul.u32 $0xFFFB6C20, v3;
	_ =	sdelay $0x1  }
0xe9: {  	v2 =	vadd.s32 v2, v3  }
0xea: {  	vm13 =	vgt.s32 v2, $0x493DF;
	v3 =	vadd.s32 $0xFFFB6C20, v2  }
0xeb: {  	v61 =	vld [tilespmem:s11+$0x0];
	v2 =	vsel vm13, v3, v2  }
0xec: {  	vm0 =	vlt.s32 v2, $0x0;
	v3 =	vadd.s32 $0x493E0, v2  }
0xed: {  	v2 =	vsel vm0, v3, v2  }
0xee: {  	v2 =	vmul.u32 $0x1F, v2;
	_ =	sdelay $0x1  }
0xef: {  	v3 =	vcvt.s32.f32 v61;
	v2 =	vadd.s32 v61, v2  }
0xf0: {  	v5 =	vcvt.s32.f32 v2  }
0xf1: {  	v3 =	vmul.f32 $3.333333320e-06, v3  }
0xf2: {  	v5 =	vmul.f32 $3.333333320e-06, v5  }
0xf3: {  	v3 =	vtrunc.f32 v3  }
0xf4: {  	v3 =	vcvt.f32.s32 v3;
	v5 =	vtrunc.f32 v5  }
0xf5: {  	v5 =	vcvt.f32.s32 v5  }
0xf6: {  	v3 =	vmul.u32 $0xFFFB6C20, v3  }
0xf7: {  	v5 =	vmul.u32 $0xFFFB6C20, v5  }
0xf8: {  	v3 =	vadd.s32 v61, v3  }
0xf9: {  	vm14 =	vgt.s32 v3, $0x493DF;
	v4 =	vadd.s32 $0xFFFB6C20, v3;
	v2 =	vadd.s32 v2, v5  }
0xfa: {  	v3 =	vsel vm14, v4, v3;
	vm15 =	vgt.s32 v2, $0x493DF;
	v62 =	vadd.s32 $0xFFFB6C20, v2  }
0xfb: {  	vm1 =	vlt.s32 v3, $0x0;
	v63 =	vadd.s32 $0x493E0, v3;
	v2 =	vsel vm15, v62, v2  }
0xfc: {  	s4 =	sadd.s32 $0x10, s4;
	v3 =	vsel vm1, v63, v3;
	vm0 =	vlt.s32 v2, $0x0;
	v4 =	vadd.s32 $0x493E0, v2  }
0xfd: {  	s31 =	sadd.s32 $0x10, s10;
	[tilespmem:s4+$0x0] =	vst v3;
	v2 =	vsel vm0, v4, v2  }
0xfe: {  	s10 =	simm.s32 $0x68C0;
	[tilespmem:s31+$0x0] =	vst v2  }
0xff: {  	[tilespmem:s30], [sflag:$0x4] =	stream.indirect.gather [hbm4b:s6+s17], $0x40, s10, s17, $0xb8;
	[tilespmem:$0x19E20] =	vst v63  }
0x100: {  	s11 =	simm.s32 $0x6910;
	s12 =	simm.s32 $0x7FE0  }
0x101: {  	[tilespmem:s12], [sflag:$0x4] =	stream.indirect.gather [hbm4b:s6+s17], $0x40, s11, s17, $0xb8;
	[tilespmem:$0x19E20] =	vst v63  }
0x102: {  	s13 =	simm.s32 $0x6960;
	s14 =	simm.s32 $0x93E0  }
0x103: {  	[tilespmem:s14], [sflag:$0x4] =	stream.indirect.gather [hbm4b:s6+s17], $0x40, s13, s17, $0xb8;
	[tilespmem:$0x19E20] =	vst v63  }
.Ltmp4:
0x104: {  	_ = 	snop;
	(pc) =	sbr.rel .LBB2_6-.Ltmp4, $4  }
0x105: {  	s15 =	simm.s32 $0x69B0;
	s21 =	simm.s32 $0xA7E0;
	s26 =	simm.s32 $0x6A00  }
0x106: {  	[tilespmem:s21], [sflag:$0x4] =	stream.indirect.gather [hbm4b:s6+s17], $0x40, s15, s17, $0xb8;
	[tilespmem:$0x19E20] =	vst v63  }
0x107: {  	s4 =	simm.s32 $0x0;
	s31 =	simm.s32 $0xBBE0;
	s10 =	simm.s32 $0x0  }
0x108: {  	[tilespmem:s31], [sflag:$0x4] =	stream.indirect.gather [hbm4b:s6+s17], $0x40, s26, s17, $0xb8;
	[tilespmem:$0x19E20] =	vst v63  }
.LBB2_18:
0x109: {  	_ =	swait.ge [sflag:s22], $0x1400  }
0x10a: {  	[sflag:s22] =	ssyncset.done $0x0  }
0x10b: {  	[sflag:s22] =	ssyncadd.s32 $0xFFFFEC00  }
0x10c: {  	_ =	swait.ge [sflag:s22], $0x1400  }
0x10d: {  	[sflag:s22] =	ssyncset.done $0x0  }
0x10e: {  	[sflag:s22] =	ssyncadd.s32 $0xFFFFEC00  }
0x10f: {  	_ =	swait.ge [sflag:s22], $0x1400  }
0x110: {  	[sflag:s22] =	ssyncset.done $0x0  }
0x111: {  	[sflag:s22] =	ssyncadd.s32 $0xFFFFEC00  }
0x112: {  	s10 =	sadd.s32 $0x1, s10;
	_ =	swait.ge [sflag:s22], $0x1400  }
0x113: {  	p0 =	sne.s32 s10, $0x10;
	[sflag:s22] =	ssyncset.done $0x0  }
.Ltmp5:
0x114: {  	[sflag:s22] =	ssyncadd.s32 $0xFFFFEC00;
	(pc) =	sbr.rel @!p0 .LBB2_19-.Ltmp5, $4  }
0x115: {  	s11 =	sshll.u32 s12, $0x3;
	_ =	swait.ge [sflag:s22], $0x1400  }
0x116: {  	s11 =	sand.u32 $0x1FFFFF80, s11;
	[sflag:s22] =	ssyncset.done $0x0  }
0x117: {  	s11 =	sadd.s32 s2, s11;
	[sflag:s22] =	ssyncadd.s32 $0xFFFFEC00  }
0x118: {  	[hbm4b:s11+s3] =	stream.linear.scatter [tilespmem:s20], [sflag:$0xC], $0x6400, $0x38;
	[tilespmem:$0x19E20] =	vst v63  }
.LBB2_6:
0x119: {  	_ =	swait.ge [sflag:s24], $0x6400  }
0x11a: {  	[sflag:s24] =	ssyncset.done $0x0  }
0x11b: {  	s11 =	simm.s32 $0x330;
	[sflag:s24] =	ssyncadd.s32 $0xFFFF9C00  }
0x11c: {  	[tilespmem:s19], [sflag:$0x2] =	stream.indirect.gather.add.f32 [hbm:s8], $0x40, s11, s17, $0xb8;
	[tilespmem:$0x19E20] =	vst v63  }
0x11d: {  	s15 =	simm.s32 $0x18C0;
	s12 =	simm.s32 $0x380  }
0x11e: {  	[tilespmem:s15], [sflag:$0x2] =	stream.indirect.gather.add.f32 [hbm:s8], $0x40, s12, s17, $0xb8;
	[tilespmem:$0x19E20] =	vst v63  }
0x11f: {  	s21 =	simm.s32 $0x2CC0;
	s26 =	simm.s32 $0x3D0  }
0x120: {  	[tilespmem:s21], [sflag:$0x2] =	stream.indirect.gather.add.f32 [hbm:s8], $0x40, s26, s17, $0xb8;
	[tilespmem:$0x19E20] =	vst v63  }
0x121: {  	s13 =	simm.s32 $0x420;
	p0 =	seq.s32 s10, $0x0;
	s12 =	simm.s32 $0x40C0  }
0x122: {  	[tilespmem:s12], [sflag:$0x2] =	stream.indirect.gather.add.f32 [hbm:s8], $0x40, s13, s17, $0xb8;
	[tilespmem:$0x19E20] =	vst v63  }
0x123: {  	s14 =	simm.s32 $0x54C0;
	s15 =	simm.s32 $0x470;
	s12 =	simm.s32 @!p0 $0x9  }
0x124: {  	[tilespmem:s14], [sflag:$0x2] =	stream.indirect.gather.add.f32 [hbm:s8], $0x40, s15, s17, $0xb8;
	[tilespmem:$0x19E20] =	vst v63  }
0x125: {  	s11 =	smul.u32 $0x640, s10;
	_ =	swait.ge @!p0 [sflag:s12], $0x6400  }
0x126: {  	s13 =	rddreg [dreg:$0x6]  }
0x127: {  	s14 =	sadd.s32 s11, s13  }
0x128: {  	[sflag:s12] =	ssyncset.done @!p0 $0x0;
	s13 =	sshrl.u32 s14, $0x3  }
0x129: {  	s26 =	simm.s32 $0x10;
	[sflag:s12] =	ssyncadd.s32 @!p0 $0xFFFF9C00;
	s21 =	sadd.s32 s5, s13  }
0x12a: {  	[tilespmem:s26], [sflag:$0xD] =	stream.linear.gather [hbm4b:s21+s4], $0x190, $0x38;
	[tilespmem:$0x19E20] =	vst v63  }
0x12b: {  	_ =	swait.ge [sflag:s16], $0x190  }
0x12c: {  	[sflag:s16] =	ssyncset.done $0x0  }
0x12d: {  	v2 =	vmov s4;
	[sflag:s16] =	ssyncadd.s32 $0xFFFFFE70  }
0x12e: {  	v4 =	vor.u32 s4, v0;
	vm0 =	vgt.u32 v2, $0x18F;
	v2 =	vadd.s32 s4, v1;
	v3 =	vld [tilespmem:s26+$0xFFFFFFFF]  }
0x12f: {  	v2 =	vsel vm0, v2, v4  }
0x130: {  	vm0 =	vgt.s32 v2, $0xC7;
	v4 =	vadd.s32 $0xFFFFFF38, v2  }
0x131: {  	v2 =	vsel vm0, v4, v2  }
0x132: {  	vm0 =	veq.s32 v2, $0x0  }
0x133: {  	v2 =	vsel vm0, $0x0, v3  }
0x134: {  	v3 =	vcvt.s32.f32 v2;
	_ =	sdelay $0x1  }
0x135: {  	v3 =	vmul.f32 $3.333333320e-06, v3;
	_ =	sdelay $0x1  }
0x136: {  	v3 =	vtrunc.f32 v3  }
0x137: {  	v3 =	vcvt.f32.s32 v3;
	_ =	sdelay $0x1  }
0x138: {  	v3 =	vmul.u32 $0xFFFB6C20, v3;
	_ =	sdelay $0x1  }
0x139: {  	v2 =	vadd.s32 v2, v3  }
0x13a: {  	vm13 =	vgt.s32 v2, $0x493DF;
	v3 =	vadd.s32 $0xFFFB6C20, v2  }
0x13b: {  	v61 =	vld [tilespmem:s26+$0x0];
	v2 =	vsel vm13, v3, v2  }
0x13c: {  	vm0 =	vlt.s32 v2, $0x0;
	v3 =	vadd.s32 $0x493E0, v2  }
0x13d: {  	v2 =	vsel vm0, v3, v2  }
0x13e: {  	v2 =	vmul.u32 $0x1F, v2;
	_ =	sdelay $0x1  }
0x13f: {  	v3 =	vcvt.s32.f32 v61;
	v2 =	vadd.s32 v61, v2  }
0x140: {  	v5 =	vcvt.s32.f32 v2  }
0x141: {  	v3 =	vmul.f32 $3.333333320e-06, v3  }
0x142: {  	v5 =	vmul.f32 $3.333333320e-06, v5  }
0x143: {  	v3 =	vtrunc.f32 v3  }
0x144: {  	v3 =	vcvt.f32.s32 v3;
	v5 =	vtrunc.f32 v5  }
0x145: {  	v5 =	vcvt.f32.s32 v5  }
0x146: {  	v3 =	vmul.u32 $0xFFFB6C20, v3  }
0x147: {  	v5 =	vmul.u32 $0xFFFB6C20, v5  }
0x148: {  	v3 =	vadd.s32 v61, v3  }
0x149: {  	vm14 =	vgt.s32 v3, $0x493DF;
	v4 =	vadd.s32 $0xFFFB6C20, v3;
	v2 =	vadd.s32 v2, v5  }
0x14a: {  	v3 =	vsel vm14, v4, v3;
	vm15 =	vgt.s32 v2, $0x493DF;
	v62 =	vadd.s32 $0xFFFB6C20, v2  }
0x14b: {  	vm1 =	vlt.s32 v3, $0x0;
	v63 =	vadd.s32 $0x493E0, v3;
	v2 =	vsel vm15, v62, v2  }
0x14c: {  	s12 =	simm.s32 $0xCFE0;
	v3 =	vsel vm1, v63, v3;
	vm0 =	vlt.s32 v2, $0x0;
	v4 =	vadd.s32 $0x493E0, v2  }
0x14d: {  	s31 =	simm.s32 $0xD170;
	s13 =	simm.s32 $0x10;
	[tilespmem:s12+$0x0] =	vst v3;
	v3 =	vsel vm0, v4, v2  }
0x14e: {  	s15 =	simm.s32 $0x20;
	s26 =	simm.s32 $0x20;
	v2 =	vmov s13;
	[tilespmem:s31+$0x0] =	vst v3  }
.LBB2_7:
0x14f: {  	p1 =	sne.s32 s26, $0x180;
	v3 =	vld [tilespmem:s15+$0xFFFFFFFF];
	v4 =	vor.u32 s13, v0;
	vm0 =	vgt.u32 v2, $0x18F;
	v2 =	vadd.s32 s13, v1;
	s13 =	smov.u32 s26  }
0x150: {  	v2 =	vsel vm0, v2, v4  }
0x151: {  	vm0 =	vgt.s32 v2, $0xC7;
	v4 =	vadd.s32 $0xFFFFFF38, v2  }
0x152: {  	v2 =	vsel vm0, v4, v2  }
0x153: {  	vm0 =	veq.s32 v2, $0x0  }
0x154: {  	v2 =	vsel vm0, $0x0, v3  }
0x155: {  	v3 =	vcvt.s32.f32 v2;
	_ =	sdelay $0x1  }
0x156: {  	v3 =	vmul.f32 $3.333333320e-06, v3;
	_ =	sdelay $0x1  }
0x157: {  	v3 =	vtrunc.f32 v3  }
0x158: {  	v3 =	vcvt.f32.s32 v3;
	_ =	sdelay $0x1  }
0x159: {  	v3 =	vmul.u32 $0xFFFB6C20, v3;
	_ =	sdelay $0x1  }
0x15a: {  	v2 =	vadd.s32 v2, v3  }
0x15b: {  	vm0 =	vgt.s32 v2, $0x493DF;
	v3 =	vadd.s32 $0xFFFB6C20, v2  }
0x15c: {  	v4 =	vld [tilespmem:s15+$0x0];
	v2 =	vsel vm0, v3, v2  }
0x15d: {  	vm0 =	vlt.s32 v2, $0x0;
	v3 =	vadd.s32 $0x493E0, v2  }
0x15e: {  	v2 =	vsel vm0, v3, v2  }
0x15f: {  	v2 =	vmul.u32 $0x1F, v2;
	_ =	sdelay $0x1  }
0x160: {  	v3 =	vcvt.s32.f32 v4;
	v2 =	vadd.s32 v4, v2  }
0x161: {  	v5 =	vcvt.s32.f32 v2  }
0x162: {  	v3 =	vmul.f32 $3.333333320e-06, v3  }
0x163: {  	v5 =	vmul.f32 $3.333333320e-06, v5  }
0x164: {  	v3 =	vtrunc.f32 v3  }
0x165: {  	v3 =	vcvt.f32.s32 v3;
	v5 =	vtrunc.f32 v5  }
0x166: {  	v5 =	vcvt.f32.s32 v5  }
0x167: {  	v3 =	vmul.u32 $0xFFFB6C20, v3  }
0x168: {  	v5 =	vmul.u32 $0xFFFB6C20, v5  }
0x169: {  	v3 =	vadd.s32 v4, v3  }
0x16a: {  	vm0 =	vgt.s32 v3, $0x493DF;
	v4 =	vadd.s32 $0xFFFB6C20, v3;
	v2 =	vadd.s32 v2, v5  }
.Ltmp6:
0x16b: {  	v3 =	vsel vm0, v4, v3;
	vm0 =	vgt.s32 v2, $0x493DF;
	v4 =	vadd.s32 $0xFFFB6C20, v2;
	(pc) =	sbr.rel @p1 .LBB2_7-.Ltmp6, $4  }
0x16c: {  	vm1 =	vlt.s32 v3, $0x0;
	v5 =	vadd.s32 $0x493E0, v3;
	v2 =	vsel vm0, v4, v2  }
0x16d: {  	s12 =	sadd.s32 $0x10, s12;
	v3 =	vsel vm1, v5, v3;
	vm0 =	vlt.s32 v2, $0x0;
	v4 =	vadd.s32 $0x493E0, v2  }
0x16e: {  	s31 =	sadd.s32 $0x10, s31;
	[tilespmem:s12+$0x0] =	vst v3;
	v3 =	vsel vm0, v4, v2  }
0x16f: {  	s26 =	sadd.s32 $0x10, s26;
	s15 =	sadd.s32 $0x10, s15;
	v2 =	vmov s13;
	[tilespmem:s31+$0x0] =	vst v3  }
0x170: {  	v3 =	vld [tilespmem:s15+$0xFFFFFFFF];
	v4 =	vor.u32 s13, v0;
	vm0 =	vgt.u32 v2, $0x18F;
	v2 =	vadd.s32 s13, v1  }
0x171: {  	v2 =	vsel vm0, v2, v4  }
0x172: {  	vm0 =	vgt.s32 v2, $0xC7;
	v4 =	vadd.s32 $0xFFFFFF38, v2  }
0x173: {  	v2 =	vsel vm0, v4, v2  }
0x174: {  	vm0 =	veq.s32 v2, $0x0  }
0x175: {  	v2 =	vsel vm0, $0x0, v3  }
0x176: {  	v3 =	vcvt.s32.f32 v2;
	_ =	sdelay $0x1  }
0x177: {  	v3 =	vmul.f32 $3.333333320e-06, v3;
	_ =	sdelay $0x1  }
0x178: {  	v3 =	vtrunc.f32 v3  }
0x179: {  	v3 =	vcvt.f32.s32 v3;
	_ =	sdelay $0x1  }
0x17a: {  	v3 =	vmul.u32 $0xFFFB6C20, v3;
	_ =	sdelay $0x1  }
0x17b: {  	v2 =	vadd.s32 v2, v3  }
0x17c: {  	vm8 =	vgt.s32 v2, $0x493DF;
	v3 =	vadd.s32 $0xFFFB6C20, v2  }
0x17d: {  	v56 =	vld [tilespmem:s15+$0x0];
	v2 =	vsel vm8, v3, v2  }
0x17e: {  	vm0 =	vlt.s32 v2, $0x0;
	v3 =	vadd.s32 $0x493E0, v2  }
0x17f: {  	v2 =	vsel vm0, v3, v2  }
0x180: {  	v2 =	vmul.u32 $0x1F, v2;
	_ =	sdelay $0x1  }
0x181: {  	v3 =	vcvt.s32.f32 v56;
	v2 =	vadd.s32 v56, v2  }
0x182: {  	v5 =	vcvt.s32.f32 v2  }
0x183: {  	v3 =	vmul.f32 $3.333333320e-06, v3  }
0x184: {  	v5 =	vmul.f32 $3.333333320e-06, v5  }
0x185: {  	v3 =	vtrunc.f32 v3  }
0x186: {  	v3 =	vcvt.f32.s32 v3;
	v5 =	vtrunc.f32 v5  }
0x187: {  	v5 =	vcvt.f32.s32 v5  }
0x188: {  	v3 =	vmul.u32 $0xFFFB6C20, v3  }
0x189: {  	v5 =	vmul.u32 $0xFFFB6C20, v5  }
0x18a: {  	v3 =	vadd.s32 v56, v3  }
0x18b: {  	vm9 =	vgt.s32 v3, $0x493DF;
	v4 =	vadd.s32 $0xFFFB6C20, v3;
	v2 =	vadd.s32 v2, v5  }
0x18c: {  	v3 =	vsel vm9, v4, v3;
	vm10 =	vgt.s32 v2, $0x493DF;
	v57 =	vadd.s32 $0xFFFB6C20, v2  }
0x18d: {  	vm1 =	vlt.s32 v3, $0x0;
	v58 =	vadd.s32 $0x493E0, v3;
	v2 =	vsel vm10, v57, v2  }
0x18e: {  	s12 =	sadd.s32 $0x10, s12;
	v3 =	vsel vm1, v58, v3;
	vm0 =	vlt.s32 v2, $0x0;
	v4 =	vadd.s32 $0x493E0, v2  }
0x18f: {  	s13 =	sadd.s32 $0x10, s31;
	[tilespmem:s12+$0x0] =	vst v3;
	v2 =	vsel vm0, v4, v2  }
0x190: {  	s15 =	simm.s32 $0xCFE0;
	[tilespmem:s13+$0x0] =	vst v2  }
0x191: {  	[tilespmem:s18], [sflag:$0x7] =	stream.indirect.gather [hbm4b:s6+s17], $0x40, s15, s17, $0xb8;
	[tilespmem:$0x19E20] =	vst v63  }
0x192: {  	s21 =	simm.s32 $0xD030;
	s26 =	simm.s32 $0xE700  }
0x193: {  	[tilespmem:s26], [sflag:$0x7] =	stream.indirect.gather [hbm4b:s6+s17], $0x40, s21, s17, $0xb8;
	[tilespmem:$0x19E20] =	vst v63  }
0x194: {  	s13 =	simm.s32 $0xD080;
	s15 =	simm.s32 $0xFB00  }
0x195: {  	[tilespmem:s15], [sflag:$0x7] =	stream.indirect.gather [hbm4b:s6+s17], $0x40, s13, s17, $0xb8;
	[tilespmem:$0x19E20] =	vst v63  }
0x196: {  	s21 =	simm.s32 $0xD0D0;
	s26 =	simm.s32 $0x10F00  }
0x197: {  	[tilespmem:s26], [sflag:$0x7] =	stream.indirect.gather [hbm4b:s6+s17], $0x40, s21, s17, $0xb8;
	[tilespmem:$0x19E20] =	vst v63  }
0x198: {  	s13 =	simm.s32 $0xD120;
	s15 =	simm.s32 $0x12300  }
0x199: {  	[tilespmem:s15], [sflag:$0x7] =	stream.indirect.gather [hbm4b:s6+s17], $0x40, s13, s17, $0xb8;
	[tilespmem:$0x19E20] =	vst v63  }
0x19a: {  	_ =	swait.ge [sflag:s29], $0x1400  }
0x19b: {  	[sflag:s29] =	ssyncset.done $0x0  }
0x19c: {  	[sflag:s29] =	ssyncadd.s32 $0xFFFFEC00  }
0x19d: {  	_ =	swait.ge [sflag:s29], $0x1400  }
0x19e: {  	[sflag:s29] =	ssyncset.done $0x0  }
0x19f: {  	[sflag:s29] =	ssyncadd.s32 $0xFFFFEC00  }
0x1a0: {  	_ =	swait.ge [sflag:s29], $0x1400  }
0x1a1: {  	[sflag:s29] =	ssyncset.done $0x0  }
0x1a2: {  	[sflag:s29] =	ssyncadd.s32 $0xFFFFEC00  }
0x1a3: {  	_ =	swait.ge [sflag:s29], $0x1400  }
0x1a4: {  	[sflag:s29] =	ssyncset.done $0x0  }
0x1a5: {  	[sflag:s29] =	ssyncadd.s32 $0xFFFFEC00  }
0x1a6: {  	_ =	swait.ge [sflag:s29], $0x1400  }
0x1a7: {  	s21 =	rddreg [dreg:$0x3]  }
0x1a8: {  	s12 =	sadd.s32 s21, s11  }
0x1a9: {  	[sflag:s29] =	ssyncset.done $0x0;
	s12 =	sshll.u32 s12, $0x3  }
0x1aa: {  	[sflag:s29] =	ssyncadd.s32 $0xFFFFEC00;
	s12 =	sadd.s32 s2, s12  }
0x1ab: {  	[hbm4b:s12+s3] =	stream.linear.scatter [tilespmem:s19], [sflag:$0x3], $0x6400, $0x38;
	[tilespmem:$0x19E20] =	vst v63  }
0x1ac: {  	_ =	swait.ge [sflag:s0], $0x6400  }
0x1ad: {  	[sflag:s0] =	ssyncset.done $0x0  }
0x1ae: {  	s26 =	simm.s32 $0x6A50;
	[sflag:s0] =	ssyncadd.s32 $0xFFFF9C00  }
0x1af: {  	[tilespmem:s30], [sflag:$0x5] =	stream.indirect.gather.add.f32 [hbm:s8], $0x40, s26, s17, $0xb8;
	[tilespmem:$0x19E20] =	vst v63  }
0x1b0: {  	s13 =	simm.s32 $0x7FE0;
	s15 =	simm.s32 $0x6AA0  }
0x1b1: {  	[tilespmem:s13], [sflag:$0x5] =	stream.indirect.gather.add.f32 [hbm:s8], $0x40, s15, s17, $0xb8;
	[tilespmem:$0x19E20] =	vst v63  }
0x1b2: {  	s21 =	simm.s32 $0x93E0;
	s26 =	simm.s32 $0x6AF0  }
0x1b3: {  	[tilespmem:s21], [sflag:$0x5] =	stream.indirect.gather.add.f32 [hbm:s8], $0x40, s26, s17, $0xb8;
	[tilespmem:$0x19E20] =	vst v63  }
0x1b4: {  	s13 =	simm.s32 $0xA7E0;
	s15 =	simm.s32 $0x6B40  }
0x1b5: {  	[tilespmem:s13], [sflag:$0x5] =	stream.indirect.gather.add.f32 [hbm:s8], $0x40, s15, s17, $0xb8;
	[tilespmem:$0x19E20] =	vst v63  }
0x1b6: {  	s21 =	simm.s32 $0xBBE0;
	s26 =	simm.s32 $0x6B90;
	s13 =	simm.s32 @!p0 $0xC  }
0x1b7: {  	[tilespmem:s21], [sflag:$0x5] =	stream.indirect.gather.add.f32 [hbm:s8], $0x40, s26, s17, $0xb8;
	[tilespmem:$0x19E20] =	vst v63  }
0x1b8: {  	_ =	swait.ge @!p0 [sflag:s13], $0x6400  }
0x1b9: {  	s15 =	rddreg [dreg:$0x7]  }
0x1ba: {  	s12 =	sadd.s32 s11, s15  }
0x1bb: {  	s26 =	simm.s32 $0x0;
	[sflag:s13] =	ssyncset.done @!p0 $0x0;
	s21 =	sshrl.u32 s12, $0x3  }
0x1bc: {  	[sflag:s13] =	ssyncadd.s32 @!p0 $0xFFFF9C00;
	s13 =	sadd.s32 s5, s21;
	s21 =	simm.s32 $0x10  }
0x1bd: {  	[tilespmem:s21], [sflag:$0xD] =	stream.linear.gather [hbm4b:s13+s26], $0x190, $0x38;
	[tilespmem:$0x19E20] =	vst v63  }
0x1be: {  	_ =	swait.ge [sflag:s16], $0x190  }
0x1bf: {  	[sflag:s16] =	ssyncset.done $0x0  }
0x1c0: {  	v2 =	vmov s26;
	[sflag:s16] =	ssyncadd.s32 $0xFFFFFE70  }
0x1c1: {  	v59 =	vor.u32 s26, v0;
	vm11 =	vgt.u32 v2, $0x18F;
	v2 =	vadd.s32 s26, v1;
	v3 =	vld [tilespmem:s21+$0xFFFFFFFF]  }
0x1c2: {  	v2 =	vsel vm11, v2, v59  }
0x1c3: {  	vm0 =	vgt.s32 v2, $0xC7;
	v4 =	vadd.s32 $0xFFFFFF38, v2  }
0x1c4: {  	v2 =	vsel vm0, v4, v2  }
0x1c5: {  	vm0 =	veq.s32 v2, $0x0  }
0x1c6: {  	v2 =	vsel vm0, $0x0, v3  }
0x1c7: {  	v3 =	vcvt.s32.f32 v2;
	_ =	sdelay $0x1  }
0x1c8: {  	v3 =	vmul.f32 $3.333333320e-06, v3;
	_ =	sdelay $0x1  }
0x1c9: {  	v3 =	vtrunc.f32 v3  }
0x1ca: {  	v3 =	vcvt.f32.s32 v3;
	_ =	sdelay $0x1  }
0x1cb: {  	v3 =	vmul.u32 $0xFFFB6C20, v3;
	_ =	sdelay $0x1  }
0x1cc: {  	v2 =	vadd.s32 v2, v3  }
0x1cd: {  	vm12 =	vgt.s32 v2, $0x493DF;
	v3 =	vadd.s32 $0xFFFB6C20, v2  }
0x1ce: {  	v60 =	vld [tilespmem:s21+$0x0];
	v2 =	vsel vm12, v3, v2  }
0x1cf: {  	vm0 =	vlt.s32 v2, $0x0;
	v3 =	vadd.s32 $0x493E0, v2  }
0x1d0: {  	v2 =	vsel vm0, v3, v2  }
0x1d1: {  	v2 =	vmul.u32 $0x1F, v2;
	_ =	sdelay $0x1  }
0x1d2: {  	v3 =	vcvt.s32.f32 v60;
	v2 =	vadd.s32 v60, v2  }
0x1d3: {  	v61 =	vcvt.s32.f32 v2  }
0x1d4: {  	v3 =	vmul.f32 $3.333333320e-06, v3  }
0x1d5: {  	v5 =	vmul.f32 $3.333333320e-06, v61  }
0x1d6: {  	v3 =	vtrunc.f32 v3  }
0x1d7: {  	v3 =	vcvt.f32.s32 v3;
	v5 =	vtrunc.f32 v5  }
0x1d8: {  	v5 =	vcvt.f32.s32 v5  }
0x1d9: {  	v3 =	vmul.u32 $0xFFFB6C20, v3  }
0x1da: {  	v5 =	vmul.u32 $0xFFFB6C20, v5  }
0x1db: {  	v3 =	vadd.s32 v60, v3  }
0x1dc: {  	vm13 =	vgt.s32 v3, $0x493DF;
	v4 =	vadd.s32 $0xFFFB6C20, v3;
	v2 =	vadd.s32 v2, v5  }
0x1dd: {  	v3 =	vsel vm13, v4, v3;
	vm14 =	vgt.s32 v2, $0x493DF;
	v62 =	vadd.s32 $0xFFFB6C20, v2  }
0x1de: {  	vm15 =	vlt.s32 v3, $0x0;
	v63 =	vadd.s32 $0x493E0, v3;
	v2 =	vsel vm14, v62, v2  }
0x1df: {  	s31 =	simm.s32 $0x13700;
	v3 =	vsel vm15, v63, v3;
	vm0 =	vlt.s32 v2, $0x0;
	v4 =	vadd.s32 $0x493E0, v2  }
0x1e0: {  	s15 =	simm.s32 $0x13890;
	s26 =	simm.s32 $0x10;
	[tilespmem:s31+$0x0] =	vst v3;
	v3 =	vsel vm0, v4, v2  }
0x1e1: {  	s13 =	simm.s32 $0x20;
	s21 =	simm.s32 $0x20;
	v2 =	vmov s26;
	[tilespmem:s15+$0x0] =	vst v3  }
.LBB2_9:
0x1e2: {  	p0 =	sne.s32 s21, $0x180;
	v3 =	vld [tilespmem:s13+$0xFFFFFFFF];
	v4 =	vor.u32 s26, v0;
	vm0 =	vgt.u32 v2, $0x18F;
	v2 =	vadd.s32 s26, v1;
	s26 =	smov.u32 s21  }
0x1e3: {  	v2 =	vsel vm0, v2, v4  }
0x1e4: {  	vm0 =	vgt.s32 v2, $0xC7;
	v4 =	vadd.s32 $0xFFFFFF38, v2  }
0x1e5: {  	v2 =	vsel vm0, v4, v2  }
0x1e6: {  	vm0 =	veq.s32 v2, $0x0  }
0x1e7: {  	v2 =	vsel vm0, $0x0, v3  }
0x1e8: {  	v3 =	vcvt.s32.f32 v2;
	_ =	sdelay $0x1  }
0x1e9: {  	v3 =	vmul.f32 $3.333333320e-06, v3;
	_ =	sdelay $0x1  }
0x1ea: {  	v3 =	vtrunc.f32 v3  }
0x1eb: {  	v3 =	vcvt.f32.s32 v3;
	_ =	sdelay $0x1  }
0x1ec: {  	v3 =	vmul.u32 $0xFFFB6C20, v3;
	_ =	sdelay $0x1  }
0x1ed: {  	v2 =	vadd.s32 v2, v3  }
0x1ee: {  	vm0 =	vgt.s32 v2, $0x493DF;
	v3 =	vadd.s32 $0xFFFB6C20, v2  }
0x1ef: {  	v4 =	vld [tilespmem:s13+$0x0];
	v2 =	vsel vm0, v3, v2  }
0x1f0: {  	vm0 =	vlt.s32 v2, $0x0;
	v3 =	vadd.s32 $0x493E0, v2  }
0x1f1: {  	v2 =	vsel vm0, v3, v2  }
0x1f2: {  	v2 =	vmul.u32 $0x1F, v2;
	_ =	sdelay $0x1  }
0x1f3: {  	v3 =	vcvt.s32.f32 v4;
	v2 =	vadd.s32 v4, v2  }
0x1f4: {  	v5 =	vcvt.s32.f32 v2  }
0x1f5: {  	v3 =	vmul.f32 $3.333333320e-06, v3  }
0x1f6: {  	v5 =	vmul.f32 $3.333333320e-06, v5  }
0x1f7: {  	v3 =	vtrunc.f32 v3  }
0x1f8: {  	v3 =	vcvt.f32.s32 v3;
	v5 =	vtrunc.f32 v5  }
0x1f9: {  	v5 =	vcvt.f32.s32 v5  }
0x1fa: {  	v3 =	vmul.u32 $0xFFFB6C20, v3  }
0x1fb: {  	v5 =	vmul.u32 $0xFFFB6C20, v5  }
0x1fc: {  	v3 =	vadd.s32 v4, v3  }
0x1fd: {  	vm0 =	vgt.s32 v3, $0x493DF;
	v4 =	vadd.s32 $0xFFFB6C20, v3;
	v2 =	vadd.s32 v2, v5  }
.Ltmp7:
0x1fe: {  	v3 =	vsel vm0, v4, v3;
	vm0 =	vgt.s32 v2, $0x493DF;
	v4 =	vadd.s32 $0xFFFB6C20, v2;
	(pc) =	sbr.rel @p0 .LBB2_9-.Ltmp7, $4  }
0x1ff: {  	vm1 =	vlt.s32 v3, $0x0;
	v5 =	vadd.s32 $0x493E0, v3;
	v2 =	vsel vm0, v4, v2  }
0x200: {  	s31 =	sadd.s32 $0x10, s31;
	v3 =	vsel vm1, v5, v3;
	vm0 =	vlt.s32 v2, $0x0;
	v4 =	vadd.s32 $0x493E0, v2  }
0x201: {  	s15 =	sadd.s32 $0x10, s15;
	[tilespmem:s31+$0x0] =	vst v3;
	v3 =	vsel vm0, v4, v2  }
0x202: {  	s21 =	sadd.s32 $0x10, s21;
	s13 =	sadd.s32 $0x10, s13;
	v2 =	vmov s26;
	[tilespmem:s15+$0x0] =	vst v3  }
0x203: {  	v3 =	vor.u32 s26, v0;
	v4 =	vadd.s32 s26, v1;
	v5 =	vld [tilespmem:s13+$0xFFFFFFFF];
	vm0 =	vgt.u32 v2, $0x18F  }
0x204: {  	v2 =	vsel vm0, v4, v3  }
0x205: {  	vm0 =	vgt.s32 v2, $0xC7;
	v3 =	vadd.s32 $0xFFFFFF38, v2  }
0x206: {  	v2 =	vsel vm0, v3, v2  }
0x207: {  	vm0 =	veq.s32 v2, $0x0  }
0x208: {  	v2 =	vsel vm0, $0x0, v5  }
0x209: {  	v3 =	vcvt.s32.f32 v2;
	_ =	sdelay $0x1  }
0x20a: {  	v3 =	vmul.f32 $3.333333320e-06, v3;
	_ =	sdelay $0x1  }
0x20b: {  	v3 =	vtrunc.f32 v3  }
0x20c: {  	v3 =	vcvt.f32.s32 v3;
	_ =	sdelay $0x1  }
0x20d: {  	v3 =	vmul.u32 $0xFFFB6C20, v3;
	_ =	sdelay $0x1  }
0x20e: {  	v2 =	vadd.s32 v2, v3  }
0x20f: {  	vm13 =	vgt.s32 v2, $0x493DF;
	v3 =	vadd.s32 $0xFFFB6C20, v2  }
0x210: {  	v60 =	vld [tilespmem:s13+$0x0];
	v2 =	vsel vm13, v3, v2  }
0x211: {  	vm0 =	vlt.s32 v2, $0x0;
	v3 =	vadd.s32 $0x493E0, v2  }
0x212: {  	v2 =	vsel vm0, v3, v2  }
0x213: {  	v2 =	vmul.u32 $0x1F, v2;
	_ =	sdelay $0x1  }
0x214: {  	v3 =	vcvt.s32.f32 v60;
	v2 =	vadd.s32 v60, v2  }
0x215: {  	v61 =	vcvt.s32.f32 v2  }
0x216: {  	v3 =	vmul.f32 $3.333333320e-06, v3  }
0x217: {  	v5 =	vmul.f32 $3.333333320e-06, v61  }
0x218: {  	v3 =	vtrunc.f32 v3  }
0x219: {  	v3 =	vcvt.f32.s32 v3;
	v5 =	vtrunc.f32 v5  }
0x21a: {  	v5 =	vcvt.f32.s32 v5  }
0x21b: {  	v3 =	vmul.u32 $0xFFFB6C20, v3  }
0x21c: {  	v5 =	vmul.u32 $0xFFFB6C20, v5  }
0x21d: {  	v3 =	vadd.s32 v60, v3  }
0x21e: {  	vm14 =	vgt.s32 v3, $0x493DF;
	v4 =	vadd.s32 $0xFFFB6C20, v3;
	v2 =	vadd.s32 v2, v5  }
0x21f: {  	v3 =	vsel vm14, v4, v3;
	vm15 =	vgt.s32 v2, $0x493DF;
	v62 =	vadd.s32 $0xFFFB6C20, v2  }
0x220: {  	vm1 =	vlt.s32 v3, $0x0;
	v63 =	vadd.s32 $0x493E0, v3;
	v2 =	vsel vm15, v62, v2  }
0x221: {  	s21 =	sadd.s32 $0x10, s31;
	v3 =	vsel vm1, v63, v3;
	vm0 =	vlt.s32 v2, $0x0;
	v4 =	vadd.s32 $0x493E0, v2  }
0x222: {  	s26 =	sadd.s32 $0x10, s15;
	[tilespmem:s21+$0x0] =	vst v3;
	v2 =	vsel vm0, v4, v2  }
0x223: {  	s31 =	simm.s32 $0x13700;
	[tilespmem:s26+$0x0] =	vst v2  }
0x224: {  	[tilespmem:s20], [sflag:$0xA] =	stream.indirect.gather [hbm4b:s6+s17], $0x40, s31, s17, $0xb8;
	[tilespmem:$0x19E20] =	vst v63  }
0x225: {  	s15 =	simm.s32 $0x13750;
	s21 =	simm.s32 $0x14E20  }
0x226: {  	[tilespmem:s21], [sflag:$0xA] =	stream.indirect.gather [hbm4b:s6+s17], $0x40, s15, s17, $0xb8;
	[tilespmem:$0x19E20] =	vst v63  }
0x227: {  	s26 =	simm.s32 $0x137A0;
	s31 =	simm.s32 $0x16220  }
0x228: {  	[tilespmem:s31], [sflag:$0xA] =	stream.indirect.gather [hbm4b:s6+s17], $0x40, s26, s17, $0xb8;
	[tilespmem:$0x19E20] =	vst v63  }
0x229: {  	s15 =	simm.s32 $0x137F0  }
0x22a: {  	[tilespmem:s23], [sflag:$0xA] =	stream.indirect.gather [hbm4b:s6+s17], $0x40, s15, s17, $0xb8;
	[tilespmem:$0x19E20] =	vst v63  }
0x22b: {  	s21 =	simm.s32 $0x13840  }
0x22c: {  	[tilespmem:s25], [sflag:$0xA] =	stream.indirect.gather [hbm4b:s6+s17], $0x40, s21, s17, $0xb8;
	[tilespmem:$0x19E20] =	vst v63  }
0x22d: {  	_ =	swait.ge [sflag:s28], $0x1400  }
0x22e: {  	[sflag:s28] =	ssyncset.done $0x0  }
0x22f: {  	[sflag:s28] =	ssyncadd.s32 $0xFFFFEC00  }
0x230: {  	_ =	swait.ge [sflag:s28], $0x1400  }
0x231: {  	[sflag:s28] =	ssyncset.done $0x0  }
0x232: {  	[sflag:s28] =	ssyncadd.s32 $0xFFFFEC00  }
0x233: {  	_ =	swait.ge [sflag:s28], $0x1400  }
0x234: {  	[sflag:s28] =	ssyncset.done $0x0  }
0x235: {  	[sflag:s28] =	ssyncadd.s32 $0xFFFFEC00  }
0x236: {  	_ =	swait.ge [sflag:s28], $0x1400  }
0x237: {  	[sflag:s28] =	ssyncset.done $0x0;
	s26 =	rddreg [dreg:$0x8]  }
0x238: {  	[sflag:s28] =	ssyncadd.s32 $0xFFFFEC00;
	s13 =	sadd.s32 s11, s26  }
0x239: {  	_ =	swait.ge [sflag:s28], $0x1400;
	s13 =	sshll.u32 s13, $0x3  }
0x23a: {  	[sflag:s28] =	ssyncset.done $0x0;
	s13 =	sand.u32 $0x1FFFFE80, s13  }
0x23b: {  	[sflag:s28] =	ssyncadd.s32 $0xFFFFEC00;
	s13 =	sadd.s32 s2, s13  }
0x23c: {  	[hbm4b:s13+s3] =	stream.linear.scatter [tilespmem:s30], [sflag:$0x6], $0x6400, $0x38;
	[tilespmem:$0x19E20] =	vst v63  }
0x23d: {  	_ =	swait.ge [sflag:s1], $0x6400  }
0x23e: {  	[sflag:s1] =	ssyncset.done $0x0  }
0x23f: {  	s31 =	simm.s32 $0xD170;
	[sflag:s1] =	ssyncadd.s32 $0xFFFF9C00  }
0x240: {  	[tilespmem:s18], [sflag:$0x8] =	stream.indirect.gather.add.f32 [hbm:s8], $0x40, s31, s17, $0xb8;
	[tilespmem:$0x19E20] =	vst v63  }
0x241: {  	s15 =	simm.s32 $0xE700;
	s21 =	simm.s32 $0xD1C0  }
0x242: {  	[tilespmem:s15], [sflag:$0x8] =	stream.indirect.gather.add.f32 [hbm:s8], $0x40, s21, s17, $0xb8;
	[tilespmem:$0x19E20] =	vst v63  }
0x243: {  	p0 =	seq.s32 s10, $0xF;
	s26 =	simm.s32 $0xFB00;
	s31 =	simm.s32 $0xD210  }
0x244: {  	[tilespmem:s26], [sflag:$0x8] =	stream.indirect.gather.add.f32 [hbm:s8], $0x40, s31, s17, $0xb8;
	[tilespmem:$0x19E20] =	vst v63  }
.Ltmp8:
0x245: {  	_ = 	snop;
	(pc) =	sbr.rel @p0 .LBB2_14-.Ltmp8, $4  }
0x246: {  	s15 =	simm.s32 $0x10F00;
	s21 =	simm.s32 $0xD260  }
0x247: {  	[tilespmem:s15], [sflag:$0x8] =	stream.indirect.gather.add.f32 [hbm:s8], $0x40, s21, s17, $0xb8;
	[tilespmem:$0x19E20] =	vst v63  }
0x248: {  	s26 =	simm.s32 $0x12300;
	s31 =	simm.s32 $0xD2B0  }
0x249: {  	[tilespmem:s26], [sflag:$0x8] =	stream.indirect.gather.add.f32 [hbm:s8], $0x40, s31, s17, $0xb8;
	[tilespmem:$0x19E20] =	vst v63  }
0x24a: {  	s15 =	simm.s32 $0x3  }
0x24b: {  	_ =	swait.ge [sflag:s15], $0x6400  }
0x24c: {  	s13 =	rddreg [dreg:$0x9]  }
0x24d: {  	s13 =	sadd.s32 s11, s13  }
0x24e: {  	s26 =	simm.s32 $0x0;
	[sflag:s15] =	ssyncset.done $0x0;
	s13 =	sshrl.u32 s13, $0x3  }
0x24f: {  	s21 =	simm.s32 $0x10;
	[sflag:s15] =	ssyncadd.s32 $0xFFFF9C00;
	s13 =	sadd.s32 s5, s13  }
0x250: {  	[tilespmem:s21], [sflag:$0xD] =	stream.linear.gather [hbm4b:s13+s26], $0x190, $0x38;
	[tilespmem:$0x19E20] =	vst v63  }
0x251: {  	_ =	swait.ge [sflag:s16], $0x190  }
0x252: {  	[sflag:s16] =	ssyncset.done $0x0  }
0x253: {  	v2 =	vmov s26;
	[sflag:s16] =	ssyncadd.s32 $0xFFFFFE70  }
0x254: {  	v4 =	vor.u32 s26, v0;
	vm0 =	vgt.u32 v2, $0x18F;
	v2 =	vadd.s32 s26, v1;
	v3 =	vld [tilespmem:s21+$0xFFFFFFFF]  }
0x255: {  	v2 =	vsel vm0, v2, v4  }
0x256: {  	vm0 =	vgt.s32 v2, $0xC7;
	v4 =	vadd.s32 $0xFFFFFF38, v2  }
0x257: {  	v2 =	vsel vm0, v4, v2  }
0x258: {  	vm0 =	veq.s32 v2, $0x0  }
0x259: {  	v2 =	vsel vm0, $0x0, v3  }
0x25a: {  	v3 =	vcvt.s32.f32 v2;
	_ =	sdelay $0x1  }
0x25b: {  	v3 =	vmul.f32 $3.333333320e-06, v3;
	_ =	sdelay $0x1  }
0x25c: {  	v3 =	vtrunc.f32 v3  }
0x25d: {  	v3 =	vcvt.f32.s32 v3;
	_ =	sdelay $0x1  }
0x25e: {  	v3 =	vmul.u32 $0xFFFB6C20, v3;
	_ =	sdelay $0x1  }
0x25f: {  	v2 =	vadd.s32 v2, v3  }
0x260: {  	vm13 =	vgt.s32 v2, $0x493DF;
	v3 =	vadd.s32 $0xFFFB6C20, v2  }
0x261: {  	v61 =	vld [tilespmem:s21+$0x0];
	v2 =	vsel vm13, v3, v2  }
0x262: {  	vm0 =	vlt.s32 v2, $0x0;
	v3 =	vadd.s32 $0x493E0, v2  }
0x263: {  	v2 =	vsel vm0, v3, v2  }
0x264: {  	v2 =	vmul.u32 $0x1F, v2;
	_ =	sdelay $0x1  }
0x265: {  	v3 =	vcvt.s32.f32 v61;
	v2 =	vadd.s32 v61, v2  }
0x266: {  	v5 =	vcvt.s32.f32 v2  }
0x267: {  	v3 =	vmul.f32 $3.333333320e-06, v3  }
0x268: {  	v5 =	vmul.f32 $3.333333320e-06, v5  }
0x269: {  	v3 =	vtrunc.f32 v3  }
0x26a: {  	v3 =	vcvt.f32.s32 v3;
	v5 =	vtrunc.f32 v5  }
0x26b: {  	v5 =	vcvt.f32.s32 v5  }
0x26c: {  	v3 =	vmul.u32 $0xFFFB6C20, v3  }
0x26d: {  	v5 =	vmul.u32 $0xFFFB6C20, v5  }
0x26e: {  	v3 =	vadd.s32 v61, v3  }
0x26f: {  	vm14 =	vgt.s32 v3, $0x493DF;
	v4 =	vadd.s32 $0xFFFB6C20, v3;
	v2 =	vadd.s32 v2, v5  }
0x270: {  	v3 =	vsel vm14, v4, v3;
	vm15 =	vgt.s32 v2, $0x493DF;
	v62 =	vadd.s32 $0xFFFB6C20, v2  }
0x271: {  	vm1 =	vlt.s32 v3, $0x0;
	v63 =	vadd.s32 $0x493E0, v3;
	v2 =	vsel vm15, v62, v2  }
0x272: {  	s31 =	simm.s32 $0x1A0;
	v3 =	vsel vm1, v63, v3;
	vm0 =	vlt.s32 v2, $0x0;
	v4 =	vadd.s32 $0x493E0, v2  }
0x273: {  	s15 =	simm.s32 $0x330;
	s26 =	simm.s32 $0x10;
	[tilespmem:s31+$0x0] =	vst v3;
	v3 =	vsel vm0, v4, v2  }
0x274: {  	s13 =	simm.s32 $0x20;
	s21 =	simm.s32 $0x20;
	v2 =	vmov s26;
	[tilespmem:s15+$0x0] =	vst v3  }
.LBB2_12:
0x275: {  	p1 =	sne.s32 s21, $0x180;
	v3 =	vld [tilespmem:s13+$0xFFFFFFFF];
	v4 =	vor.u32 s26, v0;
	vm0 =	vgt.u32 v2, $0x18F;
	v2 =	vadd.s32 s26, v1;
	s26 =	smov.u32 s21  }
0x276: {  	v2 =	vsel vm0, v2, v4  }
0x277: {  	vm0 =	vgt.s32 v2, $0xC7;
	v4 =	vadd.s32 $0xFFFFFF38, v2  }
0x278: {  	v2 =	vsel vm0, v4, v2  }
0x279: {  	vm0 =	veq.s32 v2, $0x0  }
0x27a: {  	v2 =	vsel vm0, $0x0, v3  }
0x27b: {  	v3 =	vcvt.s32.f32 v2;
	_ =	sdelay $0x1  }
0x27c: {  	v3 =	vmul.f32 $3.333333320e-06, v3;
	_ =	sdelay $0x1  }
0x27d: {  	v3 =	vtrunc.f32 v3  }
0x27e: {  	v3 =	vcvt.f32.s32 v3;
	_ =	sdelay $0x1  }
0x27f: {  	v3 =	vmul.u32 $0xFFFB6C20, v3;
	_ =	sdelay $0x1  }
0x280: {  	v2 =	vadd.s32 v2, v3  }
0x281: {  	vm0 =	vgt.s32 v2, $0x493DF;
	v3 =	vadd.s32 $0xFFFB6C20, v2  }
0x282: {  	v4 =	vld [tilespmem:s13+$0x0];
	v2 =	vsel vm0, v3, v2  }
0x283: {  	vm0 =	vlt.s32 v2, $0x0;
	v3 =	vadd.s32 $0x493E0, v2  }
0x284: {  	v2 =	vsel vm0, v3, v2  }
0x285: {  	v2 =	vmul.u32 $0x1F, v2;
	_ =	sdelay $0x1  }
0x286: {  	v3 =	vcvt.s32.f32 v4;
	v2 =	vadd.s32 v4, v2  }
0x287: {  	v5 =	vcvt.s32.f32 v2  }
0x288: {  	v3 =	vmul.f32 $3.333333320e-06, v3  }
0x289: {  	v5 =	vmul.f32 $3.333333320e-06, v5  }
0x28a: {  	v3 =	vtrunc.f32 v3  }
0x28b: {  	v3 =	vcvt.f32.s32 v3;
	v5 =	vtrunc.f32 v5  }
0x28c: {  	v5 =	vcvt.f32.s32 v5  }
0x28d: {  	v3 =	vmul.u32 $0xFFFB6C20, v3  }
0x28e: {  	v5 =	vmul.u32 $0xFFFB6C20, v5  }
0x28f: {  	v3 =	vadd.s32 v4, v3  }
0x290: {  	vm0 =	vgt.s32 v3, $0x493DF;
	v4 =	vadd.s32 $0xFFFB6C20, v3;
	v2 =	vadd.s32 v2, v5  }
.Ltmp9:
0x291: {  	v3 =	vsel vm0, v4, v3;
	vm0 =	vgt.s32 v2, $0x493DF;
	v4 =	vadd.s32 $0xFFFB6C20, v2;
	(pc) =	sbr.rel @p1 .LBB2_12-.Ltmp9, $4  }
0x292: {  	vm1 =	vlt.s32 v3, $0x0;
	v5 =	vadd.s32 $0x493E0, v3;
	v2 =	vsel vm0, v4, v2  }
0x293: {  	s31 =	sadd.s32 $0x10, s31;
	v3 =	vsel vm1, v5, v3;
	vm0 =	vlt.s32 v2, $0x0;
	v4 =	vadd.s32 $0x493E0, v2  }
0x294: {  	s15 =	sadd.s32 $0x10, s15;
	[tilespmem:s31+$0x0] =	vst v3;
	v3 =	vsel vm0, v4, v2  }
0x295: {  	s21 =	sadd.s32 $0x10, s21;
	s13 =	sadd.s32 $0x10, s13;
	v2 =	vmov s26;
	[tilespmem:s15+$0x0] =	vst v3  }
0x296: {  	v3 =	vld [tilespmem:s13+$0xFFFFFFFF];
	v4 =	vor.u32 s26, v0;
	vm0 =	vgt.u32 v2, $0x18F;
	v2 =	vadd.s32 s26, v1  }
0x297: {  	v2 =	vsel vm0, v2, v4  }
0x298: {  	vm0 =	vgt.s32 v2, $0xC7;
	v4 =	vadd.s32 $0xFFFFFF38, v2  }
0x299: {  	v2 =	vsel vm0, v4, v2  }
0x29a: {  	vm0 =	veq.s32 v2, $0x0  }
0x29b: {  	v2 =	vsel vm0, $0x0, v3  }
0x29c: {  	v3 =	vcvt.s32.f32 v2;
	_ =	sdelay $0x1  }
0x29d: {  	v3 =	vmul.f32 $3.333333320e-06, v3;
	_ =	sdelay $0x1  }
0x29e: {  	v3 =	vtrunc.f32 v3  }
0x29f: {  	v3 =	vcvt.f32.s32 v3;
	_ =	sdelay $0x1  }
0x2a0: {  	v3 =	vmul.u32 $0xFFFB6C20, v3;
	_ =	sdelay $0x1  }
0x2a1: {  	v2 =	vadd.s32 v2, v3  }
0x2a2: {  	vm13 =	vgt.s32 v2, $0x493DF;
	v3 =	vadd.s32 $0xFFFB6C20, v2  }
0x2a3: {  	v61 =	vld [tilespmem:s13+$0x0];
	v2 =	vsel vm13, v3, v2  }
0x2a4: {  	vm0 =	vlt.s32 v2, $0x0;
	v3 =	vadd.s32 $0x493E0, v2  }
0x2a5: {  	v2 =	vsel vm0, v3, v2  }
0x2a6: {  	v2 =	vmul.u32 $0x1F, v2;
	_ =	sdelay $0x1  }
0x2a7: {  	v3 =	vcvt.s32.f32 v61;
	v2 =	vadd.s32 v61, v2  }
0x2a8: {  	v5 =	vcvt.s32.f32 v2  }
0x2a9: {  	v3 =	vmul.f32 $3.333333320e-06, v3  }
0x2aa: {  	v5 =	vmul.f32 $3.333333320e-06, v5  }
0x2ab: {  	v3 =	vtrunc.f32 v3  }
0x2ac: {  	v3 =	vcvt.f32.s32 v3;
	v5 =	vtrunc.f32 v5  }
0x2ad: {  	v5 =	vcvt.f32.s32 v5  }
0x2ae: {  	v3 =	vmul.u32 $0xFFFB6C20, v3  }
0x2af: {  	v5 =	vmul.u32 $0xFFFB6C20, v5  }
0x2b0: {  	v3 =	vadd.s32 v61, v3  }
0x2b1: {  	vm14 =	vgt.s32 v3, $0x493DF;
	v4 =	vadd.s32 $0xFFFB6C20, v3;
	v2 =	vadd.s32 v2, v5  }
0x2b2: {  	v3 =	vsel vm14, v4, v3;
	vm15 =	vgt.s32 v2, $0x493DF;
	v62 =	vadd.s32 $0xFFFB6C20, v2  }
0x2b3: {  	vm1 =	vlt.s32 v3, $0x0;
	v63 =	vadd.s32 $0x493E0, v3;
	v2 =	vsel vm15, v62, v2  }
0x2b4: {  	s21 =	sadd.s32 $0x10, s31;
	v3 =	vsel vm1, v63, v3;
	vm0 =	vlt.s32 v2, $0x0;
	v4 =	vadd.s32 $0x493E0, v2  }
0x2b5: {  	s26 =	sadd.s32 $0x10, s15;
	[tilespmem:s21+$0x0] =	vst v3;
	v2 =	vsel vm0, v4, v2  }
0x2b6: {  	s31 =	simm.s32 $0x1A0;
	[tilespmem:s26+$0x0] =	vst v2  }
0x2b7: {  	[tilespmem:s19], [sflag:$0x1] =	stream.indirect.gather [hbm4b:s6+s17], $0x40, s31, s17, $0xb8;
	[tilespmem:$0x19E20] =	vst v63  }
0x2b8: {  	s15 =	simm.s32 $0x1F0;
	s21 =	simm.s32 $0x18C0  }
0x2b9: {  	[tilespmem:s21], [sflag:$0x1] =	stream.indirect.gather [hbm4b:s6+s17], $0x40, s15, s17, $0xb8;
	[tilespmem:$0x19E20] =	vst v63  }
0x2ba: {  	s26 =	simm.s32 $0x240;
	s31 =	simm.s32 $0x2CC0  }
0x2bb: {  	[tilespmem:s31], [sflag:$0x1] =	stream.indirect.gather [hbm4b:s6+s17], $0x40, s26, s17, $0xb8;
	[tilespmem:$0x19E20] =	vst v63  }
0x2bc: {  	s15 =	simm.s32 $0x290;
	s21 =	simm.s32 $0x40C0  }
0x2bd: {  	[tilespmem:s21], [sflag:$0x1] =	stream.indirect.gather [hbm4b:s6+s17], $0x40, s15, s17, $0xb8;
	[tilespmem:$0x19E20] =	vst v63  }
0x2be: {  	s26 =	simm.s32 $0x2E0;
	s31 =	simm.s32 $0x54C0  }
0x2bf: {  	[tilespmem:s31], [sflag:$0x1] =	stream.indirect.gather [hbm4b:s6+s17], $0x40, s26, s17, $0xb8;
	[tilespmem:$0x19E20] =	vst v63  }
.LBB2_14:
0x2c0: {  	_ =	swait.ge [sflag:s9], $0x1400  }
0x2c1: {  	[sflag:s9] =	ssyncset.done $0x0  }
0x2c2: {  	[sflag:s9] =	ssyncadd.s32 $0xFFFFEC00  }
0x2c3: {  	_ =	swait.ge [sflag:s9], $0x1400  }
0x2c4: {  	[sflag:s9] =	ssyncset.done $0x0  }
0x2c5: {  	[sflag:s9] =	ssyncadd.s32 $0xFFFFEC00  }
0x2c6: {  	_ =	swait.ge [sflag:s9], $0x1400  }
0x2c7: {  	[sflag:s9] =	ssyncset.done $0x0  }
0x2c8: {  	[sflag:s9] =	ssyncadd.s32 $0xFFFFEC00  }
0x2c9: {  	_ =	swait.ge [sflag:s9], $0x1400  }
0x2ca: {  	[sflag:s9] =	ssyncset.done $0x0  }
0x2cb: {  	[sflag:s9] =	ssyncadd.s32 $0xFFFFEC00  }
0x2cc: {  	s13 =	sshll.u32 s14, $0x3;
	_ =	swait.ge [sflag:s9], $0x1400  }
0x2cd: {  	s13 =	sand.u32 $0x1FFFFF00, s13;
	[sflag:s9] =	ssyncset.done $0x0  }
0x2ce: {  	s13 =	sadd.s32 s2, s13;
	[sflag:s9] =	ssyncadd.s32 $0xFFFFEC00  }
0x2cf: {  	[hbm4b:s13+s3] =	stream.linear.scatter [tilespmem:s18], [sflag:$0x9], $0x6400, $0x38;
	[tilespmem:$0x19E20] =	vst v63  }
0x2d0: {  	_ =	swait.ge [sflag:s7], $0x6400  }
0x2d1: {  	[sflag:s7] =	ssyncset.done $0x0  }
0x2d2: {  	s21 =	simm.s32 $0x13890;
	[sflag:s7] =	ssyncadd.s32 $0xFFFF9C00  }
0x2d3: {  	[tilespmem:s20], [sflag:$0xB] =	stream.indirect.gather.add.f32 [hbm:s8], $0x40, s21, s17, $0xb8;
	[tilespmem:$0x19E20] =	vst v63  }
0x2d4: {  	s26 =	simm.s32 $0x14E20;
	s31 =	simm.s32 $0x138E0  }
0x2d5: {  	[tilespmem:s26], [sflag:$0xB] =	stream.indirect.gather.add.f32 [hbm:s8], $0x40, s31, s17, $0xb8;
	[tilespmem:$0x19E20] =	vst v63  }
0x2d6: {  	s15 =	simm.s32 $0x16220;
	s21 =	simm.s32 $0x13930  }
0x2d7: {  	[tilespmem:s15], [sflag:$0xB] =	stream.indirect.gather.add.f32 [hbm:s8], $0x40, s21, s17, $0xb8;
	[tilespmem:$0x19E20] =	vst v63  }
.Ltmp10:
0x2d8: {  	_ = 	snop;
	(pc) =	sbr.rel @p0 .LBB2_18-.Ltmp10, $4  }
0x2d9: {  	s26 =	simm.s32 $0x13980  }
0x2da: {  	[tilespmem:s23], [sflag:$0xB] =	stream.indirect.gather.add.f32 [hbm:s8], $0x40, s26, s17, $0xb8;
	[tilespmem:$0x19E20] =	vst v63  }
0x2db: {  	s31 =	simm.s32 $0x139D0  }
0x2dc: {  	[tilespmem:s25], [sflag:$0xB] =	stream.indirect.gather.add.f32 [hbm:s8], $0x40, s31, s17, $0xb8;
	[tilespmem:$0x19E20] =	vst v63  }
0x2dd: {  	s14 =	simm.s32 $0x6  }
0x2de: {  	_ =	swait.ge [sflag:s14], $0x6400  }
0x2df: {  	s13 =	rddreg [dreg:$0xa]  }
0x2e0: {  	s11 =	sadd.s32 s11, s13  }
0x2e1: {  	s26 =	simm.s32 $0x0;
	[sflag:s14] =	ssyncset.done $0x0;
	s11 =	sshrl.u32 s11, $0x3  }
0x2e2: {  	s31 =	simm.s32 $0x10;
	[sflag:s14] =	ssyncadd.s32 $0xFFFF9C00;
	s11 =	sadd.s32 s5, s11  }
0x2e3: {  	[tilespmem:s31], [sflag:$0xD] =	stream.linear.gather [hbm4b:s11+s26], $0x190, $0x38;
	[tilespmem:$0x19E20] =	vst v63  }
0x2e4: {  	_ =	swait.ge [sflag:s16], $0x190  }
0x2e5: {  	[sflag:s16] =	ssyncset.done $0x0  }
0x2e6: {  	v2 =	vmov s26;
	[sflag:s16] =	ssyncadd.s32 $0xFFFFFE70  }
0x2e7: {  	v4 =	vor.u32 s26, v0;
	vm0 =	vgt.u32 v2, $0x18F;
	v2 =	vadd.s32 s26, v1;
	v3 =	vld [tilespmem:s31+$0xFFFFFFFF]  }
0x2e8: {  	v2 =	vsel vm0, v2, v4  }
0x2e9: {  	vm0 =	vgt.s32 v2, $0xC7;
	v4 =	vadd.s32 $0xFFFFFF38, v2  }
0x2ea: {  	v2 =	vsel vm0, v4, v2  }
0x2eb: {  	vm0 =	veq.s32 v2, $0x0  }
0x2ec: {  	v2 =	vsel vm0, $0x0, v3  }
0x2ed: {  	v3 =	vcvt.s32.f32 v2;
	_ =	sdelay $0x1  }
0x2ee: {  	v3 =	vmul.f32 $3.333333320e-06, v3;
	_ =	sdelay $0x1  }
0x2ef: {  	v3 =	vtrunc.f32 v3  }
0x2f0: {  	v3 =	vcvt.f32.s32 v3;
	_ =	sdelay $0x1  }
0x2f1: {  	v3 =	vmul.u32 $0xFFFB6C20, v3;
	_ =	sdelay $0x1  }
0x2f2: {  	v2 =	vadd.s32 v2, v3  }
0x2f3: {  	vm13 =	vgt.s32 v2, $0x493DF;
	v3 =	vadd.s32 $0xFFFB6C20, v2  }
0x2f4: {  	v61 =	vld [tilespmem:s31+$0x0];
	v2 =	vsel vm13, v3, v2  }
0x2f5: {  	vm0 =	vlt.s32 v2, $0x0;
	v3 =	vadd.s32 $0x493E0, v2  }
0x2f6: {  	v2 =	vsel vm0, v3, v2  }
0x2f7: {  	v2 =	vmul.u32 $0x1F, v2;
	_ =	sdelay $0x1  }
0x2f8: {  	v3 =	vcvt.s32.f32 v61;
	v2 =	vadd.s32 v61, v2  }
0x2f9: {  	v5 =	vcvt.s32.f32 v2  }
0x2fa: {  	v3 =	vmul.f32 $3.333333320e-06, v3  }
0x2fb: {  	v5 =	vmul.f32 $3.333333320e-06, v5  }
0x2fc: {  	v3 =	vtrunc.f32 v3  }
0x2fd: {  	v3 =	vcvt.f32.s32 v3;
	v5 =	vtrunc.f32 v5  }
0x2fe: {  	v5 =	vcvt.f32.s32 v5  }
0x2ff: {  	v3 =	vmul.u32 $0xFFFB6C20, v3  }
0x300: {  	v5 =	vmul.u32 $0xFFFB6C20, v5  }
0x301: {  	v3 =	vadd.s32 v61, v3  }
0x302: {  	vm14 =	vgt.s32 v3, $0x493DF;
	v4 =	vadd.s32 $0xFFFB6C20, v3;
	v2 =	vadd.s32 v2, v5  }
0x303: {  	v3 =	vsel vm14, v4, v3;
	vm15 =	vgt.s32 v2, $0x493DF;
	v62 =	vadd.s32 $0xFFFB6C20, v2  }
0x304: {  	vm1 =	vlt.s32 v3, $0x0;
	v63 =	vadd.s32 $0x493E0, v3;
	v2 =	vsel vm15, v62, v2  }
0x305: {  	s11 =	simm.s32 $0x68C0;
	v3 =	vsel vm1, v63, v3;
	vm0 =	vlt.s32 v2, $0x0;
	v4 =	vadd.s32 $0x493E0, v2  }
0x306: {  	s15 =	simm.s32 $0x10;
	s14 =	simm.s32 $0x6A50;
	[tilespmem:s11+$0x0] =	vst v3;
	v3 =	vsel vm0, v4, v2  }
0x307: {  	s21 =	simm.s32 $0x20;
	s13 =	simm.s32 $0x20;
	v2 =	vmov s15;
	[tilespmem:s14+$0x0] =	vst v3  }
.LBB2_16:
0x308: {  	p0 =	sne.s32 s21, $0x180;
	v3 =	vld [tilespmem:s13+$0xFFFFFFFF];
	v4 =	vor.u32 s15, v0;
	vm0 =	vgt.u32 v2, $0x18F;
	v2 =	vadd.s32 s15, v1;
	s15 =	smov.u32 s21  }
0x309: {  	v2 =	vsel vm0, v2, v4  }
0x30a: {  	vm0 =	vgt.s32 v2, $0xC7;
	v4 =	vadd.s32 $0xFFFFFF38, v2  }
0x30b: {  	v2 =	vsel vm0, v4, v2  }
0x30c: {  	vm0 =	veq.s32 v2, $0x0  }
0x30d: {  	v2 =	vsel vm0, $0x0, v3  }
0x30e: {  	v3 =	vcvt.s32.f32 v2;
	_ =	sdelay $0x1  }
0x30f: {  	v3 =	vmul.f32 $3.333333320e-06, v3;
	_ =	sdelay $0x1  }
0x310: {  	v3 =	vtrunc.f32 v3  }
0x311: {  	v3 =	vcvt.f32.s32 v3;
	_ =	sdelay $0x1  }
0x312: {  	v3 =	vmul.u32 $0xFFFB6C20, v3;
	_ =	sdelay $0x1  }
0x313: {  	v2 =	vadd.s32 v2, v3  }
0x314: {  	vm0 =	vgt.s32 v2, $0x493DF;
	v3 =	vadd.s32 $0xFFFB6C20, v2  }
0x315: {  	v4 =	vld [tilespmem:s13+$0x0];
	v2 =	vsel vm0, v3, v2  }
0x316: {  	vm0 =	vlt.s32 v2, $0x0;
	v3 =	vadd.s32 $0x493E0, v2  }
0x317: {  	v2 =	vsel vm0, v3, v2  }
0x318: {  	v2 =	vmul.u32 $0x1F, v2;
	_ =	sdelay $0x1  }
0x319: {  	v3 =	vcvt.s32.f32 v4;
	v2 =	vadd.s32 v4, v2  }
0x31a: {  	v5 =	vcvt.s32.f32 v2  }
0x31b: {  	v3 =	vmul.f32 $3.333333320e-06, v3  }
0x31c: {  	v5 =	vmul.f32 $3.333333320e-06, v5  }
0x31d: {  	v3 =	vtrunc.f32 v3  }
0x31e: {  	v3 =	vcvt.f32.s32 v3;
	v5 =	vtrunc.f32 v5  }
0x31f: {  	v5 =	vcvt.f32.s32 v5  }
0x320: {  	v3 =	vmul.u32 $0xFFFB6C20, v3  }
0x321: {  	v5 =	vmul.u32 $0xFFFB6C20, v5  }
0x322: {  	v3 =	vadd.s32 v4, v3  }
0x323: {  	vm0 =	vgt.s32 v3, $0x493DF;
	v4 =	vadd.s32 $0xFFFB6C20, v3;
	v2 =	vadd.s32 v2, v5  }
.Ltmp11:
0x324: {  	v3 =	vsel vm0, v4, v3;
	vm0 =	vgt.s32 v2, $0x493DF;
	v4 =	vadd.s32 $0xFFFB6C20, v2;
	(pc) =	sbr.rel @p0 .LBB2_16-.Ltmp11, $4  }
0x325: {  	vm1 =	vlt.s32 v3, $0x0;
	v5 =	vadd.s32 $0x493E0, v3;
	v2 =	vsel vm0, v4, v2  }
0x326: {  	s11 =	sadd.s32 $0x10, s11;
	v3 =	vsel vm1, v5, v3;
	vm0 =	vlt.s32 v2, $0x0;
	v4 =	vadd.s32 $0x493E0, v2  }
0x327: {  	s14 =	sadd.s32 $0x10, s14;
	[tilespmem:s11+$0x0] =	vst v3;
	v3 =	vsel vm0, v4, v2  }
0x328: {  	s21 =	sadd.s32 $0x10, s21;
	s13 =	sadd.s32 $0x10, s13;
	v2 =	vmov s15;
	[tilespmem:s14+$0x0] =	vst v3  }
0x329: {  	v3 =	vld [tilespmem:s13+$0xFFFFFFFF];
	v4 =	vor.u32 s15, v0;
	vm0 =	vgt.u32 v2, $0x18F;
	v2 =	vadd.s32 s15, v1  }
0x32a: {  	v2 =	vsel vm0, v2, v4  }
0x32b: {  	vm0 =	vgt.s32 v2, $0xC7;
	v4 =	vadd.s32 $0xFFFFFF38, v2  }
0x32c: {  	v2 =	vsel vm0, v4, v2  }
0x32d: {  	vm0 =	veq.s32 v2, $0x0  }
0x32e: {  	v2 =	vsel vm0, $0x0, v3  }
0x32f: {  	v3 =	vcvt.s32.f32 v2;
	_ =	sdelay $0x1  }
0x330: {  	v3 =	vmul.f32 $3.333333320e-06, v3;
	_ =	sdelay $0x1  }
0x331: {  	v3 =	vtrunc.f32 v3  }
0x332: {  	v3 =	vcvt.f32.s32 v3;
	_ =	sdelay $0x1  }
0x333: {  	v3 =	vmul.u32 $0xFFFB6C20, v3;
	_ =	sdelay $0x1  }
0x334: {  	v2 =	vadd.s32 v2, v3  }
0x335: {  	vm13 =	vgt.s32 v2, $0x493DF;
	v3 =	vadd.s32 $0xFFFB6C20, v2  }
0x336: {  	v61 =	vld [tilespmem:s13+$0x0];
	v2 =	vsel vm13, v3, v2  }
0x337: {  	vm0 =	vlt.s32 v2, $0x0;
	v3 =	vadd.s32 $0x493E0, v2  }
0x338: {  	v2 =	vsel vm0, v3, v2  }
0x339: {  	v2 =	vmul.u32 $0x1F, v2;
	_ =	sdelay $0x1  }
0x33a: {  	v3 =	vcvt.s32.f32 v61;
	v2 =	vadd.s32 v61, v2  }
0x33b: {  	v5 =	vcvt.s32.f32 v2  }
0x33c: {  	v3 =	vmul.f32 $3.333333320e-06, v3  }
0x33d: {  	v5 =	vmul.f32 $3.333333320e-06, v5  }
0x33e: {  	v3 =	vtrunc.f32 v3  }
0x33f: {  	v3 =	vcvt.f32.s32 v3;
	v5 =	vtrunc.f32 v5  }
0x340: {  	v5 =	vcvt.f32.s32 v5  }
0x341: {  	v3 =	vmul.u32 $0xFFFB6C20, v3  }
0x342: {  	v5 =	vmul.u32 $0xFFFB6C20, v5  }
0x343: {  	v3 =	vadd.s32 v61, v3  }
0x344: {  	vm14 =	vgt.s32 v3, $0x493DF;
	v4 =	vadd.s32 $0xFFFB6C20, v3;
	v2 =	vadd.s32 v2, v5  }
0x345: {  	v3 =	vsel vm14, v4, v3;
	vm15 =	vgt.s32 v2, $0x493DF;
	v62 =	vadd.s32 $0xFFFB6C20, v2  }
0x346: {  	vm1 =	vlt.s32 v3, $0x0;
	v63 =	vadd.s32 $0x493E0, v3;
	v2 =	vsel vm15, v62, v2  }
0x347: {  	s11 =	sadd.s32 $0x10, s11;
	v3 =	vsel vm1, v63, v3;
	vm0 =	vlt.s32 v2, $0x0;
	v4 =	vadd.s32 $0x493E0, v2  }
0x348: {  	s15 =	sadd.s32 $0x10, s14;
	[tilespmem:s11+$0x0] =	vst v3;
	v2 =	vsel vm0, v4, v2  }
0x349: {  	s21 =	simm.s32 $0x68C0;
	[tilespmem:s15+$0x0] =	vst v2  }
0x34a: {  	[tilespmem:s30], [sflag:$0x4] =	stream.indirect.gather [hbm4b:s6+s17], $0x40, s21, s17, $0xb8;
	[tilespmem:$0x19E20] =	vst v63  }
0x34b: {  	s26 =	simm.s32 $0x6910;
	s31 =	simm.s32 $0x7FE0  }
0x34c: {  	[tilespmem:s31], [sflag:$0x4] =	stream.indirect.gather [hbm4b:s6+s17], $0x40, s26, s17, $0xb8;
	[tilespmem:$0x19E20] =	vst v63  }
0x34d: {  	s13 =	simm.s32 $0x6960;
	s14 =	simm.s32 $0x93E0  }
0x34e: {  	[tilespmem:s14], [sflag:$0x4] =	stream.indirect.gather [hbm4b:s6+s17], $0x40, s13, s17, $0xb8;
	[tilespmem:$0x19E20] =	vst v63  }
.Ltmp12:
0x34f: {  	_ = 	snop;
	(pc) =	sbr.rel .LBB2_18-.Ltmp12, $4  }
0x350: {  	s15 =	simm.s32 $0x69B0;
	s21 =	simm.s32 $0xA7E0  }
0x351: {  	[tilespmem:s21], [sflag:$0x4] =	stream.indirect.gather [hbm4b:s6+s17], $0x40, s15, s17, $0xb8;
	[tilespmem:$0x19E20] =	vst v63  }
0x352: {  	s26 =	simm.s32 $0x6A00;
	s31 =	simm.s32 $0xBBE0  }
0x353: {  	[tilespmem:s31], [sflag:$0x4] =	stream.indirect.gather [hbm4b:s6+s17], $0x40, s26, s17, $0xb8;
	[tilespmem:$0x19E20] =	vst v63  }
.LBB2_20:
0x354: {  	_ =	sfence.sel $0x180000  }
0x355: {  	[bflag:$0x0] =	sbarrier.arrive $0xFFFF  }
0x356: {  	_ =	strace $0x90000047  }
0x357: {  	s0 =	stileid.u32;
	[bflag:$0x2] =	sbarrier.arrive $0xFFFF  }
0x358: {  	p0 =	sne.s32 s0, $0x0;
	s0 =	rddreg [dreg:$0x2]  }
0x359: {  	s0 =	sadd.s32 @!p0 $0x100000, s0  }
0x35a: {  	[sflag:s0] =	ssyncadd.tile.s32 @!p0 $0x1;
	_ =	shalt  }
.Lfunc_end2:
_tile_overlayer_lowered:
.L_overlay_start_2:
0x35b: {  	(tag) =	ssettag $0x2  }
0x35c: {  	s0 =	rddreg [dreg:$0x0];
	s2 =	stileid.u32  }
0x35d: {  	s1 =	rddreg [dreg:$0x1];
	p0 =	sne.s32 s2, $0x0  }
0x35e: {  	s3 =	rddreg [dreg:$0x2];
	[bflag:$0x3] =	sbarrier.arrive $0xFFFF;
	s2 =	simm.s32 @!p0 $0x1C0D  }
0x35f: {  	[timem:s3], [sflag:s2] =	dma.local @!p0 [hbm:s0], s1  }
0x360: {  	s0 =	simm.s32 @!p0 $0xD  }
0x361: {  	_ =	swait.ge @!p0 [sflag:s0], s1  }
0x362: {  	s1 =	ssub.s32 @!p0 $0x0, s1;
	[sflag:s0] =	ssyncset.done @!p0 $0x0  }
0x363: {  	[sflag:s0] =	ssyncadd.s32 @!p0 s1  }
0x364: {  	[bflag:$0x3] =	sbarrier.arrive $0xFFFF  }
0x365: {  	_ =	shalt  }

// kernel: sparse-core-data-format-call.cloned.1.call-start
scs
called_computation_lowered:
.L_overlay_start_0:
0x0: {  	s2 =	sld [smem:$0x3FD9]  }
0x1: {  	s3 =	sld [smem:$0x3FFE];
	_ =	sdelay $0x1  }
0x2: {  	s1 =	srdreg.scid  }
0x3: {  	s0 =	sand.u32 $0x1, s1  }
0x4: {  	s18 =	sshll.u32 s0, $0xA;
	s2 =	sadd.s32 s3, s2  }
0x5: {  	s2 =	sadd.s32 s2, s18  }
0x6: {  	[smem:$0x3FC5] =	sst s2  }
0x7: {  	_ = 	snop  }
0x8: {  	s2 =	sld [smem:$0x3FD0];
	(tm) =	ssettm $0x1  }
0x9: {  	s19 =	sld [smem:$0x3FFB];
	_ =	sdelay $0x3  }
0xa: {  	_ =	strace s19  }
0xb: {  	s3 =	sld [smem:$0x3FFC];
	_ =	sdelay $0x3  }
0xc: {  	_ =	strace s3  }
0xd: {  	s3 =	sld [smem:$0x3FFD];
	_ =	sdelay $0x3  }
0xe: {  	_ =	strace s3  }
0xf: {  	_ =	strace $0x8FFFFFFF  }
0x10: {  	s20 =	sld [smem:$0x3FDB];
	_ =	sdelay $0x1  }
0x11: {  	s4 =	simm.s32 $_scs_section_size  }
0x12: {  	s5 =	simm.s32 $_size__tile_overlayer_lowered;
	s6 =	simm.s32 $_tile_overlayer_lowered  }
0x13: {  	s23 =	simm.s32 $0x1BFF;
	s22 =	sshll.u32 s6, $0x1;
	s3 =	sadd.s32 s4, s20  }
0x14: {  	s7 =	simm.s32 $0x0;
	s21 =	sshll.u32 s5, $0x1;
	s5 =	sadd.s32 s22, s3  }
0x15: {  	[timem:s7], [sflag:s23] =	dma.local [hbm:s5], s21  }
0x16: {  	_ =	swait.ge [sflag:s23], s21  }
0x17: {  	s4 =	ssub.s32 $0x0, s21;
	[sflag:s23] =	ssyncset.done $0x0  }
0x18: {  	[sflag:s23] =	ssyncadd.s32 s4;
	_ =	sdelay $0x1  }
0x19: {  	s24 =	simm.s32 $0x1B8B  }
0x1a: {  	_ =	swait.ge [sflag:s24], $0x1  }
0x1b: {  	[sflag:s24] =	ssyncset.done $0x0  }
0x1c: {  	s26 =	simm.s32 $0x1B8E;
	s25 =	sld [smem:$0x3FFE];
	[sflag:s24] =	ssyncadd.s32 $0xFFFFFFFF  }
0x1d: {  	s27 =	simm.s32 $execute0_lowered;
	[smem:$0x3FD2] =	sst s26  }
0x1e: {  	s5 =	sshll.u32 s27, $0x1;
	_ =	strace $0x80000049;
	[dreg:$0x1] =	wrdreg $0xFFFFFFFF  }
0x1f: {  	s28 =	simm.s32 $_size_execute0_lowered;
	s3 =	sadd.s32 s3, s5;
	[dreg:$0x0] =	wrdreg $0x0  }
0x20: {  	s5 =	sshll.u32 s28, $0x1;
	[dreg:$0x2] =	wrdreg s3  }
0x21: {  	[dreg:$0x3] =	wrdreg s5  }
0x22: {  	[dreg:$0x4] =	wrdreg $0xC0  }
0x23: {  	_ =	task [dreg:s7], $0x5FFFF  }
0x24: {  	[dreg:$0x1] =	wrdreg $0xFFFFFFFF  }
0x25: {  	[dreg:$0x0] =	wrdreg $0x60  }
0x26: {  	[dreg:$0x2] =	wrdreg s25  }
0x27: {  	[dreg:$0x3] =	wrdreg s2  }
0x28: {  	[dreg:$0x4] =	wrdreg $0x9  }
0x29: {  	_ =	task.clear_ibuf [dreg:s7], $0x5FFFF;
	_ =	strace $0x90000049  }
0x2a: {  	s29 =	simm.s32 $0x9;
	_ =	strace $0x8000004B  }
0x2b: {  	_ =	swait.ge [sflag:s29], $0x1  }
0x2c: {  	[sflag:s29] =	ssyncadd.s32 $0xFFFFFFFF  }
0x2d: {  	_ =	strace $0x9000004B  }
0x2e: {  	_ =	sfence  }
0x2f: {  	s30 =	sld [smem:$0x0];
	_ =	sdelay $0x2  }
0x30: {  	s31 =	sshll.u32 s1, $0xD;
	s1 =	sshrl.u32 s1, $0x2  }
0x31: {  	s3 =	sand.u32 $0x4000, s31;
	s1 =	sadd.s32 s1, s30  }
0x32: {  	s0 =	sor.u32 s3, s0;
	s1 =	sshll.u32 s1, $0x11  }
0x33: {  	s0 =	sor.u32 s1, s0  }
0x34: {  	s0 =	sadd.s32 $0x8F2B, s0  }
0x35: {  	[sflag:s0] =	ssyncadd.remote.s32 $0x1  }
0x36: {  	_ =	sfence.sel $0xFFFF  }
0x37: {  	[dreg:$0x0] =	wrdreg $0xFFFFFFFF;
	(pc) =	sbr.abs _section_cstart, $3  }
0x38: {  	[dreg:$0x1] =	wrdreg $0xFFFFFFFF  }
0x39: {  	_ =	task.clear_ibuf [dreg:s7], $0x2FFFF;
	_ =	strace $0x9FFFFFFF  }
0x3a: {  	(tm) =	ssettm $0x7FFFFFFF  }
0x3b: {  	_ =	shalt  }
tec
execute0_lowered:
.L_overlay_start_1:
0x0: {  	(tag) =	ssettag $0x1  }
0x1: {  	s0 =	srdreg.scid  }
0x2: {  	s1 =	sshll.u32 s0, $0x4  }
0x3: {  	s0 =	stileid.u32;
	s1 =	sand.u32 $0x10, s1  }
0x4: {  	s1 =	sor.u32 s0, s1  }
0x5: {  	s6 =	rddreg [dreg:$0x0];
	s4 =	simm.s32 $0x1;
	s2 =	sshll.u32 s1, $0x7  }
0x6: {  	s7 =	simm.s32 $0x2;
	s12 =	simm.s32 $0x0;
	s1 =	ssub.s32 $0x1000, s2  }
0x7: {  	s8 =	simm.s32 $0x8000;
	s13 =	simm.s32 $0x0;
	s3 =	sand.u32 $0xF80, s1  }
0x8: {  	s9 =	simm.s32 $0x0;
	s5 =	sshrl.u32 s1, $0xC;
	p0 =	sne.s32 s3, $0x0  }
.Ltmp0:
0x9: {  	s1 =	rddreg [dreg:$0x2];
	s4 =	simm.s32 @!p0 $0x0;
	(pc) =	sbr.rel .LBB1_1-.Ltmp0, $4  }
0xa: {  	s11 =	simm.s32 $0x0;
	s3 =	rddreg [dreg:$0x1];
	s5 =	sadd.s32 s4, s5  }
0xb: {  	_ =	strace $0x8000004A;
	s4 =	simm.s32 $0x1;
	s5 =	smul.u32 $0xC8, s5  }
0xc: {  	s6 =	sadd.s32 $0x800, s6;
	s10 =	smov.u32 s2;
	[sflag:s4] =	ssyncpa.u1 $0x0  }
0xd: {  	p0 =	por $0x0, $0x0;
	[sflag:s7] =	ssyncpa.u1 $0x0;
	s7 =	sor.u32 $0x1, s5  }
.LBB1_4:
0xe: {  	s16 =	sshll.u32 s13, $0x3;
	s17 =	sand.u32 $0x78, s13  }
0xf: {  	s30 =	sand.u32 $0x7E00, s13;
	s12 =	sshll.u32 s12, $0xF;
	s16 =	sand.u32 $0xC00, s16  }
0x10: {  	[tilespmem:s15+$0x810 ss:$0x81] =	vst.msk $0xffff, v2;
	s31 =	sand.u32 $0x7, s13;
	s16 =	sor.u32 s17, s16;
	s17 =	sadd.s32 s3, s30  }
0x11: {  	[tilespmem:s15+$0x1020 ss:$0x81] =	vst.msk $0xffff, v0;
	s13 =	sshll.u32 s31, $0x12;
	s12 =	sadd.s32 s12, s17;
	s16 =	sshrl.u32 s16, $0x3  }
0x12: {  	[tilespmem:s15+$0x0 ss:$0x81] =	vst.msk $0xffff, v1;
	s13 =	sor.u32 $0x400, s13;
	s12 =	sadd.s32 s16, s12  }
0x13: {  	[hbm4b:s12+s13] =	stream.strided.scatter [tilespmem:s14], [sflag:$0x2], $0x2000, s8, s13, $0x20;
	[tilespmem:$0x8080] =	vst v63  }
.LBB1_5:
0x14: {  	s14 =	sadd.s32 $0x1, s9  }
0x15: {  	s12 =	sadd.s32 $0x1000, s10;
	s16 =	smov.u32 s10;
	p2 =	sgt.s32 s14, $0xC7  }
0x16: {  	s16 =	smov.u32 @p2 s12  }
0x17: {  	s14 =	simm.s32 @p2 $0x0;
	p2 =	sgt.s32 s16, $0xFFF  }
0x18: {  	s16 =	smov.u32 @p2 s2;
	p2 =	sne.s32 s11, s7  }
.Ltmp1:
0x19: {  	p1 =	slt.u32 s11, $0x2;
	(pc) =	sbr.rel @!p2 .LBB1_6-.Ltmp1, $4  }
0x1a: {  	s15 =	simm.s32 @!p1 $0x2  }
0x1b: {  	s13 =	smov.u32 s10;
	p0 =	por !p0, !p0;
	_ =	swait.ge @!p1 [sflag:s15], $0x2000  }
0x1c: {  	s12 =	smov.u32 s9;
	[sflag:s15] =	ssyncset.done @!p1 $0x0;
	s9 =	smov.u32 s14  }
0x1d: {  	s11 =	sadd.s32 $0x1, s11;
	[sflag:s15] =	ssyncadd.s32 @!p1 $0xFFFFE000;
	s10 =	smov.u32 s16  }
.LBB1_1:
0x1e: {  	p1 =	sge.u32 s11, s5  }
0x1f: {  	s14 =	sand.u32 @!p1 $0x1FFFFFF, s9  }
0x20: {  	s15 =	smulhi.u32 @!p1 $0x147AE15, s14;
	_ =	sdelay $0x1  }
0x21: {  	s15 =	smul.u32 @!p1 $0xC8, s15  }
0x22: {  	s16 =	sxor.u32 @!p1 $0xFFFFFFFF, s11;
	s17 =	smul.u32 @!p1 $0xC80, s10  }
0x23: {  	s31 =	sadd.s32 $0xFFFFFFFF, s11;
	s16 =	sshll.u32 @!p1 s16, $0xD;
	s14 =	ssub.s32 @!p1 s14, s15  }
0x24: {  	s15 =	sand.u32 @!p1 $0x2000, s16;
	s16 =	sadd.s32 @!p1 s6, s17;
	s14 =	sshll.u32 @!p1 s14, $0x4  }
0x25: {  	s17 =	simm.s32 @!p1 $0x6400;
	s14 =	sadd.s32 @!p1 s14, s16;
	s16 =	simm.s32 @!p1 $0x40  }
0x26: {  	[tilespmem:s15], [sflag:$0x1] =	stream.strided.gather @!p1 [hbm4b:s14+s16], $0x2000, s17, s16, $0x38;
	[tilespmem:$0x8080] =	vst v63  }
0x27: {  	p1 =	sge.u32 s31, s5  }
.Ltmp2:
0x28: {  	_ = 	snop;
	(pc) =	sbr.rel @p1 .LBB1_5-.Ltmp2, $1  }
0x29: {  	_ =	sdelay $0x3  }
0x2a: {  	s14 =	simm.s32 $0x1  }
0x2b: {  	_ =	swait.ge [sflag:s4], $0x2000;
	s14 =	simm.s32 @!p0 $0x0  }
0x2c: {  	[sflag:s4] =	ssyncset.done $0x0;
	s15 =	sshll.u32 s14, $0xD  }
0x2d: {  	[sflag:s4] =	ssyncadd.s32 $0xFFFFE000;
	s18 =	sor.u32 $0x20, s15  }
0x2e: {  	s14 =	smul.u32 $0x8100, s14;
	v3 =	vld [tilespmem:s18+$0x10]  }
0x2f: {  	s30 =	sand.u32 $0x1, s11;
	v2 =	vld [tilespmem:s18+$0xFFFFFFF0]  }
0x30: {  	s15 =	smul.u32 $0x8100, s30;
	s14 =	sshrl.u32 s14, $0x2;
	v0 =	vld [tilespmem:s18+$0x0]  }
0x31: {  	v1 =	vld [tilespmem:s18+$0xFFFFFFE0];
	s16 =	sor.u32 $0x4000, s14  }
0x32: {  	s31 =	sshrl.u32 s15, $0x2;
	s15 =	sadd.s32 $0x0, s16  }
0x33: {  	s17 =	simm.s32 $0x4;
	s18 =	sadd.s32 $0x40, s18;
	s14 =	sor.u32 $0x4000, s31;
	[tilespmem:s15+$0x1830 ss:$0x81] =	vst.msk $0xffff, v3  }
.LBB1_3:
0x34: {  	v3 =	vld [tilespmem:s18+$0x10];
	p1 =	sne.s32 s17, $0x1FC;
	[tilespmem:s15+$0x810 ss:$0x81] =	vst.msk $0xffff, v2;
	s19 =	smov.u32 s17;
	s17 =	sadd.s32 $0x4, s17  }
.Ltmp3:
0x35: {  	v2 =	vld [tilespmem:s18+$0xFFFFFFF0];
	[tilespmem:s15+$0x1020 ss:$0x81] =	vst.msk $0xffff, v0;
	(pc) =	sbr.rel @p1 .LBB1_3-.Ltmp3, $4  }
0x36: {  	v0 =	vld [tilespmem:s18+$0x0];
	[tilespmem:s15+$0x0 ss:$0x81] =	vst.msk $0xffff, v1  }
0x37: {  	s15 =	sshra.s32 s19, $0x2;
	v1 =	vld [tilespmem:s18+$0xFFFFFFE0]  }
0x38: {  	s15 =	sadd.s32 s15, s16  }
0x39: {  	s18 =	sadd.s32 $0x40, s18;
	[tilespmem:s15+$0x1830 ss:$0x81] =	vst.msk $0xffff, v3  }
.Ltmp4:
0x3a: {  	_ = 	snop;
	(pc) =	sbr.rel .LBB1_4-.Ltmp4, $1  }
0x3b: {  	_ =	sdelay $0x3  }
.LBB1_6:
0x3c: {  	_ =	sfence.sel $0x180000  }
0x3d: {  	s2 =	simm.s32 $0x1;
	[bflag:$0x0] =	sbarrier.arrive $0xFFFF  }
0x3e: {  	s31 =	simm.s32 $0x2;
	[sflag:s2] =	ssyncpa.u1 $0x1  }
0x3f: {  	[sflag:s31] =	ssyncpa.u1 $0x1  }
0x40: {  	p0 =	sne.s32 s0, $0x0;
	_ =	strace $0x9000004A  }
0x41: {  	s0 =	sadd.s32 @!p0 $0x100000, s1;
	[bflag:$0x2] =	sbarrier.arrive $0xFFFF  }
0x42: {  	[sflag:s0] =	ssyncadd.tile.s32 @!p0 $0x1;
	_ =	shalt  }
.Lfunc_end1:
_tile_overlayer_lowered:
.L_overlay_start_2:
0x43: {  	(tag) =	ssettag $0x2  }
0x44: {  	s0 =	rddreg [dreg:$0x0];
	s2 =	stileid.u32  }
0x45: {  	s1 =	rddreg [dreg:$0x1];
	p0 =	sne.s32 s2, $0x0  }
0x46: {  	s3 =	rddreg [dreg:$0x2];
	[bflag:$0x3] =	sbarrier.arrive $0xFFFF;
	s2 =	simm.s32 @!p0 $0x1C01  }
0x47: {  	[timem:s3], [sflag:s2] =	dma.local @!p0 [hbm:s0], s1  }
0x48: {  	s0 =	simm.s32 @!p0 $0x1  }
0x49: {  	_ =	swait.ge @!p0 [sflag:s0], s1  }
0x4a: {  	s1 =	ssub.s32 @!p0 $0x0, s1;
	[sflag:s0] =	ssyncset.done @!p0 $0x0  }
0x4b: {  	[sflag:s0] =	ssyncadd.s32 @!p0 s1  }
0x4c: {  	[bflag:$0x3] =	sbarrier.arrive $0xFFFF  }
0x4d: {  	_ =	shalt  }

</sc_bundles>
